<compile_context>
chip_gen: v7x
topology: tpu7x:2x2x1
jax: 0.10.2.dev20260603
libtpu: 0.0.44.dev20260713+nightly
codegen_flags: <defaults>
</compile_context>

<pallas_src>
import jax
import jax.numpy as jnp
from jax import lax
from jax.experimental import pallas as pl
from jax.experimental.pallas import tpu as pltpu
from jax.experimental.pallas import tpu_sc as plsc

VOCAB = 100000
DIM = 128
L = 20
B = 4096
S = 1024

NC = 2
NS = 16
NW = NC * NS
B_PER_W = B // NW
S_PER_W = S // NW
CH = 16
NCHUNK = B_PER_W // CH
ROWS = CH * L
PIECES = ((0, 320),)


def _sc_body(xt_hbm, samp_hbm, emb_hbm, wt_hbm,
             s_hbm, colst_hbm,
             idx_v, gbuf0_v, gbuf1_v, sbuf0_v, sbuf1_v, sidx_v, cbuf_v,
             sem0, sem1, csem, wsem0, wsem1):
    wid = lax.axis_index("s") * NC + lax.axis_index("c")
    base = wid * B_PER_W

    pltpu.sync_copy(xt_hbm.at[pl.ds(base * L, B_PER_W * L)], idx_v)

    def fire(ch, gbuf, sem):
        for (o, n) in PIECES:
            pltpu.async_copy(
                emb_hbm.at[idx_v.at[pl.ds(ch * ROWS + o, n)]],
                gbuf.at[pl.ds(o, n)], sem)

    def drain_gather(gbuf, sem):
        pltpu.make_async_copy(emb_hbm.at[pl.ds(0, ROWS)], gbuf, sem).wait()

    def drain_write(sbuf, wsem):
        pltpu.make_async_copy(sbuf, s_hbm.at[pl.ds(0, CH)], wsem).wait()

    fire(0, gbuf0_v, sem0)

    sbase = wid * S_PER_W
    pltpu.sync_copy(samp_hbm.at[pl.ds(sbase, S_PER_W)], sidx_v)
    ccopy = pltpu.async_copy(wt_hbm.at[sidx_v], cbuf_v, csem)

    def acc_chunk(ch, gbuf, sbuf, wsem):
        def acc_elem(i, _):
            for c in range(DIM // 16):
                sl = pl.ds(c * 16, 16)
                accs = [gbuf[i * L + j, sl] for j in range(4)]
                for l in range(4, L):
                    accs[l & 3] = accs[l & 3] + gbuf[i * L + l, sl]
                sbuf[i, sl] = (accs[0] + accs[1]) + (accs[2] + accs[3])
            return 0

        lax.fori_loop(0, CH, acc_elem, 0)
        start = pl.multiple_of(base + ch * CH, CH)
        pltpu.async_copy(sbuf, s_hbm.at[pl.ds(start, CH)], wsem)

    def pair(g, _):
        even = 2 * g
        fire(even + 1, gbuf1_v, sem1)
        drain_gather(gbuf0_v, sem0)

        @pl.when(g > 0)
        def _():
            drain_write(sbuf0_v, wsem0)

        acc_chunk(even, gbuf0_v, sbuf0_v, wsem0)

        @pl.when(g < NCHUNK // 2 - 1)
        def _():
            fire(even + 2, gbuf0_v, sem0)

        drain_gather(gbuf1_v, sem1)

        @pl.when(g > 0)
        def _():
            drain_write(sbuf1_v, wsem1)

        acc_chunk(even + 1, gbuf1_v, sbuf1_v, wsem1)
        return 0

    lax.fori_loop(0, NCHUNK // 2, pair, 0)

    drain_write(sbuf0_v, wsem0)
    drain_write(sbuf1_v, wsem1)
    ccopy.wait()
    pltpu.sync_copy(cbuf_v, colst_hbm.at[pl.ds(sbase, S_PER_W)])


@jax.jit
def _sc_call(xt, samp, emb, wt):
    mesh = plsc.VectorSubcoreMesh(core_axis_name="c", subcore_axis_name="s")
    return pl.kernel(
        _sc_body,
        out_type=(
            jax.ShapeDtypeStruct((B, DIM), jnp.float32),
            jax.ShapeDtypeStruct((S, DIM), jnp.float32),
        ),
        mesh=mesh,
        scratch_types=[
            pltpu.VMEM((B_PER_W * L,), jnp.int32),
            pltpu.VMEM((ROWS, DIM), jnp.float32),
            pltpu.VMEM((ROWS, DIM), jnp.float32),
            pltpu.VMEM((CH, DIM), jnp.float32),
            pltpu.VMEM((CH, DIM), jnp.float32),
            pltpu.VMEM((S_PER_W,), jnp.int32),
            pltpu.VMEM((S_PER_W, DIM), jnp.float32),
            pltpu.SemaphoreType.DMA,
            pltpu.SemaphoreType.DMA,
            pltpu.SemaphoreType.DMA,
            pltpu.SemaphoreType.DMA,
            pltpu.SemaphoreType.DMA,
        ],
    )(xt, samp, emb, wt)


def _tc_body(s_ref, colst_ref, out_ref):
    sb = s_ref[...].astype(jnp.bfloat16)
    cb = colst_ref[...].astype(jnp.bfloat16)
    logits = jax.lax.dot_general(
        sb, cb, (((1,), (1,)), ((), ())),
        preferred_element_type=jnp.float32)
    out_ref[...] = 1.0 / (1.0 + jnp.exp(-logits))


@jax.jit
def _tc_call(s, colst):
    bt = 1024
    return pl.pallas_call(
        _tc_body,
        grid=(B // bt,),
        in_specs=[
            pl.BlockSpec((bt, DIM), lambda i: (i, 0)),
            pl.BlockSpec((S, DIM), lambda i: (0, 0)),
        ],
        out_specs=pl.BlockSpec((bt, S), lambda i: (i, 0)),
        out_shape=jax.ShapeDtypeStruct((B, S), jnp.float32),
    )(s, colst)


def kernel(x, sample, emb, W):
    xt = x.astype(jnp.int32).T.reshape(-1)
    samp = sample.astype(jnp.int32)
    wt = W.T
    s, colst = _sc_call(xt, samp, emb, wt)
    return _tc_call(s, colst)

# --- scband reference (transcript-rebuilt; emitter-appended) ---
"""Pipeline reference for scband-word2-vec-28028956573750 (READ-ONLY COPY).

The authoritative reference and input builder live on the scoring server;
editing this copy changes nothing except your own understanding.
"""

import jax, jax.numpy as jnp
import numpy as np

VOCAB = 100000
DIM = 128
L = 20
B = 4096
S = 1024

def setup_inputs(seed: int = 0) -> dict:
    key = jax.random.key(seed)
    k1, k2, k3, k4 = jax.random.split(key, 4)
    x = jax.random.randint(k1, (L, B), 0, VOCAB)
    sample = jax.random.randint(k2, (S,), 0, VOCAB)
    emb = jax.random.normal(k3, (VOCAB, DIM), dtype=jnp.float32)
    # nn.Embedding(padding_idx=1) initializes the padding row to zeros
    emb = emb.at[1].set(0.0)
    W = jax.random.normal(k4, (DIM, VOCAB), dtype=jnp.float32)
    return {"x": x, "sample": sample, "emb": emb, "W": W}

def reference(x, sample, emb, W):
    # x: int64[L, B] context word indices
    e = jnp.take(emb, x, axis=0)          # [L, B, D] embedding gather
    s = jnp.sum(e, axis=0)                # [B, D] sum over context positions (dim 0)
    cols = jnp.take(W, sample, axis=1)    # [D, S] column gather W[:, sample]
    logits = jnp.matmul(s, cols)          # [B, S]
    return jax.nn.sigmoid(logits)

if __name__ == "__main__":
    import jax
    _d = setup_inputs()
    print(jax.jit(kernel)(*tuple(_d.values())))

</pallas_src>

<mosaic_0001>
#map = affine_map<(d0, d1) -> (0)>
#map1 = affine_map<(d0, d1) -> (0, 0)>
module attributes {stable_mosaic.version = 14 : i64} {
  func.func @_sc_body(%arg0: i32, %arg1: i32, %arg2: memref<81920xi32, #tpu.memory_space<hbm>>, %arg3: memref<1024xi32, #tpu.memory_space<hbm>>, %arg4: memref<100000x128xf32, #tpu.memory_space<hbm>>, %arg5: memref<100000x128xf32, #tpu.memory_space<hbm>>, %arg6: memref<4096x128xf32, #tpu.memory_space<hbm>>, %arg7: memref<1024x128xf32, #tpu.memory_space<hbm>>, %arg8: memref<2560xi32, #tpu.memory_space<vmem>>, %arg9: memref<320x128xf32, #tpu.memory_space<vmem>>, %arg10: memref<320x128xf32, #tpu.memory_space<vmem>>, %arg11: memref<16x128xf32, #tpu.memory_space<vmem>>, %arg12: memref<16x128xf32, #tpu.memory_space<vmem>>, %arg13: memref<32xi32, #tpu.memory_space<vmem>>, %arg14: memref<32x128xf32, #tpu.memory_space<vmem>>, %arg15: memref<!tpu.dma_semaphore, #tpu.memory_space<semaphore_mem>>, %arg16: memref<!tpu.dma_semaphore, #tpu.memory_space<semaphore_mem>>, %arg17: memref<!tpu.dma_semaphore, #tpu.memory_space<semaphore_mem>>, %arg18: memref<!tpu.dma_semaphore, #tpu.memory_space<semaphore_mem>>, %arg19: memref<!tpu.dma_semaphore, #tpu.memory_space<semaphore_mem>>) attributes {dimension_semantics = [#tpu.dimension_semantics<core_parallel>, #tpu.dimension_semantics<subcore_parallel>], iteration_bounds = array<i64: 2, 16>, scalar_prefetch = 0 : i64, scratch_operands = 12 : i64, tpu.core_type = #tpu.core_type<sc_vector_subcore>, window_params = [{transform_indices = #map}, {transform_indices = #map}, {transform_indices = #map1}, {transform_indices = #map1}, {transform_indices = #map1}, {transform_indices = #map1}]} {
    %mul3A = arith.constant 2 : i32
    %mul3A_0 = arith.muli %arg1, %mul3A : i32
    %add3A = arith.addi %mul3A_0, %arg0 : i32
    %mul3A_1 = arith.constant 128 : i32
    %mul3A_2 = arith.muli %add3A, %mul3A_1 : i32
    %mul3A_3 = arith.constant 20 : i32
    %mul3A_4 = arith.muli %mul3A_2, %mul3A_3 : i32
    "tpu.region"() ({
      %run_scoped3A = tpu.sem_alloc : memref<!tpu.dma_semaphore, #tpu.memory_space<semaphore_mem>>
      %dma_start3A_37 = tpu.memref_slice %arg2[%mul3A_4] : memref<81920xi32, #tpu.memory_space<hbm>> -> memref<2560xi32, #tpu.memory_space<hbm>>
      %dma_start3A_38 = tpu.memref_slice %arg2[%mul3A_4] : memref<81920xi32, #tpu.memory_space<hbm>> -> memref<2560xi32, #tpu.memory_space<hbm>>
      tpu.enqueue_dma source(%dma_start3A_38 : memref<2560xi32, #tpu.memory_space<hbm>>) target(%arg8 : memref<2560xi32, #tpu.memory_space<vmem>>) target_semaphore(%run_scoped3A : memref<!tpu.dma_semaphore, #tpu.memory_space<semaphore_mem>>)
      %dma_wait3A_39 = tpu.memref_slice %arg2[%mul3A_4] : memref<81920xi32, #tpu.memory_space<hbm>> -> memref<2560xi32, #tpu.memory_space<hbm>>
      %dma_wait3A_40 = tpu.memref_slice %arg2[%mul3A_4] : memref<81920xi32, #tpu.memory_space<hbm>> -> memref<2560xi32, #tpu.memory_space<hbm>>
      tpu.wait_dma2 semaphore(%run_scoped3A : memref<!tpu.dma_semaphore, #tpu.memory_space<semaphore_mem>>) src(%dma_wait3A_40 : memref<2560xi32, #tpu.memory_space<hbm>>) dst(%arg8 : memref<2560xi32, #tpu.memory_space<vmem>>)
      tpu.yield
    }) : () -> ()
    %dma_start3A = arith.constant 0 : i32
    %dma_start3A_5 = arith.constant 0 : i32
    %dma_start3A_6 = tpu.memref_slice %arg9[%dma_start3A, %dma_start3A_5] : memref<320x128xf32, #tpu.memory_space<vmem>> -> memref<320x128xf32, #tpu.memory_space<vmem>>
    %dma_start3A_7 = arith.constant 0 : i32
    %dma_start3A_8 = tpu.memref_slice %arg8[%dma_start3A_7] : memref<2560xi32, #tpu.memory_space<vmem>> -> memref<320xi32, #tpu.memory_space<vmem>>
    %dma_start3A_9 = arith.constant 0 : i32
    %dma_start3A_10 = arith.constant 0 : i32
    %dma_start3A_11 = tpu.memref_slice %arg4[%dma_start3A_9, %dma_start3A_10] : memref<100000x128xf32, #tpu.memory_space<hbm>> -> memref<100000x128xf32, #tpu.memory_space<hbm>>
    tpu.enqueue_indirect_dma source(%dma_start3A_11 : memref<100000x128xf32, #tpu.memory_space<hbm>>) target(%dma_start3A_6 : memref<320x128xf32, #tpu.memory_space<vmem>>) offsets(%dma_start3A_8 : memref<320xi32, #tpu.memory_space<vmem>>) semaphore(%arg15 : memref<!tpu.dma_semaphore, #tpu.memory_space<semaphore_mem>>)
    %mul3A_12 = arith.constant 32 : i32
    %mul3A_13 = arith.muli %add3A, %mul3A_12 : i32
    "tpu.region"() ({
      %run_scoped3A = tpu.sem_alloc : memref<!tpu.dma_semaphore, #tpu.memory_space<semaphore_mem>>
      %dma_start3A_37 = tpu.memref_slice %arg3[%mul3A_13] : memref<1024xi32, #tpu.memory_space<hbm>> -> memref<32xi32, #tpu.memory_space<hbm>>
      %dma_start3A_38 = tpu.memref_slice %arg3[%mul3A_13] : memref<1024xi32, #tpu.memory_space<hbm>> -> memref<32xi32, #tpu.memory_space<hbm>>
      tpu.enqueue_dma source(%dma_start3A_38 : memref<32xi32, #tpu.memory_space<hbm>>) target(%arg13 : memref<32xi32, #tpu.memory_space<vmem>>) target_semaphore(%run_scoped3A : memref<!tpu.dma_semaphore, #tpu.memory_space<semaphore_mem>>)
      %dma_wait3A_39 = tpu.memref_slice %arg3[%mul3A_13] : memref<1024xi32, #tpu.memory_space<hbm>> -> memref<32xi32, #tpu.memory_space<hbm>>
      %dma_wait3A_40 = tpu.memref_slice %arg3[%mul3A_13] : memref<1024xi32, #tpu.memory_space<hbm>> -> memref<32xi32, #tpu.memory_space<hbm>>
      tpu.wait_dma2 semaphore(%run_scoped3A : memref<!tpu.dma_semaphore, #tpu.memory_space<semaphore_mem>>) src(%dma_wait3A_40 : memref<32xi32, #tpu.memory_space<hbm>>) dst(%arg13 : memref<32xi32, #tpu.memory_space<vmem>>)
      tpu.yield
    }) : () -> ()
    %dma_start3A_14 = arith.constant 0 : i32
    %dma_start3A_15 = arith.constant 0 : i32
    %dma_start3A_16 = tpu.memref_slice %arg5[%dma_start3A_14, %dma_start3A_15] : memref<100000x128xf32, #tpu.memory_space<hbm>> -> memref<100000x128xf32, #tpu.memory_space<hbm>>
    tpu.enqueue_indirect_dma source(%dma_start3A_16 : memref<100000x128xf32, #tpu.memory_space<hbm>>) target(%arg14 : memref<32x128xf32, #tpu.memory_space<vmem>>) offsets(%arg13 : memref<32xi32, #tpu.memory_space<vmem>>) semaphore(%arg17 : memref<!tpu.dma_semaphore, #tpu.memory_space<semaphore_mem>>)
    %scan3A = arith.constant 0 : i32
    %scan3A_17 = arith.constant 0 : i32
    %scan3A_18 = arith.constant 4 : i32
    %scan3A_19 = arith.addi %scan3A_17, %scan3A_18 : i32
    %scan3A_20 = arith.constant 1 : i32
    %scan3A_21 = scf.for %scan3A_37 = %scan3A_17 to %scan3A_19 step %scan3A_20 iter_args(%scan3A_38 = %scan3A) -> (i32)  : i32 {
      %mul3A_39 = arith.constant 2 : i32
      %mul3A_40 = arith.muli %mul3A_39, %scan3A_37 : i32
      %add3A_41 = arith.constant 1 : i32
      %add3A_42 = arith.addi %mul3A_40, %add3A_41 : i32
      %mul3A_43 = arith.constant 320 : i32
      %mul3A_44 = arith.muli %add3A_42, %mul3A_43 : i32
      %add3A_45 = arith.constant 0 : i32
      %add3A_46 = arith.addi %mul3A_44, %add3A_45 : i32
      %dma_start3A_47 = arith.constant 0 : i32
      %dma_start3A_48 = arith.constant 0 : i32
      %dma_start3A_49 = tpu.memref_slice %arg10[%dma_start3A_47, %dma_start3A_48] : memref<320x128xf32, #tpu.memory_space<vmem>> -> memref<320x128xf32, #tpu.memory_space<vmem>>
      %dma_start3A_50 = tpu.memref_slice %arg8[%add3A_46] : memref<2560xi32, #tpu.memory_space<vmem>> -> memref<320xi32, #tpu.memory_space<vmem>>
      %dma_start3A_51 = arith.constant 0 : i32
      %dma_start3A_52 = arith.constant 0 : i32
      %dma_start3A_53 = tpu.memref_slice %arg4[%dma_start3A_51, %dma_start3A_52] : memref<100000x128xf32, #tpu.memory_space<hbm>> -> memref<100000x128xf32, #tpu.memory_space<hbm>>
      tpu.enqueue_indirect_dma source(%dma_start3A_53 : memref<100000x128xf32, #tpu.memory_space<hbm>>) target(%dma_start3A_49 : memref<320x128xf32, #tpu.memory_space<vmem>>) offsets(%dma_start3A_50 : memref<320xi32, #tpu.memory_space<vmem>>) semaphore(%arg16 : memref<!tpu.dma_semaphore, #tpu.memory_space<semaphore_mem>>)
      %dma_wait3A_54 = arith.constant 0 : i32
      %dma_wait3A_55 = arith.constant 0 : i32
      %dma_wait3A_56 = tpu.memref_slice %arg4[%dma_wait3A_54, %dma_wait3A_55] : memref<100000x128xf32, #tpu.memory_space<hbm>> -> memref<320x128xf32, #tpu.memory_space<hbm>>
      %dma_wait3A_57 = arith.constant 0 : i32
      %dma_wait3A_58 = arith.constant 0 : i32
      %dma_wait3A_59 = tpu.memref_slice %arg4[%dma_wait3A_57, %dma_wait3A_58] : memref<100000x128xf32, #tpu.memory_space<hbm>> -> memref<320x128xf32, #tpu.memory_space<hbm>>
      tpu.wait_dma2 semaphore(%arg15 : memref<!tpu.dma_semaphore, #tpu.memory_space<semaphore_mem>>) src(%dma_wait3A_59 : memref<320x128xf32, #tpu.memory_space<hbm>>) dst(%arg9 : memref<320x128xf32, #tpu.memory_space<vmem>>)
      %gt3A = arith.constant 0 : i32
      %gt3A_60 = arith.cmpi sgt, %scan3A_37, %gt3A : i32
      %convert_element_type3A = arith.extui %gt3A_60 : i1 to i32
      %cond3A = arith.constant 0 : i32
      %cond3A_61 = arith.cmpi ne, %convert_element_type3A, %cond3A : i32
      scf.if %cond3A_61 {
        %dma_wait3A_109 = arith.constant 0 : i32
        %dma_wait3A_110 = arith.constant 0 : i32
        %dma_wait3A_111 = tpu.memref_slice %arg6[%dma_wait3A_109, %dma_wait3A_110] : memref<4096x128xf32, #tpu.memory_space<hbm>> -> memref<16x128xf32, #tpu.memory_space<hbm>>
        %dma_wait3A_112 = arith.constant 0 : i32
        %dma_wait3A_113 = arith.constant 0 : i32
        %dma_wait3A_114 = tpu.memref_slice %arg6[%dma_wait3A_112, %dma_wait3A_113] : memref<4096x128xf32, #tpu.memory_space<hbm>> -> memref<16x128xf32, #tpu.memory_space<hbm>>
        tpu.wait_dma2 semaphore(%arg18 : memref<!tpu.dma_semaphore, #tpu.memory_space<semaphore_mem>>) src(%arg11 : memref<16x128xf32, #tpu.memory_space<vmem>>) dst(%dma_wait3A_114 : memref<16x128xf32, #tpu.memory_space<hbm>>)
      } else {
      }
      %scan3A_62 = arith.constant 0 : i32
      %scan3A_63 = arith.constant 0 : i32
      %scan3A_64 = arith.constant 16 : i32
      %scan3A_65 = arith.addi %scan3A_63, %scan3A_64 : i32
      %scan3A_66 = arith.constant 1 : i32
      %scan3A_67 = scf.for %scan3A_109 = %scan3A_63 to %scan3A_65 step %scan3A_66 iter_args(%scan3A_110 = %scan3A_62) -> (i32)  : i32 {
        %mul3A_111 = arith.constant 20 : i32
        %mul3A_112 = arith.muli %scan3A_109, %mul3A_111 : i32
        %add3A_113 = arith.constant 0 : i32
        %add3A_114 = arith.addi %mul3A_112, %add3A_113 : i32
        %get3A = arith.index_cast %add3A_114 : i32 to index
        %get3A_115 = arith.constant 0 : index
        %get3A_116 = tpu.vector_load %arg9[%get3A, %get3A_115] {strides = array<i32>} : memref<320x128xf32, #tpu.memory_space<vmem>>, vector<1x16xf32>,
        %get3A_117 = vector.shape_cast %get3A_116 : vector<1x16xf32> to vector<16xf32>
        %mul3A_118 = arith.constant 20 : i32
        %mul3A_119 = arith.muli %scan3A_109, %mul3A_118 : i32
        %add3A_120 = arith.constant 1 : i32
        %add3A_121 = arith.addi %mul3A_119, %add3A_120 : i32
        %get3A_122 = arith.index_cast %add3A_121 : i32 to index
        %get3A_123 = arith.constant 0 : index
        %get3A_124 = tpu.vector_load %arg9[%get3A_122, %get3A_123] {strides = array<i32>} : memref<320x128xf32, #tpu.memory_space<vmem>>, vector<1x16xf32>,
        %get3A_125 = vector.shape_cast %get3A_124 : vector<1x16xf32> to vector<16xf32>
        %mul3A_126 = arith.constant 20 : i32
        %mul3A_127 = arith.muli %scan3A_109, %mul3A_126 : i32
        %add3A_128 = arith.constant 2 : i32
        %add3A_129 = arith.addi %mul3A_127, %add3A_128 : i32
        %get3A_130 = arith.index_cast %add3A_129 : i32 to index
        %get3A_131 = arith.constant 0 : index
        %get3A_132 = tpu.vector_load %arg9[%get3A_130, %get3A_131] {strides = array<i32>} : memref<320x128xf32, #tpu.memory_space<vmem>>, vector<1x16xf32>,
        %get3A_133 = vector.shape_cast %get3A_132 : vector<1x16xf32> to vector<16xf32>
        %mul3A_134 = arith.constant 20 : i32
        %mul3A_135 = arith.muli %scan3A_109, %mul3A_134 : i32
        %add3A_136 = arith.constant 3 : i32
        %add3A_137 = arith.addi %mul3A_135, %add3A_136 : i32
        %get3A_138 = arith.index_cast %add3A_137 : i32 to index
        %get3A_139 = arith.constant 0 : index
        %get3A_140 = tpu.vector_load %arg9[%get3A_138, %get3A_139] {strides = array<i32>} : memref<320x128xf32, #tpu.memory_space<vmem>>, vector<1x16xf32>,
        %get3A_141 = vector.shape_cast %get3A_140 : vector<1x16xf32> to vector<16xf32>
        %mul3A_142 = arith.constant 20 : i32
        %mul3A_143 = arith.muli %scan3A_109, %mul3A_142 : i32
        %add3A_144 = arith.constant 4 : i32
        %add3A_145 = arith.addi %mul3A_143, %add3A_144 : i32
        %get3A_146 = arith.index_cast %add3A_145 : i32 to index
        %get3A_147 = arith.constant 0 : index
        %get3A_148 = tpu.vector_load %arg9[%get3A_146, %get3A_147] {strides = array<i32>} : memref<320x128xf32, #tpu.memory_space<vmem>>, vector<1x16xf32>,
        %get3A_149 = vector.shape_cast %get3A_148 : vector<1x16xf32> to vector<16xf32>
        %add3A_150 = arith.addf %get3A_117, %get3A_149 : vector<16xf32>
        %mul3A_151 = arith.constant 20 : i32
        %mul3A_152 = arith.muli %scan3A_109, %mul3A_151 : i32
        %add3A_153 = arith.constant 5 : i32
        %add3A_154 = arith.addi %mul3A_152, %add3A_153 : i32
        %get3A_155 = arith.index_cast %add3A_154 : i32 to index
        %get3A_156 = arith.constant 0 : index
        %get3A_157 = tpu.vector_load %arg9[%get3A_155, %get3A_156] {strides = array<i32>} : memref<320x128xf32, #tpu.memory_space<vmem>>, vector<1x16xf32>,
        %get3A_158 = vector.shape_cast %get3A_157 : vector<1x16xf32> to vector<16xf32>
        %add3A_159 = arith.addf %get3A_125, %get3A_158 : vector<16xf32>
        %mul3A_160 = arith.constant 20 : i32
        %mul3A_161 = arith.muli %scan3A_109, %mul3A_160 : i32
        %add3A_162 = arith.constant 6 : i32
        %add3A_163 = arith.addi %mul3A_161, %add3A_162 : i32
        %get3A_164 = arith.index_cast %add3A_163 : i32 to index
        %get3A_165 = arith.constant 0 : index
        %get3A_166 = tpu.vector_load %arg9[%get3A_164, %get3A_165] {strides = array<i32>} : memref<320x128xf32, #tpu.memory_space<vmem>>, vector<1x16xf32>,
        %get3A_167 = vector.shape_cast %get3A_166 : vector<1x16xf32> to vector<16xf32>
        %add3A_168 = arith.addf %get3A_133, %get3A_167 : vector<16xf32>
        %mul3A_169 = arith.constant 20 : i32
        %mul3A_170 = arith.muli %scan3A_109, %mul3A_169 : i32
        %add3A_171 = arith.constant 7 : i32
        %add3A_172 = arith.addi %mul3A_170, %add3A_171 : i32
        %get3A_173 = arith.index_cast %add3A_172 : i32 to index
        %get3A_174 = arith.constant 0 : index
        %get3A_175 = tpu.vector_load %arg9[%get3A_173, %get3A_174] {strides = array<i32>} : memref<320x128xf32, #tpu.memory_space<vmem>>, vector<1x16xf32>,
        %get3A_176 = vector.shape_cast %get3A_175 : vector<1x16xf32> to vector<16xf32>
        %add3A_177 = arith.addf %get3A_141, %get3A_176 : vector<16xf32>
        %mul3A_178 = arith.constant 20 : i32
        %mul3A_179 = arith.muli %scan3A_109, %mul3A_178 : i32
        %add3A_180 = arith.constant 8 : i32
        %add3A_181 = arith.addi %mul3A_179, %add3A_180 : i32
        %get3A_182 = arith.index_cast %add3A_181 : i32 to index
        %get3A_183 = arith.constant 0 : index
        %get3A_184 = tpu.vector_load %arg9[%get3A_182, %get3A_183] {strides = array<i32>} : memref<320x128xf32, #tpu.memory_space<vmem>>, vector<1x16xf32>,
        %get3A_185 = vector.shape_cast %get3A_184 : vector<1x16xf32> to vector<16xf32>
        %add3A_186 = arith.addf %add3A_150, %get3A_185 : vector<16xf32>
        %mul3A_187 = arith.constant 20 : i32
        %mul3A_188 = arith.muli %scan3A_109, %mul3A_187 : i32
        %add3A_189 = arith.constant 9 : i32
        %add3A_190 = arith.addi %mul3A_188, %add3A_189 : i32
        %get3A_191 = arith.index_cast %add3A_190 : i32 to index
        %get3A_192 = arith.constant 0 : index
        %get3A_193 = tpu.vector_load %arg9[%get3A_191, %get3A_192] {strides = array<i32>} : memref<320x128xf32, #tpu.memory_space<vmem>>, vector<1x16xf32>,
        %get3A_194 = vector.shape_cast %get3A_193 : vector<1x16xf32> to vector<16xf32>
        %add3A_195 = arith.addf %add3A_159, %get3A_194 : vector<16xf32>
        %mul3A_196 = arith.constant 20 : i32
        %mul3A_197 = arith.muli %scan3A_109, %mul3A_196 : i32
        %add3A_198 = arith.constant 10 : i32
        %add3A_199 = arith.addi %mul3A_197, %add3A_198 : i32
        %get3A_200 = arith.index_cast %add3A_199 : i32 to index
        %get3A_201 = arith.constant 0 : index
        %get3A_202 = tpu.vector_load %arg9[%get3A_200, %get3A_201] {strides = array<i32>} : memref<320x128xf32, #tpu.memory_space<vmem>>, vector<1x16xf32>,
        %get3A_203 = vector.shape_cast %get3A_202 : vector<1x16xf32> to vector<16xf32>
        %add3A_204 = arith.addf %add3A_168, %get3A_203 : vector<16xf32>
        %mul3A_205 = arith.constant 20 : i32
        %mul3A_206 = arith.muli %scan3A_109, %mul3A_205 : i32
        %add3A_207 = arith.constant 11 : i32
        %add3A_208 = arith.addi %mul3A_206, %add3A_207 : i32
        %get3A_209 = arith.index_cast %add3A_208 : i32 to index
        %get3A_210 = arith.constant 0 : index
        %get3A_211 = tpu.vector_load %arg9[%get3A_209, %get3A_210] {strides = array<i32>} : memref<320x128xf32, #tpu.memory_space<vmem>>, vector<1x16xf32>,
        %get3A_212 = vector.shape_cast %get3A_211 : vector<1x16xf32> to vector<16xf32>
        %add3A_213 = arith.addf %add3A_177, %get3A_212 : vector<16xf32>
        %mul3A_214 = arith.constant 20 : i32
        %mul3A_215 = arith.muli %scan3A_109, %mul3A_214 : i32
        %add3A_216 = arith.constant 12 : i32
        %add3A_217 = arith.addi %mul3A_215, %add3A_216 : i32
        %get3A_218 = arith.index_cast %add3A_217 : i32 to index
        %get3A_219 = arith.constant 0 : index
        %get3A_220 = tpu.vector_load %arg9[%get3A_218, %get3A_219] {strides = array<i32>} : memref<320x128xf32, #tpu.memory_space<vmem>>, vector<1x16xf32>,
        %get3A_221 = vector.shape_cast %get3A_220 : vector<1x16xf32> to vector<16xf32>
        %add3A_222 = arith.addf %add3A_186, %get3A_221 : vector<16xf32>
        %mul3A_223 = arith.constant 20 : i32
        %mul3A_224 = arith.muli %scan3A_109, %mul3A_223 : i32
        %add3A_225 = arith.constant 13 : i32
        %add3A_226 = arith.addi %mul3A_224, %add3A_225 : i32
        %get3A_227 = arith.index_cast %add3A_226 : i32 to index
        %get3A_228 = arith.constant 0 : index
        %get3A_229 = tpu.vector_load %arg9[%get3A_227, %get3A_228] {strides = array<i32>} : memref<320x128xf32, #tpu.memory_space<vmem>>, vector<1x16xf32>,
        %get3A_230 = vector.shape_cast %get3A_229 : vector<1x16xf32> to vector<16xf32>
        %add3A_231 = arith.addf %add3A_195, %get3A_230 : vector<16xf32>
        %mul3A_232 = arith.constant 20 : i32
        %mul3A_233 = arith.muli %scan3A_109, %mul3A_232 : i32
        %add3A_234 = arith.constant 14 : i32
        %add3A_235 = arith.addi %mul3A_233, %add3A_234 : i32
        %get3A_236 = arith.index_cast %add3A_235 : i32 to index
        %get3A_237 = arith.constant 0 : index
        %get3A_238 = tpu.vector_load %arg9[%get3A_236, %get3A_237] {strides = array<i32>} : memref<320x128xf32, #tpu.memory_space<vmem>>, vector<1x16xf32>,
        %get3A_239 = vector.shape_cast %get3A_238 : vector<1x16xf32> to vector<16xf32>
        %add3A_240 = arith.addf %add3A_204, %get3A_239 : vector<16xf32>
        %mul3A_241 = arith.constant 20 : i32
        %mul3A_242 = arith.muli %scan3A_109, %mul3A_241 : i32
        %add3A_243 = arith.constant 15 : i32
        %add3A_244 = arith.addi %mul3A_242, %add3A_243 : i32
        %get3A_245 = arith.index_cast %add3A_244 : i32 to index
        %get3A_246 = arith.constant 0 : index
        %get3A_247 = tpu.vector_load %arg9[%get3A_245, %get3A_246] {strides = array<i32>} : memref<320x128xf32, #tpu.memory_space<vmem>>, vector<1x16xf32>,
        %get3A_248 = vector.shape_cast %get3A_247 : vector<1x16xf32> to vector<16xf32>
        %add3A_249 = arith.addf %add3A_213, %get3A_248 : vector<16xf32>
        %mul3A_250 = arith.constant 20 : i32
        %mul3A_251 = arith.muli %scan3A_109, %mul3A_250 : i32
        %add3A_252 = arith.constant 16 : i32
        %add3A_253 = arith.addi %mul3A_251, %add3A_252 : i32
        %get3A_254 = arith.index_cast %add3A_253 : i32 to index
        %get3A_255 = arith.constant 0 : index
        %get3A_256 = tpu.vector_load %arg9[%get3A_254, %get3A_255] {strides = array<i32>} : memref<320x128xf32, #tpu.memory_space<vmem>>, vector<1x16xf32>,
        %get3A_257 = vector.shape_cast %get3A_256 : vector<1x16xf32> to vector<16xf32>
        %add3A_258 = arith.addf %add3A_222, %get3A_257 : vector<16xf32>
        %mul3A_259 = arith.constant 20 : i32
        %mul3A_260 = arith.muli %scan3A_109, %mul3A_259 : i32
        %add3A_261 = arith.constant 17 : i32
        %add3A_262 = arith.addi %mul3A_260, %add3A_261 : i32
        %get3A_263 = arith.index_cast %add3A_262 : i32 to index
        %get3A_264 = arith.constant 0 : index
        %get3A_265 = tpu.vector_load %arg9[%get3A_263, %get3A_264] {strides = array<i32>} : memref<320x128xf32, #tpu.memory_space<vmem>>, vector<1x16xf32>,
        %get3A_266 = vector.shape_cast %get3A_265 : vector<1x16xf32> to vector<16xf32>
        %add3A_267 = arith.addf %add3A_231, %get3A_266 : vector<16xf32>
        %mul3A_268 = arith.constant 20 : i32
        %mul3A_269 = arith.muli %scan3A_109, %mul3A_268 : i32
        %add3A_270 = arith.constant 18 : i32
        %add3A_271 = arith.addi %mul3A_269, %add3A_270 : i32
        %get3A_272 = arith.index_cast %add3A_271 : i32 to index
        %get3A_273 = arith.constant 0 : index
        %get3A_274 = tpu.vector_load %arg9[%get3A_272, %get3A_273] {strides = array<i32>} : memref<320x128xf32, #tpu.memory_space<vmem>>, vector<1x16xf32>,
        %get3A_275 = vector.shape_cast %get3A_274 : vector<1x16xf32> to vector<16xf32>
        %add3A_276 = arith.addf %add3A_240, %get3A_275 : vector<16xf32>
        %mul3A_277 = arith.constant 20 : i32
        %mul3A_278 = arith.muli %scan3A_109, %mul3A_277 : i32
        %add3A_279 = arith.constant 19 : i32
        %add3A_280 = arith.addi %mul3A_278, %add3A_279 : i32
        %get3A_281 = arith.index_cast %add3A_280 : i32 to index
        %get3A_282 = arith.constant 0 : index
        %get3A_283 = tpu.vector_load %arg9[%get3A_281, %get3A_282] {strides = array<i32>} : memref<320x128xf32, #tpu.memory_space<vmem>>, vector<1x16xf32>,
        %get3A_284 = vector.shape_cast %get3A_283 : vector<1x16xf32> to vector<16xf32>
        %add3A_285 = arith.addf %add3A_249, %get3A_284 : vector<16xf32>
        %add3A_286 = arith.addf %add3A_258, %add3A_267 : vector<16xf32>
        %add3A_287 = arith.addf %add3A_276, %add3A_285 : vector<16xf32>
        %add3A_288 = arith.addf %add3A_286, %add3A_287 : vector<16xf32>
        %swap3A = arith.index_cast %scan3A_109 : i32 to index
        %swap3A_289 = arith.constant 0 : index
        %swap3A_290 = tpu.vector_load %arg11[%swap3A, %swap3A_289] {strides = array<i32>} : memref<16x128xf32, #tpu.memory_space<vmem>>, vector<1x16xf32>,
        %swap3A_291 = vector.shape_cast %swap3A_290 : vector<1x16xf32> to vector<16xf32>
        %swap3A_292 = vector.shape_cast %add3A_288 : vector<16xf32> to vector<1x16xf32>
        tpu.vector_store %arg11[%swap3A, %swap3A_289], %swap3A_292 {strides = array<i32>} : memref<16x128xf32, #tpu.memory_space<vmem>>, vector<1x16xf32>,
        %mul3A_293 = arith.constant 20 : i32
        %mul3A_294 = arith.muli %scan3A_109, %mul3A_293 : i32
        %add3A_295 = arith.constant 0 : i32
        %add3A_296 = arith.addi %mul3A_294, %add3A_295 : i32
        %get3A_297 = arith.index_cast %add3A_296 : i32 to index
        %get3A_298 = arith.constant 16 : index
        %get3A_299 = tpu.vector_load %arg9[%get3A_297, %get3A_298] {strides = array<i32>} : memref<320x128xf32, #tpu.memory_space<vmem>>, vector<1x16xf32>,
        %get3A_300 = vector.shape_cast %get3A_299 : vector<1x16xf32> to vector<16xf32>
        %mul3A_301 = arith.constant 20 : i32
        %mul3A_302 = arith.muli %scan3A_109, %mul3A_301 : i32
        %add3A_303 = arith.constant 1 : i32
        %add3A_304 = arith.addi %mul3A_302, %add3A_303 : i32
        %get3A_305 = arith.index_cast %add3A_304 : i32 to index
        %get3A_306 = arith.constant 16 : index
        %get3A_307 = tpu.vector_load %arg9[%get3A_305, %get3A_306] {strides = array<i32>} : memref<320x128xf32, #tpu.memory_space<vmem>>, vector<1x16xf32>,
        %get3A_308 = vector.shape_cast %get3A_307 : vector<1x16xf32> to vector<16xf32>
        %mul3A_309 = arith.constant 20 : i32
        %mul3A_310 = arith.muli %scan3A_109, %mul3A_309 : i32
        %add3A_311 = arith.constant 2 : i32
        %add3A_312 = arith.addi %mul3A_310, %add3A_311 : i32
        %get3A_313 = arith.index_cast %add3A_312 : i32 to index
        %get3A_314 = arith.constant 16 : index
        %get3A_315 = tpu.vector_load %arg9[%get3A_313, %get3A_314] {strides = array<i32>} : memref<320x128xf32, #tpu.memory_space<vmem>>, vector<1x16xf32>,
        %get3A_316 = vector.shape_cast %get3A_315 : vector<1x16xf32> to vector<16xf32>
        %mul3A_317 = arith.constant 20 : i32
        %mul3A_318 = arith.muli %scan3A_109, %mul3A_317 : i32
        %add3A_319 = arith.constant 3 : i32
        %add3A_320 = arith.addi %mul3A_318, %add3A_319 : i32
        %get3A_321 = arith.index_cast %add3A_320 : i32 to index
        %get3A_322 = arith.constant 16 : index
        %get3A_323 = tpu.vector_load %arg9[%get3A_321, %get3A_322] {strides = array<i32>} : memref<320x128xf32, #tpu.memory_space<vmem>>, vector<1x16xf32>,
        %get3A_324 = vector.shape_cast %get3A_323 : vector<1x16xf32> to vector<16xf32>
        %mul3A_325 = arith.constant 20 : i32
        %mul3A_326 = arith.muli %scan3A_109, %mul3A_325 : i32
        %add3A_327 = arith.constant 4 : i32
        %add3A_328 = arith.addi %mul3A_326, %add3A_327 : i32
        %get3A_329 = arith.index_cast %add3A_328 : i32 to index
        %get3A_330 = arith.constant 16 : index
        %get3A_331 = tpu.vector_load %arg9[%get3A_329, %get3A_330] {strides = array<i32>} : memref<320x128xf32, #tpu.memory_space<vmem>>, vector<1x16xf32>,
        %get3A_332 = vector.shape_cast %get3A_331 : vector<1x16xf32> to vector<16xf32>
        %add3A_333 = arith.addf %get3A_300, %get3A_332 : vector<16xf32>
        %mul3A_334 = arith.constant 20 : i32
        %mul3A_335 = arith.muli %scan3A_109, %mul3A_334 : i32
        %add3A_336 = arith.constant 5 : i32
        %add3A_337 = arith.addi %mul3A_335, %add3A_336 : i32
        %get3A_338 = arith.index_cast %add3A_337 : i32 to index
        %get3A_339 = arith.constant 16 : index
        %get3A_340 = tpu.vector_load %arg9[%get3A_338, %get3A_339] {strides = array<i32>} : memref<320x128xf32, #tpu.memory_space<vmem>>, vector<1x16xf32>,
        %get3A_341 = vector.shape_cast %get3A_340 : vector<1x16xf32> to vector<16xf32>
        %add3A_342 = arith.addf %get3A_308, %get3A_341 : vector<16xf32>
        %mul3A_343 = arith.constant 20 : i32
        %mul3A_344 = arith.muli %scan3A_109, %mul3A_343 : i32
        %add3A_345 = arith.constant 6 : i32
        %add3A_346 = arith.addi %mul3A_344, %add3A_345 : i32
        %get3A_347 = arith.index_cast %add3A_346 : i32 to index
        %get3A_348 = arith.constant 16 : index
        %get3A_349 = tpu.vector_load %arg9[%get3A_347, %get3A_348] {strides = array<i32>} : memref<320x128xf32, #tpu.memory_space<vmem>>, vector<1x16xf32>,
        %get3A_350 = vector.shape_cast %get3A_349 : vector<1x16xf32> to vector<16xf32>
        %add3A_351 = arith.addf %get3A_316, %get3A_350 : vector<16xf32>
        %mul3A_352 = arith.constant 20 : i32
        %mul3A_353 = arith.muli %scan3A_109, %mul3A_352 : i32
        %add3A_354 = arith.constant 7 : i32
        %add3A_355 = arith.addi %mul3A_353, %add3A_354 : i32
        %get3A_356 = arith.index_cast %add3A_355 : i32 to index
        %get3A_357 = arith.constant 16 : index
        %get3A_358 = tpu.vector_load %arg9[%get3A_356, %get3A_357] {strides = array<i32>} : memref<320x128xf32, #tpu.memory_space<vmem>>, vector<1x16xf32>,
        %get3A_359 = vector.shape_cast %get3A_358 : vector<1x16xf32> to vector<16xf32>
        %add3A_360 = arith.addf %get3A_324, %get3A_359 : vector<16xf32>
        %mul3A_361 = arith.constant 20 : i32
        %mul3A_362 = arith.muli %scan3A_109, %mul3A_361 : i32
        %add3A_363 = arith.constant 8 : i32
        %add3A_364 = arith.addi %mul3A_362, %add3A_363 : i32
        %get3A_365 = arith.index_cast %add3A_364 : i32 to index
        %get3A_366 = arith.constant 16 : index
        %get3A_367 = tpu.vector_load %arg9[%get3A_365, %get3A_366] {strides = array<i32>} : memref<320x128xf32, #tpu.memory_space<vmem>>, vector<1x16xf32>,
        %get3A_368 = vector.shape_cast %get3A_367 : vector<1x16xf32> to vector<16xf32>
        %add3A_369 = arith.addf %add3A_333, %get3A_368 : vector<16xf32>
        %mul3A_370 = arith.constant 20 : i32
        %mul3A_371 = arith.muli %scan3A_109, %mul3A_370 : i32
        %add3A_372 = arith.constant 9 : i32
        %add3A_373 = arith.addi %mul3A_371, %add3A_372 : i32
        %get3A_374 = arith.index_cast %add3A_373 : i32 to index
        %get3A_375 = arith.constant 16 : index
        %get3A_376 = tpu.vector_load %arg9[%get3A_374, %get3A_375] {strides = array<i32>} : memref<320x128xf32, #tpu.memory_space<vmem>>, vector<1x16xf32>,
        %get3A_377 = vector.shape_cast %get3A_376 : vector<1x16xf32> to vector<16xf32>
        %add3A_378 = arith.addf %add3A_342, %get3A_377 : vector<16xf32>
        %mul3A_379 = arith.constant 20 : i32
        %mul3A_380 = arith.muli %scan3A_109, %mul3A_379 : i32
        %add3A_381 = arith.constant 10 : i32
        %add3A_382 = arith.addi %mul3A_380, %add3A_381 : i32
        %get3A_383 = arith.index_cast %add3A_382 : i32 to index
        %get3A_384 = arith.constant 16 : index
        %get3A_385 = tpu.vector_load %arg9[%get3A_383, %get3A_384] {strides = array<i32>} : memref<320x128xf32, #tpu.memory_space<vmem>>, vector<1x16xf32>,
        %get3A_386 = vector.shape_cast %get3A_385 : vector<1x16xf32> to vector<16xf32>
        %add3A_387 = arith.addf %add3A_351, %get3A_386 : vector<16xf32>
        %mul3A_388 = arith.constant 20 : i32
        %mul3A_389 = arith.muli %scan3A_109, %mul3A_388 : i32
        %add3A_390 = arith.constant 11 : i32
        %add3A_391 = arith.addi %mul3A_389, %add3A_390 : i32
        %get3A_392 = arith.index_cast %add3A_391 : i32 to index
        %get3A_393 = arith.constant 16 : index
        %get3A_394 = tpu.vector_load %arg9[%get3A_392, %get3A_393] {strides = array<i32>} : memref<320x128xf32, #tpu.memory_space<vmem>>, vector<1x16xf32>,
        %get3A_395 = vector.shape_cast %get3A_394 : vector<1x16xf32> to vector<16xf32>
        %add3A_396 = arith.addf %add3A_360, %get3A_395 : vector<16xf32>
        %mul3A_397 = arith.constant 20 : i32
        %mul3A_398 = arith.muli %scan3A_109, %mul3A_397 : i32
        %add3A_399 = arith.constant 12 : i32
        %add3A_400 = arith.addi %mul3A_398, %add3A_399 : i32
        %get3A_401 = arith.index_cast %add3A_400 : i32 to index
        %get3A_402 = arith.constant 16 : index
        %get3A_403 = tpu.vector_load %arg9[%get3A_401, %get3A_402] {strides = array<i32>} : memref<320x128xf32, #tpu.memory_space<vmem>>, vector<1x16xf32>,
        %get3A_404 = vector.shape_cast %get3A_403 : vector<1x16xf32> to vector<16xf32>
        %add3A_405 = arith.addf %add3A_369, %get3A_404 : vector<16xf32>
        %mul3A_406 = arith.constant 20 : i32
        %mul3A_407 = arith.muli %scan3A_109, %mul3A_406 : i32
        %add3A_408 = arith.constant 13 : i32
        %add3A_409 = arith.addi %mul3A_407, %add3A_408 : i32
        %get3A_410 = arith.index_cast %add3A_409 : i32 to index
        %get3A_411 = arith.constant 16 : index
        %get3A_412 = tpu.vector_load %arg9[%get3A_410, %get3A_411] {strides = array<i32>} : memref<320x128xf32, #tpu.memory_space<vmem>>, vector<1x16xf32>,
        %get3A_413 = vector.shape_cast %get3A_412 : vector<1x16xf32> to vector<16xf32>
        %add3A_414 = arith.addf %add3A_378, %get3A_413 : vector<16xf32>
        %mul3A_415 = arith.constant 20 : i32
        %mul3A_416 = arith.muli %scan3A_109, %mul3A_415 : i32
        %add3A_417 = arith.constant 14 : i32
        %add3A_418 = arith.addi %mul3A_416, %add3A_417 : i32
        %get3A_419 = arith.index_cast %add3A_418 : i32 to index
        %get3A_420 = arith.constant 16 : index
        %get3A_421 = tpu.vector_load %arg9[%get3A_419, %get3A_420] {strides = array<i32>} : memref<320x128xf32, #tpu.memory_space<vmem>>, vector<1x16xf32>,
        %get3A_422 = vector.shape_cast %get3A_421 : vector<1x16xf32> to vector<16xf32>
        %add3A_423 = arith.addf %add3A_387, %get3A_422 : vector<16xf32>
        %mul3A_424 = arith.constant 20 : i32
        %mul3A_425 = arith.muli %scan3A_109, %mul3A_424 : i32
        %add3A_426 = arith.constant 15 : i32
        %add3A_427 = arith.addi %mul3A_425, %add3A_426 : i32
        %get3A_428 = arith.index_cast %add3A_427 : i32 to index
        %get3A_429 = arith.constant 16 : index
        %get3A_430 = tpu.vector_load %arg9[%get3A_428, %get3A_429] {strides = array<i32>} : memref<320x128xf32, #tpu.memory_space<vmem>>, vector<1x16xf32>,
        %get3A_431 = vector.shape_cast %get3A_430 : vector<1x16xf32> to vector<16xf32>
        %add3A_432 = arith.addf %add3A_396, %get3A_431 : vector<16xf32>
        %mul3A_433 = arith.constant 20 : i32
        %mul3A_434 = arith.muli %scan3A_109, %mul3A_433 : i32
        %add3A_435 = arith.constant 16 : i32
        %add3A_436 = arith.addi %mul3A_434, %add3A_435 : i32
        %get3A_437 = arith.index_cast %add3A_436 : i32 to index
        %get3A_438 = arith.constant 16 : index
        %get3A_439 = tpu.vector_load %arg9[%get3A_437, %get3A_438] {strides = array<i32>} : memref<320x128xf32, #tpu.memory_space<vmem>>, vector<1x16xf32>,
        %get3A_440 = vector.shape_cast %get3A_439 : vector<1x16xf32> to vector<16xf32>
        %add3A_441 = arith.addf %add3A_405, %get3A_440 : vector<16xf32>
        %mul3A_442 = arith.constant 20 : i32
        %mul3A_443 = arith.muli %scan3A_109, %mul3A_442 : i32
        %add3A_444 = arith.constant 17 : i32
        %add3A_445 = arith.addi %mul3A_443, %add3A_444 : i32
        %get3A_446 = arith.index_cast %add3A_445 : i32 to index
        %get3A_447 = arith.constant 16 : index
        %get3A_448 = tpu.vector_load %arg9[%get3A_446, %get3A_447] {strides = array<i32>} : memref<320x128xf32, #tpu.memory_space<vmem>>, vector<1x16xf32>,
        %get3A_449 = vector.shape_cast %get3A_448 : vector<1x16xf32> to vector<16xf32>
        %add3A_450 = arith.addf %add3A_414, %get3A_449 : vector<16xf32>
        %mul3A_451 = arith.constant 20 : i32
        %mul3A_452 = arith.muli %scan3A_109, %mul3A_451 : i32
        %add3A_453 = arith.constant 18 : i32
        %add3A_454 = arith.addi %mul3A_452, %add3A_453 : i32
        %get3A_455 = arith.index_cast %add3A_454 : i32 to index
        %get3A_456 = arith.constant 16 : index
        %get3A_457 = tpu.vector_load %arg9[%get3A_455, %get3A_456] {strides = array<i32>} : memref<320x128xf32, #tpu.memory_space<vmem>>, vector<1x16xf32>,
        %get3A_458 = vector.shape_cast %get3A_457 : vector<1x16xf32> to vector<16xf32>
        %add3A_459 = arith.addf %add3A_423, %get3A_458 : vector<16xf32>
        %mul3A_460 = arith.constant 20 : i32
        %mul3A_461 = arith.muli %scan3A_109, %mul3A_460 : i32
        %add3A_462 = arith.constant 19 : i32
        %add3A_463 = arith.addi %mul3A_461, %add3A_462 : i32
        %get3A_464 = arith.index_cast %add3A_463 : i32 to index
        %get3A_465 = arith.constant 16 : index
        %get3A_466 = tpu.vector_load %arg9[%get3A_464, %get3A_465] {strides = array<i32>} : memref<320x128xf32, #tpu.memory_space<vmem>>, vector<1x16xf32>,
        %get3A_467 = vector.shape_cast %get3A_466 : vector<1x16xf32> to vector<16xf32>
        %add3A_468 = arith.addf %add3A_432, %get3A_467 : vector<16xf32>
        %add3A_469 = arith.addf %add3A_441, %add3A_450 : vector<16xf32>
        %add3A_470 = arith.addf %add3A_459, %add3A_468 : vector<16xf32>
        %add3A_471 = arith.addf %add3A_469, %add3A_470 : vector<16xf32>
        %swap3A_472 = arith.index_cast %scan3A_109 : i32 to index
        %swap3A_473 = arith.constant 16 : index
        %swap3A_474 = tpu.vector_load %arg11[%swap3A_472, %swap3A_473] {strides = array<i32>} : memref<16x128xf32, #tpu.memory_space<vmem>>, vector<1x16xf32>,
        %swap3A_475 = vector.shape_cast %swap3A_474 : vector<1x16xf32> to vector<16xf32>
        %swap3A_476 = vector.shape_cast %add3A_471 : vector<16xf32> to vector<1x16xf32>
        tpu.vector_store %arg11[%swap3A_472, %swap3A_473], %swap3A_476 {strides = array<i32>} : memref<16x128xf32, #tpu.memory_space<vmem>>, vector<1x16xf32>,
        %mul3A_477 = arith.constant 20 : i32
        %mul3A_478 = arith.muli %scan3A_109, %mul3A_477 : i32
        %add3A_479 = arith.constant 0 : i32
        %add3A_480 = arith.addi %mul3A_478, %add3A_479 : i32
        %get3A_481 = arith.index_cast %add3A_480 : i32 to index
        %get3A_482 = arith.constant 32 : index
        %get3A_483 = tpu.vector_load %arg9[%get3A_481, %get3A_482] {strides = array<i32>} : memref<320x128xf32, #tpu.memory_space<vmem>>, vector<1x16xf32>,
        %get3A_484 = vector.shape_cast %get3A_483 : vector<1x16xf32> to vector<16xf32>
        %mul3A_485 = arith.constant 20 : i32
        %mul3A_486 = arith.muli %scan3A_109, %mul3A_485 : i32
        %add3A_487 = arith.constant 1 : i32
        %add3A_488 = arith.addi %mul3A_486, %add3A_487 : i32
        %get3A_489 = arith.index_cast %add3A_488 : i32 to index
        %get3A_490 = arith.constant 32 : index
        %get3A_491 = tpu.vector_load %arg9[%get3A_489, %get3A_490] {strides = array<i32>} : memref<320x128xf32, #tpu.memory_space<vmem>>, vector<1x16xf32>,
        %get3A_492 = vector.shape_cast %get3A_491 : vector<1x16xf32> to vector<16xf32>
        %mul3A_493 = arith.constant 20 : i32
        %mul3A_494 = arith.muli %scan3A_109, %mul3A_493 : i32
        %add3A_495 = arith.constant 2 : i32
        %add3A_496 = arith.addi %mul3A_494, %add3A_495 : i32
        %get3A_497 = arith.index_cast %add3A_496 : i32 to index
        %get3A_498 = arith.constant 32 : index
        %get3A_499 = tpu.vector_load %arg9[%get3A_497, %get3A_498] {strides = array<i32>} : memref<320x128xf32, #tpu.memory_space<vmem>>, vector<1x16xf32>,
        %get3A_500 = vector.shape_cast %get3A_499 : vector<1x16xf32> to vector<16xf32>
        %mul3A_501 = arith.constant 20 : i32
        %mul3A_502 = arith.muli %scan3A_109, %mul3A_501 : i32
        %add3A_503 = arith.constant 3 : i32
        %add3A_504 = arith.addi %mul3A_502, %add3A_503 : i32
        %get3A_505 = arith.index_cast %add3A_504 : i32 to index
        %get3A_506 = arith.constant 32 : index
        %get3A_507 = tpu.vector_load %arg9[%get3A_505, %get3A_506] {strides = array<i32>} : memref<320x128xf32, #tpu.memory_space<vmem>>, vector<1x16xf32>,
        %get3A_508 = vector.shape_cast %get3A_507 : vector<1x16xf32> to vector<16xf32>
        %mul3A_509 = arith.constant 20 : i32
        %mul3A_510 = arith.muli %scan3A_109, %mul3A_509 : i32
        %add3A_511 = arith.constant 4 : i32
        %add3A_512 = arith.addi %mul3A_510, %add3A_511 : i32
        %get3A_513 = arith.index_cast %add3A_512 : i32 to index
        %get3A_514 = arith.constant 32 : index
        %get3A_515 = tpu.vector_load %arg9[%get3A_513, %get3A_514] {strides = array<i32>} : memref<320x128xf32, #tpu.memory_space<vmem>>, vector<1x16xf32>,
        %get3A_516 = vector.shape_cast %get3A_515 : vector<1x16xf32> to vector<16xf32>
        %add3A_517 = arith.addf %get3A_484, %get3A_516 : vector<16xf32>
        %mul3A_518 = arith.constant 20 : i32
        %mul3A_519 = arith.muli %scan3A_109, %mul3A_518 : i32
        %add3A_520 = arith.constant 5 : i32
        %add3A_521 = arith.addi %mul3A_519, %add3A_520 : i32
        %get3A_522 = arith.index_cast %add3A_521 : i32 to index
        %get3A_523 = arith.constant 32 : index
        %get3A_524 = tpu.vector_load %arg9[%get3A_522, %get3A_523] {strides = array<i32>} : memref<320x128xf32, #tpu.memory_space<vmem>>, vector<1x16xf32>,
        %get3A_525 = vector.shape_cast %get3A_524 : vector<1x16xf32> to vector<16xf32>
        %add3A_526 = arith.addf %get3A_492, %get3A_525 : vector<16xf32>
        %mul3A_527 = arith.constant 20 : i32
        %mul3A_528 = arith.muli %scan3A_109, %mul3A_527 : i32
        %add3A_529 = arith.constant 6 : i32
        %add3A_530 = arith.addi %mul3A_528, %add3A_529 : i32
        %get3A_531 = arith.index_cast %add3A_530 : i32 to index
        %get3A_532 = arith.constant 32 : index
        %get3A_533 = tpu.vector_load %arg9[%get3A_531, %get3A_532] {strides = array<i32>} : memref<320x128xf32, #tpu.memory_space<vmem>>, vector<1x16xf32>,
        %get3A_534 = vector.shape_cast %get3A_533 : vector<1x16xf32> to vector<16xf32>
        %add3A_535 = arith.addf %get3A_500, %get3A_534 : vector<16xf32>
        %mul3A_536 = arith.constant 20 : i32
        %mul3A_537 = arith.muli %scan3A_109, %mul3A_536 : i32
        %add3A_538 = arith.constant 7 : i32
        %add3A_539 = arith.addi %mul3A_537, %add3A_538 : i32
        %get3A_540 = arith.index_cast %add3A_539 : i32 to index
        %get3A_541 = arith.constant 32 : index
        %get3A_542 = tpu.vector_load %arg9[%get3A_540, %get3A_541] {strides = array<i32>} : memref<320x128xf32, #tpu.memory_space<vmem>>, vector<1x16xf32>,
        %get3A_543 = vector.shape_cast %get3A_542 : vector<1x16xf32> to vector<16xf32>
        %add3A_544 = arith.addf %get3A_508, %get3A_543 : vector<16xf32>
        %mul3A_545 = arith.constant 20 : i32
        %mul3A_546 = arith.muli %scan3A_109, %mul3A_545 : i32
        %add3A_547 = arith.constant 8 : i32
        %add3A_548 = arith.addi %mul3A_546, %add3A_547 : i32
        %get3A_549 = arith.index_cast %add3A_548 : i32 to index
        %get3A_550 = arith.constant 32 : index
        %get3A_551 = tpu.vector_load %arg9[%get3A_549, %get3A_550] {strides = array<i32>} : memref<320x128xf32, #tpu.memory_space<vmem>>, vector<1x16xf32>,
        %get3A_552 = vector.shape_cast %get3A_551 : vector<1x16xf32> to vector<16xf32>
        %add3A_553 = arith.addf %add3A_517, %get3A_552 : vector<16xf32>
        %mul3A_554 = arith.constant 20 : i32
        %mul3A_555 = arith.muli %scan3A_109, %mul3A_554 : i32
        %add3A_556 = arith.constant 9 : i32
        %add3A_557 = arith.addi %mul3A_555, %add3A_556 : i32
        %get3A_558 = arith.index_cast %add3A_557 : i32 to index
        %get3A_559 = arith.constant 32 : index
        %get3A_560 = tpu.vector_load %arg9[%get3A_558, %get3A_559] {strides = array<i32>} : memref<320x128xf32, #tpu.memory_space<vmem>>, vector<1x16xf32>,
        %get3A_561 = vector.shape_cast %get3A_560 : vector<1x16xf32> to vector<16xf32>
        %add3A_562 = arith.addf %add3A_526, %get3A_561 : vector<16xf32>
        %mul3A_563 = arith.constant 20 : i32
        %mul3A_564 = arith.muli %scan3A_109, %mul3A_563 : i32
        %add3A_565 = arith.constant 10 : i32
        %add3A_566 = arith.addi %mul3A_564, %add3A_565 : i32
        %get3A_567 = arith.index_cast %add3A_566 : i32 to index
        %get3A_568 = arith.constant 32 : index
        %get3A_569 = tpu.vector_load %arg9[%get3A_567, %get3A_568] {strides = array<i32>} : memref<320x128xf32, #tpu.memory_space<vmem>>, vector<1x16xf32>,
        %get3A_570 = vector.shape_cast %get3A_569 : vector<1x16xf32> to vector<16xf32>
        %add3A_571 = arith.addf %add3A_535, %get3A_570 : vector<16xf32>
        %mul3A_572 = arith.constant 20 : i32
        %mul3A_573 = arith.muli %scan3A_109, %mul3A_572 : i32
        %add3A_574 = arith.constant 11 : i32
        %add3A_575 = arith.addi %mul3A_573, %add3A_574 : i32
        %get3A_576 = arith.index_cast %add3A_575 : i32 to index
        %get3A_577 = arith.constant 32 : index
        %get3A_578 = tpu.vector_load %arg9[%get3A_576, %get3A_577] {strides = array<i32>} : memref<320x128xf32, #tpu.memory_space<vmem>>, vector<1x16xf32>,
        %get3A_579 = vector.shape_cast %get3A_578 : vector<1x16xf32> to vector<16xf32>
        %add3A_580 = arith.addf %add3A_544, %get3A_579 : vector<16xf32>
        %mul3A_581 = arith.constant 20 : i32
        %mul3A_582 = arith.muli %scan3A_109, %mul3A_581 : i32
        %add3A_583 = arith.constant 12 : i32
        %add3A_584 = arith.addi %mul3A_582, %add3A_583 : i32
        %get3A_585 = arith.index_cast %add3A_584 : i32 to index
        %get3A_586 = arith.constant 32 : index
        %get3A_587 = tpu.vector_load %arg9[%get3A_585, %get3A_586] {strides = array<i32>} : memref<320x128xf32, #tpu.memory_space<vmem>>, vector<1x16xf32>,
        %get3A_588 = vector.shape_cast %get3A_587 : vector<1x16xf32> to vector<16xf32>
        %add3A_589 = arith.addf %add3A_553, %get3A_588 : vector<16xf32>
        %mul3A_590 = arith.constant 20 : i32
        %mul3A_591 = arith.muli %scan3A_109, %mul3A_590 : i32
        %add3A_592 = arith.constant 13 : i32
        %add3A_593 = arith.addi %mul3A_591, %add3A_592 : i32
        %get3A_594 = arith.index_cast %add3A_593 : i32 to index
        %get3A_595 = arith.constant 32 : index
        %get3A_596 = tpu.vector_load %arg9[%get3A_594, %get3A_595] {strides = array<i32>} : memref<320x128xf32, #tpu.memory_space<vmem>>, vector<1x16xf32>,
        %get3A_597 = vector.shape_cast %get3A_596 : vector<1x16xf32> to vector<16xf32>
        %add3A_598 = arith.addf %add3A_562, %get3A_597 : vector<16xf32>
        %mul3A_599 = arith.constant 20 : i32
        %mul3A_600 = arith.muli %scan3A_109, %mul3A_599 : i32
        %add3A_601 = arith.constant 14 : i32
        %add3A_602 = arith.addi %mul3A_600, %add3A_601 : i32
        %get3A_603 = arith.index_cast %add3A_602 : i32 to index
        %get3A_604 = arith.constant 32 : index
        %get3A_605 = tpu.vector_load %arg9[%get3A_603, %get3A_604] {strides = array<i32>} : memref<320x128xf32, #tpu.memory_space<vmem>>, vector<1x16xf32>,
        %get3A_606 = vector.shape_cast %get3A_605 : vector<1x16xf32> to vector<16xf32>
        %add3A_607 = arith.addf %add3A_571, %get3A_606 : vector<16xf32>
        %mul3A_608 = arith.constant 20 : i32
        %mul3A_609 = arith.muli %scan3A_109, %mul3A_608 : i32
        %add3A_610 = arith.constant 15 : i32
        %add3A_611 = arith.addi %mul3A_609, %add3A_610 : i32
        %get3A_612 = arith.index_cast %add3A_611 : i32 to index
        %get3A_613 = arith.constant 32 : index
        %get3A_614 = tpu.vector_load %arg9[%get3A_612, %get3A_613] {strides = array<i32>} : memref<320x128xf32, #tpu.memory_space<vmem>>, vector<1x16xf32>,
        %get3A_615 = vector.shape_cast %get3A_614 : vector<1x16xf32> to vector<16xf32>
        %add3A_616 = arith.addf %add3A_580, %get3A_615 : vector<16xf32>
        %mul3A_617 = arith.constant 20 : i32
        %mul3A_618 = arith.muli %scan3A_109, %mul3A_617 : i32
        %add3A_619 = arith.constant 16 : i32
        %add3A_620 = arith.addi %mul3A_618, %add3A_619 : i32
        %get3A_621 = arith.index_cast %add3A_620 : i32 to index
        %get3A_622 = arith.constant 32 : index
        %get3A_623 = tpu.vector_load %arg9[%get3A_621, %get3A_622] {strides = array<i32>} : memref<320x128xf32, #tpu.memory_space<vmem>>, vector<1x16xf32>,
        %get3A_624 = vector.shape_cast %get3A_623 : vector<1x16xf32> to vector<16xf32>
        %add3A_625 = arith.addf %add3A_589, %get3A_624 : vector<16xf32>
        %mul3A_626 = arith.constant 20 : i32
        %mul3A_627 = arith.muli %scan3A_109, %mul3A_626 : i32
        %add3A_628 = arith.constant 17 : i32
        %add3A_629 = arith.addi %mul3A_627, %add3A_628 : i32
        %get3A_630 = arith.index_cast %add3A_629 : i32 to index
        %get3A_631 = arith.constant 32 : index
        %get3A_632 = tpu.vector_load %arg9[%get3A_630, %get3A_631] {strides = array<i32>} : memref<320x128xf32, #tpu.memory_space<vmem>>, vector<1x16xf32>,
        %get3A_633 = vector.shape_cast %get3A_632 : vector<1x16xf32> to vector<16xf32>
        %add3A_634 = arith.addf %add3A_598, %get3A_633 : vector<16xf32>
        %mul3A_635 = arith.constant 20 : i32
        %mul3A_636 = arith.muli %scan3A_109, %mul3A_635 : i32
        %add3A_637 = arith.constant 18 : i32
        %add3A_638 = arith.addi %mul3A_636, %add3A_637 : i32
        %get3A_639 = arith.index_cast %add3A_638 : i32 to index
        %get3A_640 = arith.constant 32 : index
        %get3A_641 = tpu.vector_load %arg9[%get3A_639, %get3A_640] {strides = array<i32>} : memref<320x128xf32, #tpu.memory_space<vmem>>, vector<1x16xf32>,
        %get3A_642 = vector.shape_cast %get3A_641 : vector<1x16xf32> to vector<16xf32>
        %add3A_643 = arith.addf %add3A_607, %get3A_642 : vector<16xf32>
        %mul3A_644 = arith.constant 20 : i32
        %mul3A_645 = arith.muli %scan3A_109, %mul3A_644 : i32
        %add3A_646 = arith.constant 19 : i32
        %add3A_647 = arith.addi %mul3A_645, %add3A_646 : i32
        %get3A_648 = arith.index_cast %add3A_647 : i32 to index
        %get3A_649 = arith.constant 32 : index
        %get3A_650 = tpu.vector_load %arg9[%get3A_648, %get3A_649] {strides = array<i32>} : memref<320x128xf32, #tpu.memory_space<vmem>>, vector<1x16xf32>,
        %get3A_651 = vector.shape_cast %get3A_650 : vector<1x16xf32> to vector<16xf32>
        %add3A_652 = arith.addf %add3A_616, %get3A_651 : vector<16xf32>
        %add3A_653 = arith.addf %add3A_625, %add3A_634 : vector<16xf32>
        %add3A_654 = arith.addf %add3A_643, %add3A_652 : vector<16xf32>
        %add3A_655 = arith.addf %add3A_653, %add3A_654 : vector<16xf32>
        %swap3A_656 = arith.index_cast %scan3A_109 : i32 to index
        %swap3A_657 = arith.constant 32 : index
        %swap3A_658 = tpu.vector_load %arg11[%swap3A_656, %swap3A_657] {strides = array<i32>} : memref<16x128xf32, #tpu.memory_space<vmem>>, vector<1x16xf32>,
        %swap3A_659 = vector.shape_cast %swap3A_658 : vector<1x16xf32> to vector<16xf32>
        %swap3A_660 = vector.shape_cast %add3A_655 : vector<16xf32> to vector<1x16xf32>
        tpu.vector_store %arg11[%swap3A_656, %swap3A_657], %swap3A_660 {strides = array<i32>} : memref<16x128xf32, #tpu.memory_space<vmem>>, vector<1x16xf32>,
        %mul3A_661 = arith.constant 20 : i32
        %mul3A_662 = arith.muli %scan3A_109, %mul3A_661 : i32
        %add3A_663 = arith.constant 0 : i32
        %add3A_664 = arith.addi %mul3A_662, %add3A_663 : i32
        %get3A_665 = arith.index_cast %add3A_664 : i32 to index
        %get3A_666 = arith.constant 48 : index
        %get3A_667 = tpu.vector_load %arg9[%get3A_665, %get3A_666] {strides = array<i32>} : memref<320x128xf32, #tpu.memory_space<vmem>>, vector<1x16xf32>,
        %get3A_668 = vector.shape_cast %get3A_667 : vector<1x16xf32> to vector<16xf32>
        %mul3A_669 = arith.constant 20 : i32
        %mul3A_670 = arith.muli %scan3A_109, %mul3A_669 : i32
        %add3A_671 = arith.constant 1 : i32
        %add3A_672 = arith.addi %mul3A_670, %add3A_671 : i32
        %get3A_673 = arith.index_cast %add3A_672 : i32 to index
        %get3A_674 = arith.constant 48 : index
        %get3A_675 = tpu.vector_load %arg9[%get3A_673, %get3A_674] {strides = array<i32>} : memref<320x128xf32, #tpu.memory_space<vmem>>, vector<1x16xf32>,
        %get3A_676 = vector.shape_cast %get3A_675 : vector<1x16xf32> to vector<16xf32>
        %mul3A_677 = arith.constant 20 : i32
        %mul3A_678 = arith.muli %scan3A_109, %mul3A_677 : i32
        %add3A_679 = arith.constant 2 : i32
        %add3A_680 = arith.addi %mul3A_678, %add3A_679 : i32
        %get3A_681 = arith.index_cast %add3A_680 : i32 to index
        %get3A_682 = arith.constant 48 : index
        %get3A_683 = tpu.vector_load %arg9[%get3A_681, %get3A_682] {strides = array<i32>} : memref<320x128xf32, #tpu.memory_space<vmem>>, vector<1x16xf32>,
        %get3A_684 = vector.shape_cast %get3A_683 : vector<1x16xf32> to vector<16xf32>
        %mul3A_685 = arith.constant 20 : i32
        %mul3A_686 = arith.muli %scan3A_109, %mul3A_685 : i32
        %add3A_687 = arith.constant 3 : i32
        %add3A_688 = arith.addi %mul3A_686, %add3A_687 : i32
        %get3A_689 = arith.index_cast %add3A_688 : i32 to index
        %get3A_690 = arith.constant 48 : index
        %get3A_691 = tpu.vector_load %arg9[%get3A_689, %get3A_690] {strides = array<i32>} : memref<320x128xf32, #tpu.memory_space<vmem>>, vector<1x16xf32>,
        %get3A_692 = vector.shape_cast %get3A_691 : vector<1x16xf32> to vector<16xf32>
        %mul3A_693 = arith.constant 20 : i32
        %mul3A_694 = arith.muli %scan3A_109, %mul3A_693 : i32
        %add3A_695 = arith.constant 4 : i32
        %add3A_696 = arith.addi %mul3A_694, %add3A_695 : i32
        %get3A_697 = arith.index_cast %add3A_696 : i32 to index
        %get3A_698 = arith.constant 48 : index
        %get3A_699 = tpu.vector_load %arg9[%get3A_697, %get3A_698] {strides = array<i32>} : memref<320x128xf32, #tpu.memory_space<vmem>>, vector<1x16xf32>,
        %get3A_700 = vector.shape_cast %get3A_699 : vector<1x16xf32> to vector<16xf32>
        %add3A_701 = arith.addf %get3A_668, %get3A_700 : vector<16xf32>
        %mul3A_702 = arith.constant 20 : i32
        %mul3A_703 = arith.muli %scan3A_109, %mul3A_702 : i32
        %add3A_704 = arith.constant 5 : i32
        %add3A_705 = arith.addi %mul3A_703, %add3A_704 : i32
        %get3A_706 = arith.index_cast %add3A_705 : i32 to index
        %get3A_707 = arith.constant 48 : index
        %get3A_708 = tpu.vector_load %arg9[%get3A_706, %get3A_707] {strides = array<i32>} : memref<320x128xf32, #tpu.memory_space<vmem>>, vector<1x16xf32>,
        %get3A_709 = vector.shape_cast %get3A_708 : vector<1x16xf32> to vector<16xf32>
        %add3A_710 = arith.addf %get3A_676, %get3A_709 : vector<16xf32>
        %mul3A_711 = arith.constant 20 : i32
        %mul3A_712 = arith.muli %scan3A_109, %mul3A_711 : i32
        %add3A_713 = arith.constant 6 : i32
        %add3A_714 = arith.addi %mul3A_712, %add3A_713 : i32
        %get3A_715 = arith.index_cast %add3A_714 : i32 to index
        %get3A_716 = arith.constant 48 : index
        %get3A_717 = tpu.vector_load %arg9[%get3A_715, %get3A_716] {strides = array<i32>} : memref<320x128xf32, #tpu.memory_space<vmem>>, vector<1x16xf32>,
        %get3A_718 = vector.shape_cast %get3A_717 : vector<1x16xf32> to vector<16xf32>
        %add3A_719 = arith.addf %get3A_684, %get3A_718 : vector<16xf32>
        %mul3A_720 = arith.constant 20 : i32
        %mul3A_721 = arith.muli %scan3A_109, %mul3A_720 : i32
        %add3A_722 = arith.constant 7 : i32
        %add3A_723 = arith.addi %mul3A_721, %add3A_722 : i32
        %get3A_724 = arith.index_cast %add3A_723 : i32 to index
        %get3A_725 = arith.constant 48 : index
        %get3A_726 = tpu.vector_load %arg9[%get3A_724, %get3A_725] {strides = array<i32>} : memref<320x128xf32, #tpu.memory_space<vmem>>, vector<1x16xf32>,
        %get3A_727 = vector.shape_cast %get3A_726 : vector<1x16xf32> to vector<16xf32>
        %add3A_728 = arith.addf %get3A_692, %get3A_727 : vector<16xf32>
        %mul3A_729 = arith.constant 20 : i32
        %mul3A_730 = arith.muli %scan3A_109, %mul3A_729 : i32
        %add3A_731 = arith.constant 8 : i32
        %add3A_732 = arith.addi %mul3A_730, %add3A_731 : i32
        %get3A_733 = arith.index_cast %add3A_732 : i32 to index
        %get3A_734 = arith.constant 48 : index
        %get3A_735 = tpu.vector_load %arg9[%get3A_733, %get3A_734] {strides = array<i32>} : memref<320x128xf32, #tpu.memory_space<vmem>>, vector<1x16xf32>,
        %get3A_736 = vector.shape_cast %get3A_735 : vector<1x16xf32> to vector<16xf32>
        %add3A_737 = arith.addf %add3A_701, %get3A_736 : vector<16xf32>
        %mul3A_738 = arith.constant 20 : i32
        %mul3A_739 = arith.muli %scan3A_109, %mul3A_738 : i32
        %add3A_740 = arith.constant 9 : i32
        %add3A_741 = arith.addi %mul3A_739, %add3A_740 : i32
        %get3A_742 = arith.index_cast %add3A_741 : i32 to index
        %get3A_743 = arith.constant 48 : index
        %get3A_744 = tpu.vector_load %arg9[%get3A_742, %get3A_743] {strides = array<i32>} : memref<320x128xf32, #tpu.memory_space<vmem>>, vector<1x16xf32>,
        %get3A_745 = vector.shape_cast %get3A_744 : vector<1x16xf32> to vector<16xf32>
        %add3A_746 = arith.addf %add3A_710, %get3A_745 : vector<16xf32>
        %mul3A_747 = arith.constant 20 : i32
        %mul3A_748 = arith.muli %scan3A_109, %mul3A_747 : i32
        %add3A_749 = arith.constant 10 : i32
        %add3A_750 = arith.addi %mul3A_748, %add3A_749 : i32
        %get3A_751 = arith.index_cast %add3A_750 : i32 to index
        %get3A_752 = arith.constant 48 : index
        %get3A_753 = tpu.vector_load %arg9[%get3A_751, %get3A_752] {strides = array<i32>} : memref<320x128xf32, #tpu.memory_space<vmem>>, vector<1x16xf32>,
        %get3A_754 = vector.shape_cast %get3A_753 : vector<1x16xf32> to vector<16xf32>
        %add3A_755 = arith.addf %add3A_719, %get3A_754 : vector<16xf32>
        %mul3A_756 = arith.constant 20 : i32
        %mul3A_757 = arith.muli %scan3A_109, %mul3A_756 : i32
        %add3A_758 = arith.constant 11 : i32
        %add3A_759 = arith.addi %mul3A_757, %add3A_758 : i32
        %get3A_760 = arith.index_cast %add3A_759 : i32 to index
        %get3A_761 = arith.constant 48 : index
        %get3A_762 = tpu.vector_load %arg9[%get3A_760, %get3A_761] {strides = array<i32>} : memref<320x128xf32, #tpu.memory_space<vmem>>, vector<1x16xf32>,
        %get3A_763 = vector.shape_cast %get3A_762 : vector<1x16xf32> to vector<16xf32>
        %add3A_764 = arith.addf %add3A_728, %get3A_763 : vector<16xf32>
        %mul3A_765 = arith.constant 20 : i32
        %mul3A_766 = arith.muli %scan3A_109, %mul3A_765 : i32
        %add3A_767 = arith.constant 12 : i32
        %add3A_768 = arith.addi %mul3A_766, %add3A_767 : i32
        %get3A_769 = arith.index_cast %add3A_768 : i32 to index
        %get3A_770 = arith.constant 48 : index
        %get3A_771 = tpu.vector_load %arg9[%get3A_769, %get3A_770] {strides = array<i32>} : memref<320x128xf32, #tpu.memory_space<vmem>>, vector<1x16xf32>,
        %get3A_772 = vector.shape_cast %get3A_771 : vector<1x16xf32> to vector<16xf32>
        %add3A_773 = arith.addf %add3A_737, %get3A_772 : vector<16xf32>
        %mul3A_774 = arith.constant 20 : i32
        %mul3A_775 = arith.muli %scan3A_109, %mul3A_774 : i32
        %add3A_776 = arith.constant 13 : i32
        %add3A_777 = arith.addi %mul3A_775, %add3A_776 : i32
        %get3A_778 = arith.index_cast %add3A_777 : i32 to index
        %get3A_779 = arith.constant 48 : index
        %get3A_780 = tpu.vector_load %arg9[%get3A_778, %get3A_779] {strides = array<i32>} : memref<320x128xf32, #tpu.memory_space<vmem>>, vector<1x16xf32>,
        %get3A_781 = vector.shape_cast %get3A_780 : vector<1x16xf32> to vector<16xf32>
        %add3A_782 = arith.addf %add3A_746, %get3A_781 : vector<16xf32>
        %mul3A_783 = arith.constant 20 : i32
        %mul3A_784 = arith.muli %scan3A_109, %mul3A_783 : i32
        %add3A_785 = arith.constant 14 : i32
        %add3A_786 = arith.addi %mul3A_784, %add3A_785 : i32
        %get3A_787 = arith.index_cast %add3A_786 : i32 to index
        %get3A_788 = arith.constant 48 : index
        %get3A_789 = tpu.vector_load %arg9[%get3A_787, %get3A_788] {strides = array<i32>} : memref<320x128xf32, #tpu.memory_space<vmem>>, vector<1x16xf32>,
        %get3A_790 = vector.shape_cast %get3A_789 : vector<1x16xf32> to vector<16xf32>
        %add3A_791 = arith.addf %add3A_755, %get3A_790 : vector<16xf32>
        %mul3A_792 = arith.constant 20 : i32
        %mul3A_793 = arith.muli %scan3A_109, %mul3A_792 : i32
        %add3A_794 = arith.constant 15 : i32
        %add3A_795 = arith.addi %mul3A_793, %add3A_794 : i32
        %get3A_796 = arith.index_cast %add3A_795 : i32 to index
        %get3A_797 = arith.constant 48 : index
        %get3A_798 = tpu.vector_load %arg9[%get3A_796, %get3A_797] {strides = array<i32>} : memref<320x128xf32, #tpu.memory_space<vmem>>, vector<1x16xf32>,
        %get3A_799 = vector.shape_cast %get3A_798 : vector<1x16xf32> to vector<16xf32>
        %add3A_800 = arith.addf %add3A_764, %get3A_799 : vector<16xf32>
        %mul3A_801 = arith.constant 20 : i32
        %mul3A_802 = arith.muli %scan3A_109, %mul3A_801 : i32
        %add3A_803 = arith.constant 16 : i32
        %add3A_804 = arith.addi %mul3A_802, %add3A_803 : i32
        %get3A_805 = arith.index_cast %add3A_804 : i32 to index
        %get3A_806 = arith.constant 48 : index
        %get3A_807 = tpu.vector_load %arg9[%get3A_805, %get3A_806] {strides = array<i32>} : memref<320x128xf32, #tpu.memory_space<vmem>>, vector<1x16xf32>,
        %get3A_808 = vector.shape_cast %get3A_807 : vector<1x16xf32> to vector<16xf32>
        %add3A_809 = arith.addf %add3A_773, %get3A_808 : vector<16xf32>
        %mul3A_810 = arith.constant 20 : i32
        %mul3A_811 = arith.muli %scan3A_109, %mul3A_810 : i32
        %add3A_812 = arith.constant 17 : i32
        %add3A_813 = arith.addi %mul3A_811, %add3A_812 : i32
        %get3A_814 = arith.index_cast %add3A_813 : i32 to index
        %get3A_815 = arith.constant 48 : index
        %get3A_816 = tpu.vector_load %arg9[%get3A_814, %get3A_815] {strides = array<i32>} : memref<320x128xf32, #tpu.memory_space<vmem>>, vector<1x16xf32>,
        %get3A_817 = vector.shape_cast %get3A_816 : vector<1x16xf32> to vector<16xf32>
        %add3A_818 = arith.addf %add3A_782, %get3A_817 : vector<16xf32>
        %mul3A_819 = arith.constant 20 : i32
        %mul3A_820 = arith.muli %scan3A_109, %mul3A_819 : i32
        %add3A_821 = arith.constant 18 : i32
        %add3A_822 = arith.addi %mul3A_820, %add3A_821 : i32
        %get3A_823 = arith.index_cast %add3A_822 : i32 to index
        %get3A_824 = arith.constant 48 : index
        %get3A_825 = tpu.vector_load %arg9[%get3A_823, %get3A_824] {strides = array<i32>} : memref<320x128xf32, #tpu.memory_space<vmem>>, vector<1x16xf32>,
        %get3A_826 = vector.shape_cast %get3A_825 : vector<1x16xf32> to vector<16xf32>
        %add3A_827 = arith.addf %add3A_791, %get3A_826 : vector<16xf32>
        %mul3A_828 = arith.constant 20 : i32
        %mul3A_829 = arith.muli %scan3A_109, %mul3A_828 : i32
        %add3A_830 = arith.constant 19 : i32
        %add3A_831 = arith.addi %mul3A_829, %add3A_830 : i32
        %get3A_832 = arith.index_cast %add3A_831 : i32 to index
        %get3A_833 = arith.constant 48 : index
        %get3A_834 = tpu.vector_load %arg9[%get3A_832, %get3A_833] {strides = array<i32>} : memref<320x128xf32, #tpu.memory_space<vmem>>, vector<1x16xf32>,
        %get3A_835 = vector.shape_cast %get3A_834 : vector<1x16xf32> to vector<16xf32>
        %add3A_836 = arith.addf %add3A_800, %get3A_835 : vector<16xf32>
        %add3A_837 = arith.addf %add3A_809, %add3A_818 : vector<16xf32>
        %add3A_838 = arith.addf %add3A_827, %add3A_836 : vector<16xf32>
        %add3A_839 = arith.addf %add3A_837, %add3A_838 : vector<16xf32>
        %swap3A_840 = arith.index_cast %scan3A_109 : i32 to index
        %swap3A_841 = arith.constant 48 : index
        %swap3A_842 = tpu.vector_load %arg11[%swap3A_840, %swap3A_841] {strides = array<i32>} : memref<16x128xf32, #tpu.memory_space<vmem>>, vector<1x16xf32>,
        %swap3A_843 = vector.shape_cast %swap3A_842 : vector<1x16xf32> to vector<16xf32>
        %swap3A_844 = vector.shape_cast %add3A_839 : vector<16xf32> to vector<1x16xf32>
        tpu.vector_store %arg11[%swap3A_840, %swap3A_841], %swap3A_844 {strides = array<i32>} : memref<16x128xf32, #tpu.memory_space<vmem>>, vector<1x16xf32>,
        %mul3A_845 = arith.constant 20 : i32
        %mul3A_846 = arith.muli %scan3A_109, %mul3A_845 : i32
        %add3A_847 = arith.constant 0 : i32
        %add3A_848 = arith.addi %mul3A_846, %add3A_847 : i32
        %get3A_849 = arith.index_cast %add3A_848 : i32 to index
        %get3A_850 = arith.constant 64 : index
        %get3A_851 = tpu.vector_load %arg9[%get3A_849, %get3A_850] {strides = array<i32>} : memref<320x128xf32, #tpu.memory_space<vmem>>, vector<1x16xf32>,
        %get3A_852 = vector.shape_cast %get3A_851 : vector<1x16xf32> to vector<16xf32>
        %mul3A_853 = arith.constant 20 : i32
        %mul3A_854 = arith.muli %scan3A_109, %mul3A_853 : i32
        %add3A_855 = arith.constant 1 : i32
        %add3A_856 = arith.addi %mul3A_854, %add3A_855 : i32
        %get3A_857 = arith.index_cast %add3A_856 : i32 to index
        %get3A_858 = arith.constant 64 : index
        %get3A_859 = tpu.vector_load %arg9[%get3A_857, %get3A_858] {strides = array<i32>} : memref<320x128xf32, #tpu.memory_space<vmem>>, vector<1x16xf32>,
        %get3A_860 = vector.shape_cast %get3A_859 : vector<1x16xf32> to vector<16xf32>
        %mul3A_861 = arith.constant 20 : i32
        %mul3A_862 = arith.muli %scan3A_109, %mul3A_861 : i32
        %add3A_863 = arith.constant 2 : i32
        %add3A_864 = arith.addi %mul3A_862, %add3A_863 : i32
        %get3A_865 = arith.index_cast %add3A_864 : i32 to index
        %get3A_866 = arith.constant 64 : index
        %get3A_867 = tpu.vector_load %arg9[%get3A_865, %get3A_866] {strides = array<i32>} : memref<320x128xf32, #tpu.memory_space<vmem>>, vector<1x16xf32>,
        %get3A_868 = vector.shape_cast %get3A_867 : vector<1x16xf32> to vector<16xf32>
        %mul3A_869 = arith.constant 20 : i32
        %mul3A_870 = arith.muli %scan3A_109, %mul3A_869 : i32
        %add3A_871 = arith.constant 3 : i32
        %add3A_872 = arith.addi %mul3A_870, %add3A_871 : i32
        %get3A_873 = arith.index_cast %add3A_872 : i32 to index
        %get3A_874 = arith.constant 64 : index
        %get3A_875 = tpu.vector_load %arg9[%get3A_873, %get3A_874] {strides = array<i32>} : memref<320x128xf32, #tpu.memory_space<vmem>>, vector<1x16xf32>,
        %get3A_876 = vector.shape_cast %get3A_875 : vector<1x16xf32> to vector<16xf32>
        %mul3A_877 = arith.constant 20 : i32
        %mul3A_878 = arith.muli %scan3A_109, %mul3A_877 : i32
        %add3A_879 = arith.constant 4 : i32
        %add3A_880 = arith.addi %mul3A_878, %add3A_879 : i32
        %get3A_881 = arith.index_cast %add3A_880 : i32 to index
        %get3A_882 = arith.constant 64 : index
        %get3A_883 = tpu.vector_load %arg9[%get3A_881, %get3A_882] {strides = array<i32>} : memref<320x128xf32, #tpu.memory_space<vmem>>, vector<1x16xf32>,
        %get3A_884 = vector.shape_cast %get3A_883 : vector<1x16xf32> to vector<16xf32>
        %add3A_885 = arith.addf %get3A_852, %get3A_884 : vector<16xf32>
        %mul3A_886 = arith.constant 20 : i32
        %mul3A_887 = arith.muli %scan3A_109, %mul3A_886 : i32
        %add3A_888 = arith.constant 5 : i32
        %add3A_889 = arith.addi %mul3A_887, %add3A_888 : i32
        %get3A_890 = arith.index_cast %add3A_889 : i32 to index
        %get3A_891 = arith.constant 64 : index
        %get3A_892 = tpu.vector_load %arg9[%get3A_890, %get3A_891] {strides = array<i32>} : memref<320x128xf32, #tpu.memory_space<vmem>>, vector<1x16xf32>,
        %get3A_893 = vector.shape_cast %get3A_892 : vector<1x16xf32> to vector<16xf32>
        %add3A_894 = arith.addf %get3A_860, %get3A_893 : vector<16xf32>
        %mul3A_895 = arith.constant 20 : i32
        %mul3A_896 = arith.muli %scan3A_109, %mul3A_895 : i32
        %add3A_897 = arith.constant 6 : i32
        %add3A_898 = arith.addi %mul3A_896, %add3A_897 : i32
        %get3A_899 = arith.index_cast %add3A_898 : i32 to index
        %get3A_900 = arith.constant 64 : index
        %get3A_901 = tpu.vector_load %arg9[%get3A_899, %get3A_900] {strides = array<i32>} : memref<320x128xf32, #tpu.memory_space<vmem>>, vector<1x16xf32>,
        %get3A_902 = vector.shape_cast %get3A_901 : vector<1x16xf32> to vector<16xf32>
        %add3A_903 = arith.addf %get3A_868, %get3A_902 : vector<16xf32>
        %mul3A_904 = arith.constant 20 : i32
        %mul3A_905 = arith.muli %scan3A_109, %mul3A_904 : i32
        %add3A_906 = arith.constant 7 : i32
        %add3A_907 = arith.addi %mul3A_905, %add3A_906 : i32
        %get3A_908 = arith.index_cast %add3A_907 : i32 to index
        %get3A_909 = arith.constant 64 : index
        %get3A_910 = tpu.vector_load %arg9[%get3A_908, %get3A_909] {strides = array<i32>} : memref<320x128xf32, #tpu.memory_space<vmem>>, vector<1x16xf32>,
        %get3A_911 = vector.shape_cast %get3A_910 : vector<1x16xf32> to vector<16xf32>
        %add3A_912 = arith.addf %get3A_876, %get3A_911 : vector<16xf32>
        %mul3A_913 = arith.constant 20 : i32
        %mul3A_914 = arith.muli %scan3A_109, %mul3A_913 : i32
        %add3A_915 = arith.constant 8 : i32
        %add3A_916 = arith.addi %mul3A_914, %add3A_915 : i32
        %get3A_917 = arith.index_cast %add3A_916 : i32 to index
        %get3A_918 = arith.constant 64 : index
        %get3A_919 = tpu.vector_load %arg9[%get3A_917, %get3A_918] {strides = array<i32>} : memref<320x128xf32, #tpu.memory_space<vmem>>, vector<1x16xf32>,
        %get3A_920 = vector.shape_cast %get3A_919 : vector<1x16xf32> to vector<16xf32>
        %add3A_921 = arith.addf %add3A_885, %get3A_920 : vector<16xf32>
        %mul3A_922 = arith.constant 20 : i32
        %mul3A_923 = arith.muli %scan3A_109, %mul3A_922 : i32
        %add3A_924 = arith.constant 9 : i32
        %add3A_925 = arith.addi %mul3A_923, %add3A_924 : i32
        %get3A_926 = arith.index_cast %add3A_925 : i32 to index
        %get3A_927 = arith.constant 64 : index
        %get3A_928 = tpu.vector_load %arg9[%get3A_926, %get3A_927] {strides = array<i32>} : memref<320x128xf32, #tpu.memory_space<vmem>>, vector<1x16xf32>,
        %get3A_929 = vector.shape_cast %get3A_928 : vector<1x16xf32> to vector<16xf32>
        %add3A_930 = arith.addf %add3A_894, %get3A_929 : vector<16xf32>
        %mul3A_931 = arith.constant 20 : i32
        %mul3A_932 = arith.muli %scan3A_109, %mul3A_931 : i32
        %add3A_933 = arith.constant 10 : i32
        %add3A_934 = arith.addi %mul3A_932, %add3A_933 : i32
        %get3A_935 = arith.index_cast %add3A_934 : i32 to index
        %get3A_936 = arith.constant 64 : index
        %get3A_937 = tpu.vector_load %arg9[%get3A_935, %get3A_936] {strides = array<i32>} : memref<320x128xf32, #tpu.memory_space<vmem>>, vector<1x16xf32>,
        %get3A_938 = vector.shape_cast %get3A_937 : vector<1x16xf32> to vector<16xf32>
        %add3A_939 = arith.addf %add3A_903, %get3A_938 : vector<16xf32>
        %mul3A_940 = arith.constant 20 : i32
        %mul3A_941 = arith.muli %scan3A_109, %mul3A_940 : i32
        %add3A_942 = arith.constant 11 : i32
        %add3A_943 = arith.addi %mul3A_941, %add3A_942 : i32
        %get3A_944 = arith.index_cast %add3A_943 : i32 to index
        %get3A_945 = arith.constant 64 : index
        %get3A_946 = tpu.vector_load %arg9[%get3A_944, %get3A_945] {strides = array<i32>} : memref<320x128xf32, #tpu.memory_space<vmem>>, vector<1x16xf32>,
        %get3A_947 = vector.shape_cast %get3A_946 : vector<1x16xf32> to vector<16xf32>
        %add3A_948 = arith.addf %add3A_912, %get3A_947 : vector<16xf32>
        %mul3A_949 = arith.constant 20 : i32
        %mul3A_950 = arith.muli %scan3A_109, %mul3A_949 : i32
        %add3A_951 = arith.constant 12 : i32
        %add3A_952 = arith.addi %mul3A_950, %add3A_951 : i32
        %get3A_953 = arith.index_cast %add3A_952 : i32 to index
        %get3A_954 = arith.constant 64 : index
        %get3A_955 = tpu.vector_load %arg9[%get3A_953, %get3A_954] {strides = array<i32>} : memref<320x128xf32, #tpu.memory_space<vmem>>, vector<1x16xf32>,
        %get3A_956 = vector.shape_cast %get3A_955 : vector<1x16xf32> to vector<16xf32>
        %add3A_957 = arith.addf %add3A_921, %get3A_956 : vector<16xf32>
        %mul3A_958 = arith.constant 20 : i32
        %mul3A_959 = arith.muli %scan3A_109, %mul3A_958 : i32
        %add3A_960 = arith.constant 13 : i32
        %add3A_961 = arith.addi %mul3A_959, %add3A_960 : i32
        %get3A_962 = arith.index_cast %add3A_961 : i32 to index
        %get3A_963 = arith.constant 64 : index
        %get3A_964 = tpu.vector_load %arg9[%get3A_962, %get3A_963] {strides = array<i32>} : memref<320x128xf32, #tpu.memory_space<vmem>>, vector<1x16xf32>,
        %get3A_965 = vector.shape_cast %get3A_964 : vector<1x16xf32> to vector<16xf32>
        %add3A_966 = arith.addf %add3A_930, %get3A_965 : vector<16xf32>
        %mul3A_967 = arith.constant 20 : i32
        %mul3A_968 = arith.muli %scan3A_109, %mul3A_967 : i32
        %add3A_969 = arith.constant 14 : i32
        %add3A_970 = arith.addi %mul3A_968, %add3A_969 : i32
        %get3A_971 = arith.index_cast %add3A_970 : i32 to index
        %get3A_972 = arith.constant 64 : index
        %get3A_973 = tpu.vector_load %arg9[%get3A_971, %get3A_972] {strides = array<i32>} : memref<320x128xf32, #tpu.memory_space<vmem>>, vector<1x16xf32>,
        %get3A_974 = vector.shape_cast %get3A_973 : vector<1x16xf32> to vector<16xf32>
        %add3A_975 = arith.addf %add3A_939, %get3A_974 : vector<16xf32>
        %mul3A_976 = arith.constant 20 : i32
        %mul3A_977 = arith.muli %scan3A_109, %mul3A_976 : i32
        %add3A_978 = arith.constant 15 : i32
        %add3A_979 = arith.addi %mul3A_977, %add3A_978 : i32
        %get3A_980 = arith.index_cast %add3A_979 : i32 to index
        %get3A_981 = arith.constant 64 : index
        %get3A_982 = tpu.vector_load %arg9[%get3A_980, %get3A_981] {strides = array<i32>} : memref<320x128xf32, #tpu.memory_space<vmem>>, vector<1x16xf32>,
        %get3A_983 = vector.shape_cast %get3A_982 : vector<1x16xf32> to vector<16xf32>
        %add3A_984 = arith.addf %add3A_948, %get3A_983 : vector<16xf32>
        %mul3A_985 = arith.constant 20 : i32
        %mul3A_986 = arith.muli %scan3A_109, %mul3A_985 : i32
        %add3A_987 = arith.constant 16 : i32
        %add3A_988 = arith.addi %mul3A_986, %add3A_987 : i32
        %get3A_989 = arith.index_cast %add3A_988 : i32 to index
        %get3A_990 = arith.constant 64 : index
        %get3A_991 = tpu.vector_load %arg9[%get3A_989, %get3A_990] {strides = array<i32>} : memref<320x128xf32, #tpu.memory_space<vmem>>, vector<1x16xf32>,
        %get3A_992 = vector.shape_cast %get3A_991 : vector<1x16xf32> to vector<16xf32>
        %add3A_993 = arith.addf %add3A_957, %get3A_992 : vector<16xf32>
        %mul3A_994 = arith.constant 20 : i32
        %mul3A_995 = arith.muli %scan3A_109, %mul3A_994 : i32
        %add3A_996 = arith.constant 17 : i32
        %add3A_997 = arith.addi %mul3A_995, %add3A_996 : i32
        %get3A_998 = arith.index_cast %add3A_997 : i32 to index
        %get3A_999 = arith.constant 64 : index
        %get3A_1000 = tpu.vector_load %arg9[%get3A_998, %get3A_999] {strides = array<i32>} : memref<320x128xf32, #tpu.memory_space<vmem>>, vector<1x16xf32>,
        %get3A_1001 = vector.shape_cast %get3A_1000 : vector<1x16xf32> to vector<16xf32>
        %add3A_1002 = arith.addf %add3A_966, %get3A_1001 : vector<16xf32>
        %mul3A_1003 = arith.constant 20 : i32
        %mul3A_1004 = arith.muli %scan3A_109, %mul3A_1003 : i32
        %add3A_1005 = arith.constant 18 : i32
        %add3A_1006 = arith.addi %mul3A_1004, %add3A_1005 : i32
        %get3A_1007 = arith.index_cast %add3A_1006 : i32 to index
        %get3A_1008 = arith.constant 64 : index
        %get3A_1009 = tpu.vector_load %arg9[%get3A_1007, %get3A_1008] {strides = array<i32>} : memref<320x128xf32, #tpu.memory_space<vmem>>, vector<1x16xf32>,
        %get3A_1010 = vector.shape_cast %get3A_1009 : vector<1x16xf32> to vector<16xf32>
        %add3A_1011 = arith.addf %add3A_975, %get3A_1010 : vector<16xf32>
        %mul3A_1012 = arith.constant 20 : i32
        %mul3A_1013 = arith.muli %scan3A_109, %mul3A_1012 : i32
        %add3A_1014 = arith.constant 19 : i32
        %add3A_1015 = arith.addi %mul3A_1013, %add3A_1014 : i32
        %get3A_1016 = arith.index_cast %add3A_1015 : i32 to index
        %get3A_1017 = arith.constant 64 : index
        %get3A_1018 = tpu.vector_load %arg9[%get3A_1016, %get3A_1017] {strides = array<i32>} : memref<320x128xf32, #tpu.memory_space<vmem>>, vector<1x16xf32>,
        %get3A_1019 = vector.shape_cast %get3A_1018 : vector<1x16xf32> to vector<16xf32>
        %add3A_1020 = arith.addf %add3A_984, %get3A_1019 : vector<16xf32>
        %add3A_1021 = arith.addf %add3A_993, %add3A_1002 : vector<16xf32>
        %add3A_1022 = arith.addf %add3A_1011, %add3A_1020 : vector<16xf32>
        %add3A_1023 = arith.addf %add3A_1021, %add3A_1022 : vector<16xf32>
        %swap3A_1024 = arith.index_cast %scan3A_109 : i32 to index
        %swap3A_1025 = arith.constant 64 : index
        %swap3A_1026 = tpu.vector_load %arg11[%swap3A_1024, %swap3A_1025] {strides = array<i32>} : memref<16x128xf32, #tpu.memory_space<vmem>>, vector<1x16xf32>,
        %swap3A_1027 = vector.shape_cast %swap3A_1026 : vector<1x16xf32> to vector<16xf32>
        %swap3A_1028 = vector.shape_cast %add3A_1023 : vector<16xf32> to vector<1x16xf32>
        tpu.vector_store %arg11[%swap3A_1024, %swap3A_1025], %swap3A_1028 {strides = array<i32>} : memref<16x128xf32, #tpu.memory_space<vmem>>, vector<1x16xf32>,
        %mul3A_1029 = arith.constant 20 : i32
        %mul3A_1030 = arith.muli %scan3A_109, %mul3A_1029 : i32
        %add3A_1031 = arith.constant 0 : i32
        %add3A_1032 = arith.addi %mul3A_1030, %add3A_1031 : i32
        %get3A_1033 = arith.index_cast %add3A_1032 : i32 to index
        %get3A_1034 = arith.constant 80 : index
        %get3A_1035 = tpu.vector_load %arg9[%get3A_1033, %get3A_1034] {strides = array<i32>} : memref<320x128xf32, #tpu.memory_space<vmem>>, vector<1x16xf32>,
        %get3A_1036 = vector.shape_cast %get3A_1035 : vector<1x16xf32> to vector<16xf32>
        %mul3A_1037 = arith.constant 20 : i32
        %mul3A_1038 = arith.muli %scan3A_109, %mul3A_1037 : i32
        %add3A_1039 = arith.constant 1 : i32
        %add3A_1040 = arith.addi %mul3A_1038, %add3A_1039 : i32
        %get3A_1041 = arith.index_cast %add3A_1040 : i32 to index
        %get3A_1042 = arith.constant 80 : index
        %get3A_1043 = tpu.vector_load %arg9[%get3A_1041, %get3A_1042] {strides = array<i32>} : memref<320x128xf32, #tpu.memory_space<vmem>>, vector<1x16xf32>,
        %get3A_1044 = vector.shape_cast %get3A_1043 : vector<1x16xf32> to vector<16xf32>
        %mul3A_1045 = arith.constant 20 : i32
        %mul3A_1046 = arith.muli %scan3A_109, %mul3A_1045 : i32
        %add3A_1047 = arith.constant 2 : i32
        %add3A_1048 = arith.addi %mul3A_1046, %add3A_1047 : i32
        %get3A_1049 = arith.index_cast %add3A_1048 : i32 to index
        %get3A_1050 = arith.constant 80 : index
        %get3A_1051 = tpu.vector_load %arg9[%get3A_1049, %get3A_1050] {strides = array<i32>} : memref<320x128xf32, #tpu.memory_space<vmem>>, vector<1x16xf32>,
        %get3A_1052 = vector.shape_cast %get3A_1051 : vector<1x16xf32> to vector<16xf32>
        %mul3A_1053 = arith.constant 20 : i32
        %mul3A_1054 = arith.muli %scan3A_109, %mul3A_1053 : i32
        %add3A_1055 = arith.constant 3 : i32
        %add3A_1056 = arith.addi %mul3A_1054, %add3A_1055 : i32
        %get3A_1057 = arith.index_cast %add3A_1056 : i32 to index
        %get3A_1058 = arith.constant 80 : index
        %get3A_1059 = tpu.vector_load %arg9[%get3A_1057, %get3A_1058] {strides = array<i32>} : memref<320x128xf32, #tpu.memory_space<vmem>>, vector<1x16xf32>,
        %get3A_1060 = vector.shape_cast %get3A_1059 : vector<1x16xf32> to vector<16xf32>
        %mul3A_1061 = arith.constant 20 : i32
        %mul3A_1062 = arith.muli %scan3A_109, %mul3A_1061 : i32
        %add3A_1063 = arith.constant 4 : i32
        %add3A_1064 = arith.addi %mul3A_1062, %add3A_1063 : i32
        %get3A_1065 = arith.index_cast %add3A_1064 : i32 to index
        %get3A_1066 = arith.constant 80 : index
        %get3A_1067 = tpu.vector_load %arg9[%get3A_1065, %get3A_1066] {strides = array<i32>} : memref<320x128xf32, #tpu.memory_space<vmem>>, vector<1x16xf32>,
        %get3A_1068 = vector.shape_cast %get3A_1067 : vector<1x16xf32> to vector<16xf32>
        %add3A_1069 = arith.addf %get3A_1036, %get3A_1068 : vector<16xf32>
        %mul3A_1070 = arith.constant 20 : i32
        %mul3A_1071 = arith.muli %scan3A_109, %mul3A_1070 : i32
        %add3A_1072 = arith.constant 5 : i32
        %add3A_1073 = arith.addi %mul3A_1071, %add3A_1072 : i32
        %get3A_1074 = arith.index_cast %add3A_1073 : i32 to index
        %get3A_1075 = arith.constant 80 : index
        %get3A_1076 = tpu.vector_load %arg9[%get3A_1074, %get3A_1075] {strides = array<i32>} : memref<320x128xf32, #tpu.memory_space<vmem>>, vector<1x16xf32>,
        %get3A_1077 = vector.shape_cast %get3A_1076 : vector<1x16xf32> to vector<16xf32>
        %add3A_1078 = arith.addf %get3A_1044, %get3A_1077 : vector<16xf32>
        %mul3A_1079 = arith.constant 20 : i32
        %mul3A_1080 = arith.muli %scan3A_109, %mul3A_1079 : i32
        %add3A_1081 = arith.constant 6 : i32
        %add3A_1082 = arith.addi %mul3A_1080, %add3A_1081 : i32
        %get3A_1083 = arith.index_cast %add3A_1082 : i32 to index
        %get3A_1084 = arith.constant 80 : index
        %get3A_1085 = tpu.vector_load %arg9[%get3A_1083, %get3A_1084] {strides = array<i32>} : memref<320x128xf32, #tpu.memory_space<vmem>>, vector<1x16xf32>,
        %get3A_1086 = vector.shape_cast %get3A_1085 : vector<1x16xf32> to vector<16xf32>
        %add3A_1087 = arith.addf %get3A_1052, %get3A_1086 : vector<16xf32>
        %mul3A_1088 = arith.constant 20 : i32
        %mul3A_1089 = arith.muli %scan3A_109, %mul3A_1088 : i32
        %add3A_1090 = arith.constant 7 : i32
        %add3A_1091 = arith.addi %mul3A_1089, %add3A_1090 : i32
        %get3A_1092 = arith.index_cast %add3A_1091 : i32 to index
        %get3A_1093 = arith.constant 80 : index
        %get3A_1094 = tpu.vector_load %arg9[%get3A_1092, %get3A_1093] {strides = array<i32>} : memref<320x128xf32, #tpu.memory_space<vmem>>, vector<1x16xf32>,
        %get3A_1095 = vector.shape_cast %get3A_1094 : vector<1x16xf32> to vector<16xf32>
        %add3A_1096 = arith.addf %get3A_1060, %get3A_1095 : vector<16xf32>
        %mul3A_1097 = arith.constant 20 : i32
        %mul3A_1098 = arith.muli %scan3A_109, %mul3A_1097 : i32
        %add3A_1099 = arith.constant 8 : i32
        %add3A_1100 = arith.addi %mul3A_1098, %add3A_1099 : i32
        %get3A_1101 = arith.index_cast %add3A_1100 : i32 to index
        %get3A_1102 = arith.constant 80 : index
        %get3A_1103 = tpu.vector_load %arg9[%get3A_1101, %get3A_1102] {strides = array<i32>} : memref<320x128xf32, #tpu.memory_space<vmem>>, vector<1x16xf32>,
        %get3A_1104 = vector.shape_cast %get3A_1103 : vector<1x16xf32> to vector<16xf32>
        %add3A_1105 = arith.addf %add3A_1069, %get3A_1104 : vector<16xf32>
        %mul3A_1106 = arith.constant 20 : i32
        %mul3A_1107 = arith.muli %scan3A_109, %mul3A_1106 : i32
        %add3A_1108 = arith.constant 9 : i32
        %add3A_1109 = arith.addi %mul3A_1107, %add3A_1108 : i32
        %get3A_1110 = arith.index_cast %add3A_1109 : i32 to index
        %get3A_1111 = arith.constant 80 : index
        %get3A_1112 = tpu.vector_load %arg9[%get3A_1110, %get3A_1111] {strides = array<i32>} : memref<320x128xf32, #tpu.memory_space<vmem>>, vector<1x16xf32>,
        %get3A_1113 = vector.shape_cast %get3A_1112 : vector<1x16xf32> to vector<16xf32>
        %add3A_1114 = arith.addf %add3A_1078, %get3A_1113 : vector<16xf32>
        %mul3A_1115 = arith.constant 20 : i32
        %mul3A_1116 = arith.muli %scan3A_109, %mul3A_1115 : i32
        %add3A_1117 = arith.constant 10 : i32
        %add3A_1118 = arith.addi %mul3A_1116, %add3A_1117 : i32
        %get3A_1119 = arith.index_cast %add3A_1118 : i32 to index
        %get3A_1120 = arith.constant 80 : index
        %get3A_1121 = tpu.vector_load %arg9[%get3A_1119, %get3A_1120] {strides = array<i32>} : memref<320x128xf32, #tpu.memory_space<vmem>>, vector<1x16xf32>,
        %get3A_1122 = vector.shape_cast %get3A_1121 : vector<1x16xf32> to vector<16xf32>
        %add3A_1123 = arith.addf %add3A_1087, %get3A_1122 : vector<16xf32>
        %mul3A_1124 = arith.constant 20 : i32
        %mul3A_1125 = arith.muli %scan3A_109, %mul3A_1124 : i32
        %add3A_1126 = arith.constant 11 : i32
        %add3A_1127 = arith.addi %mul3A_1125, %add3A_1126 : i32
        %get3A_1128 = arith.index_cast %add3A_1127 : i32 to index
        %get3A_1129 = arith.constant 80 : index
        %get3A_1130 = tpu.vector_load %arg9[%get3A_1128, %get3A_1129] {strides = array<i32>} : memref<320x128xf32, #tpu.memory_space<vmem>>, vector<1x16xf32>,
        %get3A_1131 = vector.shape_cast %get3A_1130 : vector<1x16xf32> to vector<16xf32>
        %add3A_1132 = arith.addf %add3A_1096, %get3A_1131 : vector<16xf32>
        %mul3A_1133 = arith.constant 20 : i32
        %mul3A_1134 = arith.muli %scan3A_109, %mul3A_1133 : i32
        %add3A_1135 = arith.constant 12 : i32
        %add3A_1136 = arith.addi %mul3A_1134, %add3A_1135 : i32
        %get3A_1137 = arith.index_cast %add3A_1136 : i32 to index
        %get3A_1138 = arith.constant 80 : index
        %get3A_1139 = tpu.vector_load %arg9[%get3A_1137, %get3A_1138] {strides = array<i32>} : memref<320x128xf32, #tpu.memory_space<vmem>>, vector<1x16xf32>,
        %get3A_1140 = vector.shape_cast %get3A_1139 : vector<1x16xf32> to vector<16xf32>
        %add3A_1141 = arith.addf %add3A_1105, %get3A_1140 : vector<16xf32>
        %mul3A_1142 = arith.constant 20 : i32
        %mul3A_1143 = arith.muli %scan3A_109, %mul3A_1142 : i32
        %add3A_1144 = arith.constant 13 : i32
        %add3A_1145 = arith.addi %mul3A_1143, %add3A_1144 : i32
        %get3A_1146 = arith.index_cast %add3A_1145 : i32 to index
        %get3A_1147 = arith.constant 80 : index
        %get3A_1148 = tpu.vector_load %arg9[%get3A_1146, %get3A_1147] {strides = array<i32>} : memref<320x128xf32, #tpu.memory_space<vmem>>, vector<1x16xf32>,
        %get3A_1149 = vector.shape_cast %get3A_1148 : vector<1x16xf32> to vector<16xf32>
        %add3A_1150 = arith.addf %add3A_1114, %get3A_1149 : vector<16xf32>
        %mul3A_1151 = arith.constant 20 : i32
        %mul3A_1152 = arith.muli %scan3A_109, %mul3A_1151 : i32
        %add3A_1153 = arith.constant 14 : i32
        %add3A_1154 = arith.addi %mul3A_1152, %add3A_1153 : i32
        %get3A_1155 = arith.index_cast %add3A_1154 : i32 to index
        %get3A_1156 = arith.constant 80 : index
        %get3A_1157 = tpu.vector_load %arg9[%get3A_1155, %get3A_1156] {strides = array<i32>} : memref<320x128xf32, #tpu.memory_space<vmem>>, vector<1x16xf32>,
        %get3A_1158 = vector.shape_cast %get3A_1157 : vector<1x16xf32> to vector<16xf32>
        %add3A_1159 = arith.addf %add3A_1123, %get3A_1158 : vector<16xf32>
        %mul3A_1160 = arith.constant 20 : i32
        %mul3A_1161 = arith.muli %scan3A_109, %mul3A_1160 : i32
        %add3A_1162 = arith.constant 15 : i32
        %add3A_1163 = arith.addi %mul3A_1161, %add3A_1162 : i32
        %get3A_1164 = arith.index_cast %add3A_1163 : i32 to index
        %get3A_1165 = arith.constant 80 : index
        %get3A_1166 = tpu.vector_load %arg9[%get3A_1164, %get3A_1165] {strides = array<i32>} : memref<320x128xf32, #tpu.memory_space<vmem>>, vector<1x16xf32>,
        %get3A_1167 = vector.shape_cast %get3A_1166 : vector<1x16xf32> to vector<16xf32>
        %add3A_1168 = arith.addf %add3A_1132, %get3A_1167 : vector<16xf32>
        %mul3A_1169 = arith.constant 20 : i32
        %mul3A_1170 = arith.muli %scan3A_109, %mul3A_1169 : i32
        %add3A_1171 = arith.constant 16 : i32
        %add3A_1172 = arith.addi %mul3A_1170, %add3A_1171 : i32
        %get3A_1173 = arith.index_cast %add3A_1172 : i32 to index
        %get3A_1174 = arith.constant 80 : index
        %get3A_1175 = tpu.vector_load %arg9[%get3A_1173, %get3A_1174] {strides = array<i32>} : memref<320x128xf32, #tpu.memory_space<vmem>>, vector<1x16xf32>,
        %get3A_1176 = vector.shape_cast %get3A_1175 : vector<1x16xf32> to vector<16xf32>
        %add3A_1177 = arith.addf %add3A_1141, %get3A_1176 : vector<16xf32>
        %mul3A_1178 = arith.constant 20 : i32
        %mul3A_1179 = arith.muli %scan3A_109, %mul3A_1178 : i32
        %add3A_1180 = arith.constant 17 : i32
        %add3A_1181 = arith.addi %mul3A_1179, %add3A_1180 : i32
        %get3A_1182 = arith.index_cast %add3A_1181 : i32 to index
        %get3A_1183 = arith.constant 80 : index
        %get3A_1184 = tpu.vector_load %arg9[%get3A_1182, %get3A_1183] {strides = array<i32>} : memref<320x128xf32, #tpu.memory_space<vmem>>, vector<1x16xf32>,
        %get3A_1185 = vector.shape_cast %get3A_1184 : vector<1x16xf32> to vector<16xf32>
        %add3A_1186 = arith.addf %add3A_1150, %get3A_1185 : vector<16xf32>
        %mul3A_1187 = arith.constant 20 : i32
        %mul3A_1188 = arith.muli %scan3A_109, %mul3A_1187 : i32
        %add3A_1189 = arith.constant 18 : i32
        %add3A_1190 = arith.addi %mul3A_1188, %add3A_1189 : i32
        %get3A_1191 = arith.index_cast %add3A_1190 : i32 to index
        %get3A_1192 = arith.constant 80 : index
        %get3A_1193 = tpu.vector_load %arg9[%get3A_1191, %get3A_1192] {strides = array<i32>} : memref<320x128xf32, #tpu.memory_space<vmem>>, vector<1x16xf32>,
        %get3A_1194 = vector.shape_cast %get3A_1193 : vector<1x16xf32> to vector<16xf32>
        %add3A_1195 = arith.addf %add3A_1159, %get3A_1194 : vector<16xf32>
        %mul3A_1196 = arith.constant 20 : i32
        %mul3A_1197 = arith.muli %scan3A_109, %mul3A_1196 : i32
        %add3A_1198 = arith.constant 19 : i32
        %add3A_1199 = arith.addi %mul3A_1197, %add3A_1198 : i32
        %get3A_1200 = arith.index_cast %add3A_1199 : i32 to index
        %get3A_1201 = arith.constant 80 : index
        %get3A_1202 = tpu.vector_load %arg9[%get3A_1200, %get3A_1201] {strides = array<i32>} : memref<320x128xf32, #tpu.memory_space<vmem>>, vector<1x16xf32>,
        %get3A_1203 = vector.shape_cast %get3A_1202 : vector<1x16xf32> to vector<16xf32>
        %add3A_1204 = arith.addf %add3A_1168, %get3A_1203 : vector<16xf32>
        %add3A_1205 = arith.addf %add3A_1177, %add3A_1186 : vector<16xf32>
        %add3A_1206 = arith.addf %add3A_1195, %add3A_1204 : vector<16xf32>
        %add3A_1207 = arith.addf %add3A_1205, %add3A_1206 : vector<16xf32>
        %swap3A_1208 = arith.index_cast %scan3A_109 : i32 to index
        %swap3A_1209 = arith.constant 80 : index
        %swap3A_1210 = tpu.vector_load %arg11[%swap3A_1208, %swap3A_1209] {strides = array<i32>} : memref<16x128xf32, #tpu.memory_space<vmem>>, vector<1x16xf32>,
        %swap3A_1211 = vector.shape_cast %swap3A_1210 : vector<1x16xf32> to vector<16xf32>
        %swap3A_1212 = vector.shape_cast %add3A_1207 : vector<16xf32> to vector<1x16xf32>
        tpu.vector_store %arg11[%swap3A_1208, %swap3A_1209], %swap3A_1212 {strides = array<i32>} : memref<16x128xf32, #tpu.memory_space<vmem>>, vector<1x16xf32>,
        %mul3A_1213 = arith.constant 20 : i32
        %mul3A_1214 = arith.muli %scan3A_109, %mul3A_1213 : i32
        %add3A_1215 = arith.constant 0 : i32
        %add3A_1216 = arith.addi %mul3A_1214, %add3A_1215 : i32
        %get3A_1217 = arith.index_cast %add3A_1216 : i32 to index
        %get3A_1218 = arith.constant 96 : index
        %get3A_1219 = tpu.vector_load %arg9[%get3A_1217, %get3A_1218] {strides = array<i32>} : memref<320x128xf32, #tpu.memory_space<vmem>>, vector<1x16xf32>,
        %get3A_1220 = vector.shape_cast %get3A_1219 : vector<1x16xf32> to vector<16xf32>
        %mul3A_1221 = arith.constant 20 : i32
        %mul3A_1222 = arith.muli %scan3A_109, %mul3A_1221 : i32
        %add3A_1223 = arith.constant 1 : i32
        %add3A_1224 = arith.addi %mul3A_1222, %add3A_1223 : i32
        %get3A_1225 = arith.index_cast %add3A_1224 : i32 to index
        %get3A_1226 = arith.constant 96 : index
        %get3A_1227 = tpu.vector_load %arg9[%get3A_1225, %get3A_1226] {strides = array<i32>} : memref<320x128xf32, #tpu.memory_space<vmem>>, vector<1x16xf32>,
        %get3A_1228 = vector.shape_cast %get3A_1227 : vector<1x16xf32> to vector<16xf32>
        %mul3A_1229 = arith.constant 20 : i32
        %mul3A_1230 = arith.muli %scan3A_109, %mul3A_1229 : i32
        %add3A_1231 = arith.constant 2 : i32
        %add3A_1232 = arith.addi %mul3A_1230, %add3A_1231 : i32
        %get3A_1233 = arith.index_cast %add3A_1232 : i32 to index
        %get3A_1234 = arith.constant 96 : index
        %get3A_1235 = tpu.vector_load %arg9[%get3A_1233, %get3A_1234] {strides = array<i32>} : memref<320x128xf32, #tpu.memory_space<vmem>>, vector<1x16xf32>,
        %get3A_1236 = vector.shape_cast %get3A_1235 : vector<1x16xf32> to vector<16xf32>
        %mul3A_1237 = arith.constant 20 : i32
        %mul3A_1238 = arith.muli %scan3A_109, %mul3A_1237 : i32
        %add3A_1239 = arith.constant 3 : i32
        %add3A_1240 = arith.addi %mul3A_1238, %add3A_1239 : i32
        %get3A_1241 = arith.index_cast %add3A_1240 : i32 to index
        %get3A_1242 = arith.constant 96 : index
        %get3A_1243 = tpu.vector_load %arg9[%get3A_1241, %get3A_1242] {strides = array<i32>} : memref<320x128xf32, #tpu.memory_space<vmem>>, vector<1x16xf32>,
        %get3A_1244 = vector.shape_cast %get3A_1243 : vector<1x16xf32> to vector<16xf32>
        %mul3A_1245 = arith.constant 20 : i32
        %mul3A_1246 = arith.muli %scan3A_109, %mul3A_1245 : i32
        %add3A_1247 = arith.constant 4 : i32
        %add3A_1248 = arith.addi %mul3A_1246, %add3A_1247 : i32
        %get3A_1249 = arith.index_cast %add3A_1248 : i32 to index
        %get3A_1250 = arith.constant 96 : index
        %get3A_1251 = tpu.vector_load %arg9[%get3A_1249, %get3A_1250] {strides = array<i32>} : memref<320x128xf32, #tpu.memory_space<vmem>>, vector<1x16xf32>,
        %get3A_1252 = vector.shape_cast %get3A_1251 : vector<1x16xf32> to vector<16xf32>
        %add3A_1253 = arith.addf %get3A_1220, %get3A_1252 : vector<16xf32>
        %mul3A_1254 = arith.constant 20 : i32
        %mul3A_1255 = arith.muli %scan3A_109, %mul3A_1254 : i32
        %add3A_1256 = arith.constant 5 : i32
        %add3A_1257 = arith.addi %mul3A_1255, %add3A_1256 : i32
        %get3A_1258 = arith.index_cast %add3A_1257 : i32 to index
        %get3A_1259 = arith.constant 96 : index
        %get3A_1260 = tpu.vector_load %arg9[%get3A_1258, %get3A_1259] {strides = array<i32>} : memref<320x128xf32, #tpu.memory_space<vmem>>, vector<1x16xf32>,
        %get3A_1261 = vector.shape_cast %get3A_1260 : vector<1x16xf32> to vector<16xf32>
        %add3A_1262 = arith.addf %get3A_1228, %get3A_1261 : vector<16xf32>
        %mul3A_1263 = arith.constant 20 : i32
        %mul3A_1264 = arith.muli %scan3A_109, %mul3A_1263 : i32
        %add3A_1265 = arith.constant 6 : i32
        %add3A_1266 = arith.addi %mul3A_1264, %add3A_1265 : i32
        %get3A_1267 = arith.index_cast %add3A_1266 : i32 to index
        %get3A_1268 = arith.constant 96 : index
        %get3A_1269 = tpu.vector_load %arg9[%get3A_1267, %get3A_1268] {strides = array<i32>} : memref<320x128xf32, #tpu.memory_space<vmem>>, vector<1x16xf32>,
        %get3A_1270 = vector.shape_cast %get3A_1269 : vector<1x16xf32> to vector<16xf32>
        %add3A_1271 = arith.addf %get3A_1236, %get3A_1270 : vector<16xf32>
        %mul3A_1272 = arith.constant 20 : i32
        %mul3A_1273 = arith.muli %scan3A_109, %mul3A_1272 : i32
        %add3A_1274 = arith.constant 7 : i32
        %add3A_1275 = arith.addi %mul3A_1273, %add3A_1274 : i32
        %get3A_1276 = arith.index_cast %add3A_1275 : i32 to index
        %get3A_1277 = arith.constant 96 : index
        %get3A_1278 = tpu.vector_load %arg9[%get3A_1276, %get3A_1277] {strides = array<i32>} : memref<320x128xf32, #tpu.memory_space<vmem>>, vector<1x16xf32>,
        %get3A_1279 = vector.shape_cast %get3A_1278 : vector<1x16xf32> to vector<16xf32>
        %add3A_1280 = arith.addf %get3A_1244, %get3A_1279 : vector<16xf32>
        %mul3A_1281 = arith.constant 20 : i32
        %mul3A_1282 = arith.muli %scan3A_109, %mul3A_1281 : i32
        %add3A_1283 = arith.constant 8 : i32
        %add3A_1284 = arith.addi %mul3A_1282, %add3A_1283 : i32
        %get3A_1285 = arith.index_cast %add3A_1284 : i32 to index
        %get3A_1286 = arith.constant 96 : index
        %get3A_1287 = tpu.vector_load %arg9[%get3A_1285, %get3A_1286] {strides = array<i32>} : memref<320x128xf32, #tpu.memory_space<vmem>>, vector<1x16xf32>,
        %get3A_1288 = vector.shape_cast %get3A_1287 : vector<1x16xf32> to vector<16xf32>
        %add3A_1289 = arith.addf %add3A_1253, %get3A_1288 : vector<16xf32>
        %mul3A_1290 = arith.constant 20 : i32
        %mul3A_1291 = arith.muli %scan3A_109, %mul3A_1290 : i32
        %add3A_1292 = arith.constant 9 : i32
        %add3A_1293 = arith.addi %mul3A_1291, %add3A_1292 : i32
        %get3A_1294 = arith.index_cast %add3A_1293 : i32 to index
        %get3A_1295 = arith.constant 96 : index
        %get3A_1296 = tpu.vector_load %arg9[%get3A_1294, %get3A_1295] {strides = array<i32>} : memref<320x128xf32, #tpu.memory_space<vmem>>, vector<1x16xf32>,
        %get3A_1297 = vector.shape_cast %get3A_1296 : vector<1x16xf32> to vector<16xf32>
        %add3A_1298 = arith.addf %add3A_1262, %get3A_1297 : vector<16xf32>
        %mul3A_1299 = arith.constant 20 : i32
        %mul3A_1300 = arith.muli %scan3A_109, %mul3A_1299 : i32
        %add3A_1301 = arith.constant 10 : i32
        %add3A_1302 = arith.addi %mul3A_1300, %add3A_1301 : i32
        %get3A_1303 = arith.index_cast %add3A_1302 : i32 to index
        %get3A_1304 = arith.constant 96 : index
        %get3A_1305 = tpu.vector_load %arg9[%get3A_1303, %get3A_1304] {strides = array<i32>} : memref<320x128xf32, #tpu.memory_space<vmem>>, vector<1x16xf32>,
        %get3A_1306 = vector.shape_cast %get3A_1305 : vector<1x16xf32> to vector<16xf32>
        %add3A_1307 = arith.addf %add3A_1271, %get3A_1306 : vector<16xf32>
        %mul3A_1308 = arith.constant 20 : i32
        %mul3A_1309 = arith.muli %scan3A_109, %mul3A_1308 : i32
        %add3A_1310 = arith.constant 11 : i32
        %add3A_1311 = arith.addi %mul3A_1309, %add3A_1310 : i32
        %get3A_1312 = arith.index_cast %add3A_1311 : i32 to index
        %get3A_1313 = arith.constant 96 : index
        %get3A_1314 = tpu.vector_load %arg9[%get3A_1312, %get3A_1313] {strides = array<i32>} : memref<320x128xf32, #tpu.memory_space<vmem>>, vector<1x16xf32>,
        %get3A_1315 = vector.shape_cast %get3A_1314 : vector<1x16xf32> to vector<16xf32>
        %add3A_1316 = arith.addf %add3A_1280, %get3A_1315 : vector<16xf32>
        %mul3A_1317 = arith.constant 20 : i32
        %mul3A_1318 = arith.muli %scan3A_109, %mul3A_1317 : i32
        %add3A_1319 = arith.constant 12 : i32
        %add3A_1320 = arith.addi %mul3A_1318, %add3A_1319 : i32
        %get3A_1321 = arith.index_cast %add3A_1320 : i32 to index
        %get3A_1322 = arith.constant 96 : index
        %get3A_1323 = tpu.vector_load %arg9[%get3A_1321, %get3A_1322] {strides = array<i32>} : memref<320x128xf32, #tpu.memory_space<vmem>>, vector<1x16xf32>,
        %get3A_1324 = vector.shape_cast %get3A_1323 : vector<1x16xf32> to vector<16xf32>
        %add3A_1325 = arith.addf %add3A_1289, %get3A_1324 : vector<16xf32>
        %mul3A_1326 = arith.constant 20 : i32
        %mul3A_1327 = arith.muli %scan3A_109, %mul3A_1326 : i32
        %add3A_1328 = arith.constant 13 : i32
        %add3A_1329 = arith.addi %mul3A_1327, %add3A_1328 : i32
        %get3A_1330 = arith.index_cast %add3A_1329 : i32 to index
        %get3A_1331 = arith.constant 96 : index
        %get3A_1332 = tpu.vector_load %arg9[%get3A_1330, %get3A_1331] {strides = array<i32>} : memref<320x128xf32, #tpu.memory_space<vmem>>, vector<1x16xf32>,
        %get3A_1333 = vector.shape_cast %get3A_1332 : vector<1x16xf32> to vector<16xf32>
        %add3A_1334 = arith.addf %add3A_1298, %get3A_1333 : vector<16xf32>
        %mul3A_1335 = arith.constant 20 : i32
        %mul3A_1336 = arith.muli %scan3A_109, %mul3A_1335 : i32
        %add3A_1337 = arith.constant 14 : i32
        %add3A_1338 = arith.addi %mul3A_1336, %add3A_1337 : i32
        %get3A_1339 = arith.index_cast %add3A_1338 : i32 to index
        %get3A_1340 = arith.constant 96 : index
        %get3A_1341 = tpu.vector_load %arg9[%get3A_1339, %get3A_1340] {strides = array<i32>} : memref<320x128xf32, #tpu.memory_space<vmem>>, vector<1x16xf32>,
        %get3A_1342 = vector.shape_cast %get3A_1341 : vector<1x16xf32> to vector<16xf32>
        %add3A_1343 = arith.addf %add3A_1307, %get3A_1342 : vector<16xf32>
        %mul3A_1344 = arith.constant 20 : i32
        %mul3A_1345 = arith.muli %scan3A_109, %mul3A_1344 : i32
        %add3A_1346 = arith.constant 15 : i32
        %add3A_1347 = arith.addi %mul3A_1345, %add3A_1346 : i32
        %get3A_1348 = arith.index_cast %add3A_1347 : i32 to index
        %get3A_1349 = arith.constant 96 : index
        %get3A_1350 = tpu.vector_load %arg9[%get3A_1348, %get3A_1349] {strides = array<i32>} : memref<320x128xf32, #tpu.memory_space<vmem>>, vector<1x16xf32>,
        %get3A_1351 = vector.shape_cast %get3A_1350 : vector<1x16xf32> to vector<16xf32>
        %add3A_1352 = arith.addf %add3A_1316, %get3A_1351 : vector<16xf32>
        %mul3A_1353 = arith.constant 20 : i32
        %mul3A_1354 = arith.muli %scan3A_109, %mul3A_1353 : i32
        %add3A_1355 = arith.constant 16 : i32
        %add3A_1356 = arith.addi %mul3A_1354, %add3A_1355 : i32
        %get3A_1357 = arith.index_cast %add3A_1356 : i32 to index
        %get3A_1358 = arith.constant 96 : index
        %get3A_1359 = tpu.vector_load %arg9[%get3A_1357, %get3A_1358] {strides = array<i32>} : memref<320x128xf32, #tpu.memory_space<vmem>>, vector<1x16xf32>,
        %get3A_1360 = vector.shape_cast %get3A_1359 : vector<1x16xf32> to vector<16xf32>
        %add3A_1361 = arith.addf %add3A_1325, %get3A_1360 : vector<16xf32>
        %mul3A_1362 = arith.constant 20 : i32
        %mul3A_1363 = arith.muli %scan3A_109, %mul3A_1362 : i32
        %add3A_1364 = arith.constant 17 : i32
        %add3A_1365 = arith.addi %mul3A_1363, %add3A_1364 : i32
        %get3A_1366 = arith.index_cast %add3A_1365 : i32 to index
        %get3A_1367 = arith.constant 96 : index
        %get3A_1368 = tpu.vector_load %arg9[%get3A_1366, %get3A_1367] {strides = array<i32>} : memref<320x128xf32, #tpu.memory_space<vmem>>, vector<1x16xf32>,
        %get3A_1369 = vector.shape_cast %get3A_1368 : vector<1x16xf32> to vector<16xf32>
        %add3A_1370 = arith.addf %add3A_1334, %get3A_1369 : vector<16xf32>
        %mul3A_1371 = arith.constant 20 : i32
        %mul3A_1372 = arith.muli %scan3A_109, %mul3A_1371 : i32
        %add3A_1373 = arith.constant 18 : i32
        %add3A_1374 = arith.addi %mul3A_1372, %add3A_1373 : i32
        %get3A_1375 = arith.index_cast %add3A_1374 : i32 to index
        %get3A_1376 = arith.constant 96 : index
        %get3A_1377 = tpu.vector_load %arg9[%get3A_1375, %get3A_1376] {strides = array<i32>} : memref<320x128xf32, #tpu.memory_space<vmem>>, vector<1x16xf32>,
        %get3A_1378 = vector.shape_cast %get3A_1377 : vector<1x16xf32> to vector<16xf32>
        %add3A_1379 = arith.addf %add3A_1343, %get3A_1378 : vector<16xf32>
        %mul3A_1380 = arith.constant 20 : i32
        %mul3A_1381 = arith.muli %scan3A_109, %mul3A_1380 : i32
        %add3A_1382 = arith.constant 19 : i32
        %add3A_1383 = arith.addi %mul3A_1381, %add3A_1382 : i32
        %get3A_1384 = arith.index_cast %add3A_1383 : i32 to index
        %get3A_1385 = arith.constant 96 : index
        %get3A_1386 = tpu.vector_load %arg9[%get3A_1384, %get3A_1385] {strides = array<i32>} : memref<320x128xf32, #tpu.memory_space<vmem>>, vector<1x16xf32>,
        %get3A_1387 = vector.shape_cast %get3A_1386 : vector<1x16xf32> to vector<16xf32>
        %add3A_1388 = arith.addf %add3A_1352, %get3A_1387 : vector<16xf32>
        %add3A_1389 = arith.addf %add3A_1361, %add3A_1370 : vector<16xf32>
        %add3A_1390 = arith.addf %add3A_1379, %add3A_1388 : vector<16xf32>
        %add3A_1391 = arith.addf %add3A_1389, %add3A_1390 : vector<16xf32>
        %swap3A_1392 = arith.index_cast %scan3A_109 : i32 to index
        %swap3A_1393 = arith.constant 96 : index
        %swap3A_1394 = tpu.vector_load %arg11[%swap3A_1392, %swap3A_1393] {strides = array<i32>} : memref<16x128xf32, #tpu.memory_space<vmem>>, vector<1x16xf32>,
        %swap3A_1395 = vector.shape_cast %swap3A_1394 : vector<1x16xf32> to vector<16xf32>
        %swap3A_1396 = vector.shape_cast %add3A_1391 : vector<16xf32> to vector<1x16xf32>
        tpu.vector_store %arg11[%swap3A_1392, %swap3A_1393], %swap3A_1396 {strides = array<i32>} : memref<16x128xf32, #tpu.memory_space<vmem>>, vector<1x16xf32>,
        %mul3A_1397 = arith.constant 20 : i32
        %mul3A_1398 = arith.muli %scan3A_109, %mul3A_1397 : i32
        %add3A_1399 = arith.constant 0 : i32
        %add3A_1400 = arith.addi %mul3A_1398, %add3A_1399 : i32
        %get3A_1401 = arith.index_cast %add3A_1400 : i32 to index
        %get3A_1402 = arith.constant 112 : index
        %get3A_1403 = tpu.vector_load %arg9[%get3A_1401, %get3A_1402] {strides = array<i32>} : memref<320x128xf32, #tpu.memory_space<vmem>>, vector<1x16xf32>,
        %get3A_1404 = vector.shape_cast %get3A_1403 : vector<1x16xf32> to vector<16xf32>
        %mul3A_1405 = arith.constant 20 : i32
        %mul3A_1406 = arith.muli %scan3A_109, %mul3A_1405 : i32
        %add3A_1407 = arith.constant 1 : i32
        %add3A_1408 = arith.addi %mul3A_1406, %add3A_1407 : i32
        %get3A_1409 = arith.index_cast %add3A_1408 : i32 to index
        %get3A_1410 = arith.constant 112 : index
        %get3A_1411 = tpu.vector_load %arg9[%get3A_1409, %get3A_1410] {strides = array<i32>} : memref<320x128xf32, #tpu.memory_space<vmem>>, vector<1x16xf32>,
        %get3A_1412 = vector.shape_cast %get3A_1411 : vector<1x16xf32> to vector<16xf32>
        %mul3A_1413 = arith.constant 20 : i32
        %mul3A_1414 = arith.muli %scan3A_109, %mul3A_1413 : i32
        %add3A_1415 = arith.constant 2 : i32
        %add3A_1416 = arith.addi %mul3A_1414, %add3A_1415 : i32
        %get3A_1417 = arith.index_cast %add3A_1416 : i32 to index
        %get3A_1418 = arith.constant 112 : index
        %get3A_1419 = tpu.vector_load %arg9[%get3A_1417, %get3A_1418] {strides = array<i32>} : memref<320x128xf32, #tpu.memory_space<vmem>>, vector<1x16xf32>,
        %get3A_1420 = vector.shape_cast %get3A_1419 : vector<1x16xf32> to vector<16xf32>
        %mul3A_1421 = arith.constant 20 : i32
        %mul3A_1422 = arith.muli %scan3A_109, %mul3A_1421 : i32
        %add3A_1423 = arith.constant 3 : i32
        %add3A_1424 = arith.addi %mul3A_1422, %add3A_1423 : i32
        %get3A_1425 = arith.index_cast %add3A_1424 : i32 to index
        %get3A_1426 = arith.constant 112 : index
        %get3A_1427 = tpu.vector_load %arg9[%get3A_1425, %get3A_1426] {strides = array<i32>} : memref<320x128xf32, #tpu.memory_space<vmem>>, vector<1x16xf32>,
        %get3A_1428 = vector.shape_cast %get3A_1427 : vector<1x16xf32> to vector<16xf32>
        %mul3A_1429 = arith.constant 20 : i32
        %mul3A_1430 = arith.muli %scan3A_109, %mul3A_1429 : i32
        %add3A_1431 = arith.constant 4 : i32
        %add3A_1432 = arith.addi %mul3A_1430, %add3A_1431 : i32
        %get3A_1433 = arith.index_cast %add3A_1432 : i32 to index
        %get3A_1434 = arith.constant 112 : index
        %get3A_1435 = tpu.vector_load %arg9[%get3A_1433, %get3A_1434] {strides = array<i32>} : memref<320x128xf32, #tpu.memory_space<vmem>>, vector<1x16xf32>,
        %get3A_1436 = vector.shape_cast %get3A_1435 : vector<1x16xf32> to vector<16xf32>
        %add3A_1437 = arith.addf %get3A_1404, %get3A_1436 : vector<16xf32>
        %mul3A_1438 = arith.constant 20 : i32
        %mul3A_1439 = arith.muli %scan3A_109, %mul3A_1438 : i32
        %add3A_1440 = arith.constant 5 : i32
        %add3A_1441 = arith.addi %mul3A_1439, %add3A_1440 : i32
        %get3A_1442 = arith.index_cast %add3A_1441 : i32 to index
        %get3A_1443 = arith.constant 112 : index
        %get3A_1444 = tpu.vector_load %arg9[%get3A_1442, %get3A_1443] {strides = array<i32>} : memref<320x128xf32, #tpu.memory_space<vmem>>, vector<1x16xf32>,
        %get3A_1445 = vector.shape_cast %get3A_1444 : vector<1x16xf32> to vector<16xf32>
        %add3A_1446 = arith.addf %get3A_1412, %get3A_1445 : vector<16xf32>
        %mul3A_1447 = arith.constant 20 : i32
        %mul3A_1448 = arith.muli %scan3A_109, %mul3A_1447 : i32
        %add3A_1449 = arith.constant 6 : i32
        %add3A_1450 = arith.addi %mul3A_1448, %add3A_1449 : i32
        %get3A_1451 = arith.index_cast %add3A_1450 : i32 to index
        %get3A_1452 = arith.constant 112 : index
        %get3A_1453 = tpu.vector_load %arg9[%get3A_1451, %get3A_1452] {strides = array<i32>} : memref<320x128xf32, #tpu.memory_space<vmem>>, vector<1x16xf32>,
        %get3A_1454 = vector.shape_cast %get3A_1453 : vector<1x16xf32> to vector<16xf32>
        %add3A_1455 = arith.addf %get3A_1420, %get3A_1454 : vector<16xf32>
        %mul3A_1456 = arith.constant 20 : i32
        %mul3A_1457 = arith.muli %scan3A_109, %mul3A_1456 : i32
        %add3A_1458 = arith.constant 7 : i32
        %add3A_1459 = arith.addi %mul3A_1457, %add3A_1458 : i32
        %get3A_1460 = arith.index_cast %add3A_1459 : i32 to index
        %get3A_1461 = arith.constant 112 : index
        %get3A_1462 = tpu.vector_load %arg9[%get3A_1460, %get3A_1461] {strides = array<i32>} : memref<320x128xf32, #tpu.memory_space<vmem>>, vector<1x16xf32>,
        %get3A_1463 = vector.shape_cast %get3A_1462 : vector<1x16xf32> to vector<16xf32>
        %add3A_1464 = arith.addf %get3A_1428, %get3A_1463 : vector<16xf32>
        %mul3A_1465 = arith.constant 20 : i32
        %mul3A_1466 = arith.muli %scan3A_109, %mul3A_1465 : i32
        %add3A_1467 = arith.constant 8 : i32
        %add3A_1468 = arith.addi %mul3A_1466, %add3A_1467 : i32
        %get3A_1469 = arith.index_cast %add3A_1468 : i32 to index
        %get3A_1470 = arith.constant 112 : index
        %get3A_1471 = tpu.vector_load %arg9[%get3A_1469, %get3A_1470] {strides = array<i32>} : memref<320x128xf32, #tpu.memory_space<vmem>>, vector<1x16xf32>,
        %get3A_1472 = vector.shape_cast %get3A_1471 : vector<1x16xf32> to vector<16xf32>
        %add3A_1473 = arith.addf %add3A_1437, %get3A_1472 : vector<16xf32>
        %mul3A_1474 = arith.constant 20 : i32
        %mul3A_1475 = arith.muli %scan3A_109, %mul3A_1474 : i32
        %add3A_1476 = arith.constant 9 : i32
        %add3A_1477 = arith.addi %mul3A_1475, %add3A_1476 : i32
        %get3A_1478 = arith.index_cast %add3A_1477 : i32 to index
        %get3A_1479 = arith.constant 112 : index
        %get3A_1480 = tpu.vector_load %arg9[%get3A_1478, %get3A_1479] {strides = array<i32>} : memref<320x128xf32, #tpu.memory_space<vmem>>, vector<1x16xf32>,
        %get3A_1481 = vector.shape_cast %get3A_1480 : vector<1x16xf32> to vector<16xf32>
        %add3A_1482 = arith.addf %add3A_1446, %get3A_1481 : vector<16xf32>
        %mul3A_1483 = arith.constant 20 : i32
        %mul3A_1484 = arith.muli %scan3A_109, %mul3A_1483 : i32
        %add3A_1485 = arith.constant 10 : i32
        %add3A_1486 = arith.addi %mul3A_1484, %add3A_1485 : i32
        %get3A_1487 = arith.index_cast %add3A_1486 : i32 to index
        %get3A_1488 = arith.constant 112 : index
        %get3A_1489 = tpu.vector_load %arg9[%get3A_1487, %get3A_1488] {strides = array<i32>} : memref<320x128xf32, #tpu.memory_space<vmem>>, vector<1x16xf32>,
        %get3A_1490 = vector.shape_cast %get3A_1489 : vector<1x16xf32> to vector<16xf32>
        %add3A_1491 = arith.addf %add3A_1455, %get3A_1490 : vector<16xf32>
        %mul3A_1492 = arith.constant 20 : i32
        %mul3A_1493 = arith.muli %scan3A_109, %mul3A_1492 : i32
        %add3A_1494 = arith.constant 11 : i32
        %add3A_1495 = arith.addi %mul3A_1493, %add3A_1494 : i32
        %get3A_1496 = arith.index_cast %add3A_1495 : i32 to index
        %get3A_1497 = arith.constant 112 : index
        %get3A_1498 = tpu.vector_load %arg9[%get3A_1496, %get3A_1497] {strides = array<i32>} : memref<320x128xf32, #tpu.memory_space<vmem>>, vector<1x16xf32>,
        %get3A_1499 = vector.shape_cast %get3A_1498 : vector<1x16xf32> to vector<16xf32>
        %add3A_1500 = arith.addf %add3A_1464, %get3A_1499 : vector<16xf32>
        %mul3A_1501 = arith.constant 20 : i32
        %mul3A_1502 = arith.muli %scan3A_109, %mul3A_1501 : i32
        %add3A_1503 = arith.constant 12 : i32
        %add3A_1504 = arith.addi %mul3A_1502, %add3A_1503 : i32
        %get3A_1505 = arith.index_cast %add3A_1504 : i32 to index
        %get3A_1506 = arith.constant 112 : index
        %get3A_1507 = tpu.vector_load %arg9[%get3A_1505, %get3A_1506] {strides = array<i32>} : memref<320x128xf32, #tpu.memory_space<vmem>>, vector<1x16xf32>,
        %get3A_1508 = vector.shape_cast %get3A_1507 : vector<1x16xf32> to vector<16xf32>
        %add3A_1509 = arith.addf %add3A_1473, %get3A_1508 : vector<16xf32>
        %mul3A_1510 = arith.constant 20 : i32
        %mul3A_1511 = arith.muli %scan3A_109, %mul3A_1510 : i32
        %add3A_1512 = arith.constant 13 : i32
        %add3A_1513 = arith.addi %mul3A_1511, %add3A_1512 : i32
        %get3A_1514 = arith.index_cast %add3A_1513 : i32 to index
        %get3A_1515 = arith.constant 112 : index
        %get3A_1516 = tpu.vector_load %arg9[%get3A_1514, %get3A_1515] {strides = array<i32>} : memref<320x128xf32, #tpu.memory_space<vmem>>, vector<1x16xf32>,
        %get3A_1517 = vector.shape_cast %get3A_1516 : vector<1x16xf32> to vector<16xf32>
        %add3A_1518 = arith.addf %add3A_1482, %get3A_1517 : vector<16xf32>
        %mul3A_1519 = arith.constant 20 : i32
        %mul3A_1520 = arith.muli %scan3A_109, %mul3A_1519 : i32
        %add3A_1521 = arith.constant 14 : i32
        %add3A_1522 = arith.addi %mul3A_1520, %add3A_1521 : i32
        %get3A_1523 = arith.index_cast %add3A_1522 : i32 to index
        %get3A_1524 = arith.constant 112 : index
        %get3A_1525 = tpu.vector_load %arg9[%get3A_1523, %get3A_1524] {strides = array<i32>} : memref<320x128xf32, #tpu.memory_space<vmem>>, vector<1x16xf32>,
        %get3A_1526 = vector.shape_cast %get3A_1525 : vector<1x16xf32> to vector<16xf32>
        %add3A_1527 = arith.addf %add3A_1491, %get3A_1526 : vector<16xf32>
        %mul3A_1528 = arith.constant 20 : i32
        %mul3A_1529 = arith.muli %scan3A_109, %mul3A_1528 : i32
        %add3A_1530 = arith.constant 15 : i32
        %add3A_1531 = arith.addi %mul3A_1529, %add3A_1530 : i32
        %get3A_1532 = arith.index_cast %add3A_1531 : i32 to index
        %get3A_1533 = arith.constant 112 : index
        %get3A_1534 = tpu.vector_load %arg9[%get3A_1532, %get3A_1533] {strides = array<i32>} : memref<320x128xf32, #tpu.memory_space<vmem>>, vector<1x16xf32>,
        %get3A_1535 = vector.shape_cast %get3A_1534 : vector<1x16xf32> to vector<16xf32>
        %add3A_1536 = arith.addf %add3A_1500, %get3A_1535 : vector<16xf32>
        %mul3A_1537 = arith.constant 20 : i32
        %mul3A_1538 = arith.muli %scan3A_109, %mul3A_1537 : i32
        %add3A_1539 = arith.constant 16 : i32
        %add3A_1540 = arith.addi %mul3A_1538, %add3A_1539 : i32
        %get3A_1541 = arith.index_cast %add3A_1540 : i32 to index
        %get3A_1542 = arith.constant 112 : index
        %get3A_1543 = tpu.vector_load %arg9[%get3A_1541, %get3A_1542] {strides = array<i32>} : memref<320x128xf32, #tpu.memory_space<vmem>>, vector<1x16xf32>,
        %get3A_1544 = vector.shape_cast %get3A_1543 : vector<1x16xf32> to vector<16xf32>
        %add3A_1545 = arith.addf %add3A_1509, %get3A_1544 : vector<16xf32>
        %mul3A_1546 = arith.constant 20 : i32
        %mul3A_1547 = arith.muli %scan3A_109, %mul3A_1546 : i32
        %add3A_1548 = arith.constant 17 : i32
        %add3A_1549 = arith.addi %mul3A_1547, %add3A_1548 : i32
        %get3A_1550 = arith.index_cast %add3A_1549 : i32 to index
        %get3A_1551 = arith.constant 112 : index
        %get3A_1552 = tpu.vector_load %arg9[%get3A_1550, %get3A_1551] {strides = array<i32>} : memref<320x128xf32, #tpu.memory_space<vmem>>, vector<1x16xf32>,
        %get3A_1553 = vector.shape_cast %get3A_1552 : vector<1x16xf32> to vector<16xf32>
        %add3A_1554 = arith.addf %add3A_1518, %get3A_1553 : vector<16xf32>
        %mul3A_1555 = arith.constant 20 : i32
        %mul3A_1556 = arith.muli %scan3A_109, %mul3A_1555 : i32
        %add3A_1557 = arith.constant 18 : i32
        %add3A_1558 = arith.addi %mul3A_1556, %add3A_1557 : i32
        %get3A_1559 = arith.index_cast %add3A_1558 : i32 to index
        %get3A_1560 = arith.constant 112 : index
        %get3A_1561 = tpu.vector_load %arg9[%get3A_1559, %get3A_1560] {strides = array<i32>} : memref<320x128xf32, #tpu.memory_space<vmem>>, vector<1x16xf32>,
        %get3A_1562 = vector.shape_cast %get3A_1561 : vector<1x16xf32> to vector<16xf32>
        %add3A_1563 = arith.addf %add3A_1527, %get3A_1562 : vector<16xf32>
        %mul3A_1564 = arith.constant 20 : i32
        %mul3A_1565 = arith.muli %scan3A_109, %mul3A_1564 : i32
        %add3A_1566 = arith.constant 19 : i32
        %add3A_1567 = arith.addi %mul3A_1565, %add3A_1566 : i32
        %get3A_1568 = arith.index_cast %add3A_1567 : i32 to index
        %get3A_1569 = arith.constant 112 : index
        %get3A_1570 = tpu.vector_load %arg9[%get3A_1568, %get3A_1569] {strides = array<i32>} : memref<320x128xf32, #tpu.memory_space<vmem>>, vector<1x16xf32>,
        %get3A_1571 = vector.shape_cast %get3A_1570 : vector<1x16xf32> to vector<16xf32>
        %add3A_1572 = arith.addf %add3A_1536, %get3A_1571 : vector<16xf32>
        %add3A_1573 = arith.addf %add3A_1545, %add3A_1554 : vector<16xf32>
        %add3A_1574 = arith.addf %add3A_1563, %add3A_1572 : vector<16xf32>
        %add3A_1575 = arith.addf %add3A_1573, %add3A_1574 : vector<16xf32>
        %swap3A_1576 = arith.index_cast %scan3A_109 : i32 to index
        %swap3A_1577 = arith.constant 112 : index
        %swap3A_1578 = tpu.vector_load %arg11[%swap3A_1576, %swap3A_1577] {strides = array<i32>} : memref<16x128xf32, #tpu.memory_space<vmem>>, vector<1x16xf32>,
        %swap3A_1579 = vector.shape_cast %swap3A_1578 : vector<1x16xf32> to vector<16xf32>
        %swap3A_1580 = vector.shape_cast %add3A_1575 : vector<16xf32> to vector<1x16xf32>
        tpu.vector_store %arg11[%swap3A_1576, %swap3A_1577], %swap3A_1580 {strides = array<i32>} : memref<16x128xf32, #tpu.memory_space<vmem>>, vector<1x16xf32>,
        %scan3A_1581 = arith.constant 0 : i32
        scf.yield %scan3A_1581 : i32
      }
      %scan3A_68 = arith.constant 16 : i32
      %mul3A_69 = arith.constant 16 : i32
      %mul3A_70 = arith.muli %mul3A_40, %mul3A_69 : i32
      %add3A_71 = arith.addi %mul3A_2, %mul3A_70 : i32
      %multiple_of3A = tpu.assume_multiple %add3A_71, 16 : i32
      %dma_start3A_72 = arith.constant 0 : i32
      %dma_start3A_73 = tpu.memref_slice %arg6[%multiple_of3A, %dma_start3A_72] : memref<4096x128xf32, #tpu.memory_space<hbm>> -> memref<16x128xf32, #tpu.memory_space<hbm>>
      %dma_start3A_74 = arith.constant 0 : i32
      %dma_start3A_75 = tpu.memref_slice %arg6[%multiple_of3A, %dma_start3A_74] : memref<4096x128xf32, #tpu.memory_space<hbm>> -> memref<16x128xf32, #tpu.memory_space<hbm>>
      tpu.enqueue_dma source(%arg11 : memref<16x128xf32, #tpu.memory_space<vmem>>) target(%dma_start3A_75 : memref<16x128xf32, #tpu.memory_space<hbm>>) target_semaphore(%arg18 : memref<!tpu.dma_semaphore, #tpu.memory_space<semaphore_mem>>)
      %lt3A = arith.constant 3 : i32
      %lt3A_76 = arith.cmpi slt, %scan3A_37, %lt3A : i32
      %convert_element_type3A_77 = arith.extui %lt3A_76 : i1 to i32
      %cond3A_78 = arith.constant 0 : i32
      %cond3A_79 = arith.cmpi ne, %convert_element_type3A_77, %cond3A_78 : i32
      scf.if %cond3A_79 {
        %add3A_109 = arith.constant 2 : i32
        %add3A_110 = arith.addi %mul3A_40, %add3A_109 : i32
        %mul3A_111 = arith.constant 320 : i32
        %mul3A_112 = arith.muli %add3A_110, %mul3A_111 : i32
        %add3A_113 = arith.constant 0 : i32
        %add3A_114 = arith.addi %mul3A_112, %add3A_113 : i32
        %dma_start3A_115 = arith.constant 0 : i32
        %dma_start3A_116 = arith.constant 0 : i32
        %dma_start3A_117 = tpu.memref_slice %arg9[%dma_start3A_115, %dma_start3A_116] : memref<320x128xf32, #tpu.memory_space<vmem>> -> memref<320x128xf32, #tpu.memory_space<vmem>>
        %dma_start3A_118 = tpu.memref_slice %arg8[%add3A_114] : memref<2560xi32, #tpu.memory_space<vmem>> -> memref<320xi32, #tpu.memory_space<vmem>>
        %dma_start3A_119 = arith.constant 0 : i32
        %dma_start3A_120 = arith.constant 0 : i32
        %dma_start3A_121 = tpu.memref_slice %arg4[%dma_start3A_119, %dma_start3A_120] : memref<100000x128xf32, #tpu.memory_space<hbm>> -> memref<100000x128xf32, #tpu.memory_space<hbm>>
        tpu.enqueue_indirect_dma source(%dma_start3A_121 : memref<100000x128xf32, #tpu.memory_space<hbm>>) target(%dma_start3A_117 : memref<320x128xf32, #tpu.memory_space<vmem>>) offsets(%dma_start3A_118 : memref<320xi32, #tpu.memory_space<vmem>>) semaphore(%arg15 : memref<!tpu.dma_semaphore, #tpu.memory_space<semaphore_mem>>)
      } else {
      }
      %dma_wait3A_80 = arith.constant 0 : i32
      %dma_wait3A_81 = arith.constant 0 : i32
      %dma_wait3A_82 = tpu.memref_slice %arg4[%dma_wait3A_80, %dma_wait3A_81] : memref<100000x128xf32, #tpu.memory_space<hbm>> -> memref<320x128xf32, #tpu.memory_space<hbm>>
      %dma_wait3A_83 = arith.constant 0 : i32
      %dma_wait3A_84 = arith.constant 0 : i32
      %dma_wait3A_85 = tpu.memref_slice %arg4[%dma_wait3A_83, %dma_wait3A_84] : memref<100000x128xf32, #tpu.memory_space<hbm>> -> memref<320x128xf32, #tpu.memory_space<hbm>>
      tpu.wait_dma2 semaphore(%arg16 : memref<!tpu.dma_semaphore, #tpu.memory_space<semaphore_mem>>) src(%dma_wait3A_85 : memref<320x128xf32, #tpu.memory_space<hbm>>) dst(%arg10 : memref<320x128xf32, #tpu.memory_space<vmem>>)
      %gt3A_86 = arith.constant 0 : i32
      %gt3A_87 = arith.cmpi sgt, %scan3A_37, %gt3A_86 : i32
      %convert_element_type3A_88 = arith.extui %gt3A_87 : i1 to i32
      %cond3A_89 = arith.constant 0 : i32
      %cond3A_90 = arith.cmpi ne, %convert_element_type3A_88, %cond3A_89 : i32
      scf.if %cond3A_90 {
        %dma_wait3A_109 = arith.constant 0 : i32
        %dma_wait3A_110 = arith.constant 0 : i32
        %dma_wait3A_111 = tpu.memref_slice %arg6[%dma_wait3A_109, %dma_wait3A_110] : memref<4096x128xf32, #tpu.memory_space<hbm>> -> memref<16x128xf32, #tpu.memory_space<hbm>>
        %dma_wait3A_112 = arith.constant 0 : i32
        %dma_wait3A_113 = arith.constant 0 : i32
        %dma_wait3A_114 = tpu.memref_slice %arg6[%dma_wait3A_112, %dma_wait3A_113] : memref<4096x128xf32, #tpu.memory_space<hbm>> -> memref<16x128xf32, #tpu.memory_space<hbm>>
        tpu.wait_dma2 semaphore(%arg19 : memref<!tpu.dma_semaphore, #tpu.memory_space<semaphore_mem>>) src(%arg12 : memref<16x128xf32, #tpu.memory_space<vmem>>) dst(%dma_wait3A_114 : memref<16x128xf32, #tpu.memory_space<hbm>>)
      } else {
      }
      %add3A_91 = arith.constant 1 : i32
      %add3A_92 = arith.addi %mul3A_40, %add3A_91 : i32
      %scan3A_93 = arith.constant 0 : i32
      %scan3A_94 = arith.constant 0 : i32
      %scan3A_95 = arith.constant 16 : i32
      %scan3A_96 = arith.addi %scan3A_94, %scan3A_95 : i32
      %scan3A_97 = arith.constant 1 : i32
      %scan3A_98 = scf.for %scan3A_109 = %scan3A_94 to %scan3A_96 step %scan3A_97 iter_args(%scan3A_110 = %scan3A_93) -> (i32)  : i32 {
        %mul3A_111 = arith.constant 20 : i32
        %mul3A_112 = arith.muli %scan3A_109, %mul3A_111 : i32
        %add3A_113 = arith.constant 0 : i32
        %add3A_114 = arith.addi %mul3A_112, %add3A_113 : i32
        %get3A = arith.index_cast %add3A_114 : i32 to index
        %get3A_115 = arith.constant 0 : index
        %get3A_116 = tpu.vector_load %arg10[%get3A, %get3A_115] {strides = array<i32>} : memref<320x128xf32, #tpu.memory_space<vmem>>, vector<1x16xf32>,
        %get3A_117 = vector.shape_cast %get3A_116 : vector<1x16xf32> to vector<16xf32>
        %mul3A_118 = arith.constant 20 : i32
        %mul3A_119 = arith.muli %scan3A_109, %mul3A_118 : i32
        %add3A_120 = arith.constant 1 : i32
        %add3A_121 = arith.addi %mul3A_119, %add3A_120 : i32
        %get3A_122 = arith.index_cast %add3A_121 : i32 to index
        %get3A_123 = arith.constant 0 : index
        %get3A_124 = tpu.vector_load %arg10[%get3A_122, %get3A_123] {strides = array<i32>} : memref<320x128xf32, #tpu.memory_space<vmem>>, vector<1x16xf32>,
        %get3A_125 = vector.shape_cast %get3A_124 : vector<1x16xf32> to vector<16xf32>
        %mul3A_126 = arith.constant 20 : i32
        %mul3A_127 = arith.muli %scan3A_109, %mul3A_126 : i32
        %add3A_128 = arith.constant 2 : i32
        %add3A_129 = arith.addi %mul3A_127, %add3A_128 : i32
        %get3A_130 = arith.index_cast %add3A_129 : i32 to index
        %get3A_131 = arith.constant 0 : index
        %get3A_132 = tpu.vector_load %arg10[%get3A_130, %get3A_131] {strides = array<i32>} : memref<320x128xf32, #tpu.memory_space<vmem>>, vector<1x16xf32>,
        %get3A_133 = vector.shape_cast %get3A_132 : vector<1x16xf32> to vector<16xf32>
        %mul3A_134 = arith.constant 20 : i32
        %mul3A_135 = arith.muli %scan3A_109, %mul3A_134 : i32
        %add3A_136 = arith.constant 3 : i32
        %add3A_137 = arith.addi %mul3A_135, %add3A_136 : i32
        %get3A_138 = arith.index_cast %add3A_137 : i32 to index
        %get3A_139 = arith.constant 0 : index
        %get3A_140 = tpu.vector_load %arg10[%get3A_138, %get3A_139] {strides = array<i32>} : memref<320x128xf32, #tpu.memory_space<vmem>>, vector<1x16xf32>,
        %get3A_141 = vector.shape_cast %get3A_140 : vector<1x16xf32> to vector<16xf32>
        %mul3A_142 = arith.constant 20 : i32
        %mul3A_143 = arith.muli %scan3A_109, %mul3A_142 : i32
        %add3A_144 = arith.constant 4 : i32
        %add3A_145 = arith.addi %mul3A_143, %add3A_144 : i32
        %get3A_146 = arith.index_cast %add3A_145 : i32 to index
        %get3A_147 = arith.constant 0 : index
        %get3A_148 = tpu.vector_load %arg10[%get3A_146, %get3A_147] {strides = array<i32>} : memref<320x128xf32, #tpu.memory_space<vmem>>, vector<1x16xf32>,
        %get3A_149 = vector.shape_cast %get3A_148 : vector<1x16xf32> to vector<16xf32>
        %add3A_150 = arith.addf %get3A_117, %get3A_149 : vector<16xf32>
        %mul3A_151 = arith.constant 20 : i32
        %mul3A_152 = arith.muli %scan3A_109, %mul3A_151 : i32
        %add3A_153 = arith.constant 5 : i32
        %add3A_154 = arith.addi %mul3A_152, %add3A_153 : i32
        %get3A_155 = arith.index_cast %add3A_154 : i32 to index
        %get3A_156 = arith.constant 0 : index
        %get3A_157 = tpu.vector_load %arg10[%get3A_155, %get3A_156] {strides = array<i32>} : memref<320x128xf32, #tpu.memory_space<vmem>>, vector<1x16xf32>,
        %get3A_158 = vector.shape_cast %get3A_157 : vector<1x16xf32> to vector<16xf32>
        %add3A_159 = arith.addf %get3A_125, %get3A_158 : vector<16xf32>
        %mul3A_160 = arith.constant 20 : i32
        %mul3A_161 = arith.muli %scan3A_109, %mul3A_160 : i32
        %add3A_162 = arith.constant 6 : i32
        %add3A_163 = arith.addi %mul3A_161, %add3A_162 : i32
        %get3A_164 = arith.index_cast %add3A_163 : i32 to index
        %get3A_165 = arith.constant 0 : index
        %get3A_166 = tpu.vector_load %arg10[%get3A_164, %get3A_165] {strides = array<i32>} : memref<320x128xf32, #tpu.memory_space<vmem>>, vector<1x16xf32>,
        %get3A_167 = vector.shape_cast %get3A_166 : vector<1x16xf32> to vector<16xf32>
        %add3A_168 = arith.addf %get3A_133, %get3A_167 : vector<16xf32>
        %mul3A_169 = arith.constant 20 : i32
        %mul3A_170 = arith.muli %scan3A_109, %mul3A_169 : i32
        %add3A_171 = arith.constant 7 : i32
        %add3A_172 = arith.addi %mul3A_170, %add3A_171 : i32
        %get3A_173 = arith.index_cast %add3A_172 : i32 to index
        %get3A_174 = arith.constant 0 : index
        %get3A_175 = tpu.vector_load %arg10[%get3A_173, %get3A_174] {strides = array<i32>} : memref<320x128xf32, #tpu.memory_space<vmem>>, vector<1x16xf32>,
        %get3A_176 = vector.shape_cast %get3A_175 : vector<1x16xf32> to vector<16xf32>
        %add3A_177 = arith.addf %get3A_141, %get3A_176 : vector<16xf32>
        %mul3A_178 = arith.constant 20 : i32
        %mul3A_179 = arith.muli %scan3A_109, %mul3A_178 : i32
        %add3A_180 = arith.constant 8 : i32
        %add3A_181 = arith.addi %mul3A_179, %add3A_180 : i32
        %get3A_182 = arith.index_cast %add3A_181 : i32 to index
        %get3A_183 = arith.constant 0 : index
        %get3A_184 = tpu.vector_load %arg10[%get3A_182, %get3A_183] {strides = array<i32>} : memref<320x128xf32, #tpu.memory_space<vmem>>, vector<1x16xf32>,
        %get3A_185 = vector.shape_cast %get3A_184 : vector<1x16xf32> to vector<16xf32>
        %add3A_186 = arith.addf %add3A_150, %get3A_185 : vector<16xf32>
        %mul3A_187 = arith.constant 20 : i32
        %mul3A_188 = arith.muli %scan3A_109, %mul3A_187 : i32
        %add3A_189 = arith.constant 9 : i32
        %add3A_190 = arith.addi %mul3A_188, %add3A_189 : i32
        %get3A_191 = arith.index_cast %add3A_190 : i32 to index
        %get3A_192 = arith.constant 0 : index
        %get3A_193 = tpu.vector_load %arg10[%get3A_191, %get3A_192] {strides = array<i32>} : memref<320x128xf32, #tpu.memory_space<vmem>>, vector<1x16xf32>,
        %get3A_194 = vector.shape_cast %get3A_193 : vector<1x16xf32> to vector<16xf32>
        %add3A_195 = arith.addf %add3A_159, %get3A_194 : vector<16xf32>
        %mul3A_196 = arith.constant 20 : i32
        %mul3A_197 = arith.muli %scan3A_109, %mul3A_196 : i32
        %add3A_198 = arith.constant 10 : i32
        %add3A_199 = arith.addi %mul3A_197, %add3A_198 : i32
        %get3A_200 = arith.index_cast %add3A_199 : i32 to index
        %get3A_201 = arith.constant 0 : index
        %get3A_202 = tpu.vector_load %arg10[%get3A_200, %get3A_201] {strides = array<i32>} : memref<320x128xf32, #tpu.memory_space<vmem>>, vector<1x16xf32>,
        %get3A_203 = vector.shape_cast %get3A_202 : vector<1x16xf32> to vector<16xf32>
        %add3A_204 = arith.addf %add3A_168, %get3A_203 : vector<16xf32>
        %mul3A_205 = arith.constant 20 : i32
        %mul3A_206 = arith.muli %scan3A_109, %mul3A_205 : i32
        %add3A_207 = arith.constant 11 : i32
        %add3A_208 = arith.addi %mul3A_206, %add3A_207 : i32
        %get3A_209 = arith.index_cast %add3A_208 : i32 to index
        %get3A_210 = arith.constant 0 : index
        %get3A_211 = tpu.vector_load %arg10[%get3A_209, %get3A_210] {strides = array<i32>} : memref<320x128xf32, #tpu.memory_space<vmem>>, vector<1x16xf32>,
        %get3A_212 = vector.shape_cast %get3A_211 : vector<1x16xf32> to vector<16xf32>
        %add3A_213 = arith.addf %add3A_177, %get3A_212 : vector<16xf32>
        %mul3A_214 = arith.constant 20 : i32
        %mul3A_215 = arith.muli %scan3A_109, %mul3A_214 : i32
        %add3A_216 = arith.constant 12 : i32
        %add3A_217 = arith.addi %mul3A_215, %add3A_216 : i32
        %get3A_218 = arith.index_cast %add3A_217 : i32 to index
        %get3A_219 = arith.constant 0 : index
        %get3A_220 = tpu.vector_load %arg10[%get3A_218, %get3A_219] {strides = array<i32>} : memref<320x128xf32, #tpu.memory_space<vmem>>, vector<1x16xf32>,
        %get3A_221 = vector.shape_cast %get3A_220 : vector<1x16xf32> to vector<16xf32>
        %add3A_222 = arith.addf %add3A_186, %get3A_221 : vector<16xf32>
        %mul3A_223 = arith.constant 20 : i32
        %mul3A_224 = arith.muli %scan3A_109, %mul3A_223 : i32
        %add3A_225 = arith.constant 13 : i32
        %add3A_226 = arith.addi %mul3A_224, %add3A_225 : i32
        %get3A_227 = arith.index_cast %add3A_226 : i32 to index
        %get3A_228 = arith.constant 0 : index
        %get3A_229 = tpu.vector_load %arg10[%get3A_227, %get3A_228] {strides = array<i32>} : memref<320x128xf32, #tpu.memory_space<vmem>>, vector<1x16xf32>,
        %get3A_230 = vector.shape_cast %get3A_229 : vector<1x16xf32> to vector<16xf32>
        %add3A_231 = arith.addf %add3A_195, %get3A_230 : vector<16xf32>
        %mul3A_232 = arith.constant 20 : i32
        %mul3A_233 = arith.muli %scan3A_109, %mul3A_232 : i32
        %add3A_234 = arith.constant 14 : i32
        %add3A_235 = arith.addi %mul3A_233, %add3A_234 : i32
        %get3A_236 = arith.index_cast %add3A_235 : i32 to index
        %get3A_237 = arith.constant 0 : index
        %get3A_238 = tpu.vector_load %arg10[%get3A_236, %get3A_237] {strides = array<i32>} : memref<320x128xf32, #tpu.memory_space<vmem>>, vector<1x16xf32>,
        %get3A_239 = vector.shape_cast %get3A_238 : vector<1x16xf32> to vector<16xf32>
        %add3A_240 = arith.addf %add3A_204, %get3A_239 : vector<16xf32>
        %mul3A_241 = arith.constant 20 : i32
        %mul3A_242 = arith.muli %scan3A_109, %mul3A_241 : i32
        %add3A_243 = arith.constant 15 : i32
        %add3A_244 = arith.addi %mul3A_242, %add3A_243 : i32
        %get3A_245 = arith.index_cast %add3A_244 : i32 to index
        %get3A_246 = arith.constant 0 : index
        %get3A_247 = tpu.vector_load %arg10[%get3A_245, %get3A_246] {strides = array<i32>} : memref<320x128xf32, #tpu.memory_space<vmem>>, vector<1x16xf32>,
        %get3A_248 = vector.shape_cast %get3A_247 : vector<1x16xf32> to vector<16xf32>
        %add3A_249 = arith.addf %add3A_213, %get3A_248 : vector<16xf32>
        %mul3A_250 = arith.constant 20 : i32
        %mul3A_251 = arith.muli %scan3A_109, %mul3A_250 : i32
        %add3A_252 = arith.constant 16 : i32
        %add3A_253 = arith.addi %mul3A_251, %add3A_252 : i32
        %get3A_254 = arith.index_cast %add3A_253 : i32 to index
        %get3A_255 = arith.constant 0 : index
        %get3A_256 = tpu.vector_load %arg10[%get3A_254, %get3A_255] {strides = array<i32>} : memref<320x128xf32, #tpu.memory_space<vmem>>, vector<1x16xf32>,
        %get3A_257 = vector.shape_cast %get3A_256 : vector<1x16xf32> to vector<16xf32>
        %add3A_258 = arith.addf %add3A_222, %get3A_257 : vector<16xf32>
        %mul3A_259 = arith.constant 20 : i32
        %mul3A_260 = arith.muli %scan3A_109, %mul3A_259 : i32
        %add3A_261 = arith.constant 17 : i32
        %add3A_262 = arith.addi %mul3A_260, %add3A_261 : i32
        %get3A_263 = arith.index_cast %add3A_262 : i32 to index
        %get3A_264 = arith.constant 0 : index
        %get3A_265 = tpu.vector_load %arg10[%get3A_263, %get3A_264] {strides = array<i32>} : memref<320x128xf32, #tpu.memory_space<vmem>>, vector<1x16xf32>,
        %get3A_266 = vector.shape_cast %get3A_265 : vector<1x16xf32> to vector<16xf32>
        %add3A_267 = arith.addf %add3A_231, %get3A_266 : vector<16xf32>
        %mul3A_268 = arith.constant 20 : i32
        %mul3A_269 = arith.muli %scan3A_109, %mul3A_268 : i32
        %add3A_270 = arith.constant 18 : i32
        %add3A_271 = arith.addi %mul3A_269, %add3A_270 : i32
        %get3A_272 = arith.index_cast %add3A_271 : i32 to index
        %get3A_273 = arith.constant 0 : index
        %get3A_274 = tpu.vector_load %arg10[%get3A_272, %get3A_273] {strides = array<i32>} : memref<320x128xf32, #tpu.memory_space<vmem>>, vector<1x16xf32>,
        %get3A_275 = vector.shape_cast %get3A_274 : vector<1x16xf32> to vector<16xf32>
        %add3A_276 = arith.addf %add3A_240, %get3A_275 : vector<16xf32>
        %mul3A_277 = arith.constant 20 : i32
        %mul3A_278 = arith.muli %scan3A_109, %mul3A_277 : i32
        %add3A_279 = arith.constant 19 : i32
        %add3A_280 = arith.addi %mul3A_278, %add3A_279 : i32
        %get3A_281 = arith.index_cast %add3A_280 : i32 to index
        %get3A_282 = arith.constant 0 : index
        %get3A_283 = tpu.vector_load %arg10[%get3A_281, %get3A_282] {strides = array<i32>} : memref<320x128xf32, #tpu.memory_space<vmem>>, vector<1x16xf32>,
        %get3A_284 = vector.shape_cast %get3A_283 : vector<1x16xf32> to vector<16xf32>
        %add3A_285 = arith.addf %add3A_249, %get3A_284 : vector<16xf32>
        %add3A_286 = arith.addf %add3A_258, %add3A_267 : vector<16xf32>
        %add3A_287 = arith.addf %add3A_276, %add3A_285 : vector<16xf32>
        %add3A_288 = arith.addf %add3A_286, %add3A_287 : vector<16xf32>
        %swap3A = arith.index_cast %scan3A_109 : i32 to index
        %swap3A_289 = arith.constant 0 : index
        %swap3A_290 = tpu.vector_load %arg12[%swap3A, %swap3A_289] {strides = array<i32>} : memref<16x128xf32, #tpu.memory_space<vmem>>, vector<1x16xf32>,
        %swap3A_291 = vector.shape_cast %swap3A_290 : vector<1x16xf32> to vector<16xf32>
        %swap3A_292 = vector.shape_cast %add3A_288 : vector<16xf32> to vector<1x16xf32>
        tpu.vector_store %arg12[%swap3A, %swap3A_289], %swap3A_292 {strides = array<i32>} : memref<16x128xf32, #tpu.memory_space<vmem>>, vector<1x16xf32>,
        %mul3A_293 = arith.constant 20 : i32
        %mul3A_294 = arith.muli %scan3A_109, %mul3A_293 : i32
        %add3A_295 = arith.constant 0 : i32
        %add3A_296 = arith.addi %mul3A_294, %add3A_295 : i32
        %get3A_297 = arith.index_cast %add3A_296 : i32 to index
        %get3A_298 = arith.constant 16 : index
        %get3A_299 = tpu.vector_load %arg10[%get3A_297, %get3A_298] {strides = array<i32>} : memref<320x128xf32, #tpu.memory_space<vmem>>, vector<1x16xf32>,
        %get3A_300 = vector.shape_cast %get3A_299 : vector<1x16xf32> to vector<16xf32>
        %mul3A_301 = arith.constant 20 : i32
        %mul3A_302 = arith.muli %scan3A_109, %mul3A_301 : i32
        %add3A_303 = arith.constant 1 : i32
        %add3A_304 = arith.addi %mul3A_302, %add3A_303 : i32
        %get3A_305 = arith.index_cast %add3A_304 : i32 to index
        %get3A_306 = arith.constant 16 : index
        %get3A_307 = tpu.vector_load %arg10[%get3A_305, %get3A_306] {strides = array<i32>} : memref<320x128xf32, #tpu.memory_space<vmem>>, vector<1x16xf32>,
        %get3A_308 = vector.shape_cast %get3A_307 : vector<1x16xf32> to vector<16xf32>
        %mul3A_309 = arith.constant 20 : i32
        %mul3A_310 = arith.muli %scan3A_109, %mul3A_309 : i32
        %add3A_311 = arith.constant 2 : i32
        %add3A_312 = arith.addi %mul3A_310, %add3A_311 : i32
        %get3A_313 = arith.index_cast %add3A_312 : i32 to index
        %get3A_314 = arith.constant 16 : index
        %get3A_315 = tpu.vector_load %arg10[%get3A_313, %get3A_314] {strides = array<i32>} : memref<320x128xf32, #tpu.memory_space<vmem>>, vector<1x16xf32>,
        %get3A_316 = vector.shape_cast %get3A_315 : vector<1x16xf32> to vector<16xf32>
        %mul3A_317 = arith.constant 20 : i32
        %mul3A_318 = arith.muli %scan3A_109, %mul3A_317 : i32
        %add3A_319 = arith.constant 3 : i32
        %add3A_320 = arith.addi %mul3A_318, %add3A_319 : i32
        %get3A_321 = arith.index_cast %add3A_320 : i32 to index
        %get3A_322 = arith.constant 16 : index
        %get3A_323 = tpu.vector_load %arg10[%get3A_321, %get3A_322] {strides = array<i32>} : memref<320x128xf32, #tpu.memory_space<vmem>>, vector<1x16xf32>,
        %get3A_324 = vector.shape_cast %get3A_323 : vector<1x16xf32> to vector<16xf32>
        %mul3A_325 = arith.constant 20 : i32
        %mul3A_326 = arith.muli %scan3A_109, %mul3A_325 : i32
        %add3A_327 = arith.constant 4 : i32
        %add3A_328 = arith.addi %mul3A_326, %add3A_327 : i32
        %get3A_329 = arith.index_cast %add3A_328 : i32 to index
        %get3A_330 = arith.constant 16 : index
        %get3A_331 = tpu.vector_load %arg10[%get3A_329, %get3A_330] {strides = array<i32>} : memref<320x128xf32, #tpu.memory_space<vmem>>, vector<1x16xf32>,
        %get3A_332 = vector.shape_cast %get3A_331 : vector<1x16xf32> to vector<16xf32>
        %add3A_333 = arith.addf %get3A_300, %get3A_332 : vector<16xf32>
        %mul3A_334 = arith.constant 20 : i32
        %mul3A_335 = arith.muli %scan3A_109, %mul3A_334 : i32
        %add3A_336 = arith.constant 5 : i32
        %add3A_337 = arith.addi %mul3A_335, %add3A_336 : i32
        %get3A_338 = arith.index_cast %add3A_337 : i32 to index
        %get3A_339 = arith.constant 16 : index
        %get3A_340 = tpu.vector_load %arg10[%get3A_338, %get3A_339] {strides = array<i32>} : memref<320x128xf32, #tpu.memory_space<vmem>>, vector<1x16xf32>,
        %get3A_341 = vector.shape_cast %get3A_340 : vector<1x16xf32> to vector<16xf32>
        %add3A_342 = arith.addf %get3A_308, %get3A_341 : vector<16xf32>
        %mul3A_343 = arith.constant 20 : i32
        %mul3A_344 = arith.muli %scan3A_109, %mul3A_343 : i32
        %add3A_345 = arith.constant 6 : i32
        %add3A_346 = arith.addi %mul3A_344, %add3A_345 : i32
        %get3A_347 = arith.index_cast %add3A_346 : i32 to index
        %get3A_348 = arith.constant 16 : index
        %get3A_349 = tpu.vector_load %arg10[%get3A_347, %get3A_348] {strides = array<i32>} : memref<320x128xf32, #tpu.memory_space<vmem>>, vector<1x16xf32>,
        %get3A_350 = vector.shape_cast %get3A_349 : vector<1x16xf32> to vector<16xf32>
        %add3A_351 = arith.addf %get3A_316, %get3A_350 : vector<16xf32>
        %mul3A_352 = arith.constant 20 : i32
        %mul3A_353 = arith.muli %scan3A_109, %mul3A_352 : i32
        %add3A_354 = arith.constant 7 : i32
        %add3A_355 = arith.addi %mul3A_353, %add3A_354 : i32
        %get3A_356 = arith.index_cast %add3A_355 : i32 to index
        %get3A_357 = arith.constant 16 : index
        %get3A_358 = tpu.vector_load %arg10[%get3A_356, %get3A_357] {strides = array<i32>} : memref<320x128xf32, #tpu.memory_space<vmem>>, vector<1x16xf32>,
        %get3A_359 = vector.shape_cast %get3A_358 : vector<1x16xf32> to vector<16xf32>
        %add3A_360 = arith.addf %get3A_324, %get3A_359 : vector<16xf32>
        %mul3A_361 = arith.constant 20 : i32
        %mul3A_362 = arith.muli %scan3A_109, %mul3A_361 : i32
        %add3A_363 = arith.constant 8 : i32
        %add3A_364 = arith.addi %mul3A_362, %add3A_363 : i32
        %get3A_365 = arith.index_cast %add3A_364 : i32 to index
        %get3A_366 = arith.constant 16 : index
        %get3A_367 = tpu.vector_load %arg10[%get3A_365, %get3A_366] {strides = array<i32>} : memref<320x128xf32, #tpu.memory_space<vmem>>, vector<1x16xf32>,
        %get3A_368 = vector.shape_cast %get3A_367 : vector<1x16xf32> to vector<16xf32>
        %add3A_369 = arith.addf %add3A_333, %get3A_368 : vector<16xf32>
        %mul3A_370 = arith.constant 20 : i32
        %mul3A_371 = arith.muli %scan3A_109, %mul3A_370 : i32
        %add3A_372 = arith.constant 9 : i32
        %add3A_373 = arith.addi %mul3A_371, %add3A_372 : i32
        %get3A_374 = arith.index_cast %add3A_373 : i32 to index
        %get3A_375 = arith.constant 16 : index
        %get3A_376 = tpu.vector_load %arg10[%get3A_374, %get3A_375] {strides = array<i32>} : memref<320x128xf32, #tpu.memory_space<vmem>>, vector<1x16xf32>,
        %get3A_377 = vector.shape_cast %get3A_376 : vector<1x16xf32> to vector<16xf32>
        %add3A_378 = arith.addf %add3A_342, %get3A_377 : vector<16xf32>
        %mul3A_379 = arith.constant 20 : i32
        %mul3A_380 = arith.muli %scan3A_109, %mul3A_379 : i32
        %add3A_381 = arith.constant 10 : i32
        %add3A_382 = arith.addi %mul3A_380, %add3A_381 : i32
        %get3A_383 = arith.index_cast %add3A_382 : i32 to index
        %get3A_384 = arith.constant 16 : index
        %get3A_385 = tpu.vector_load %arg10[%get3A_383, %get3A_384] {strides = array<i32>} : memref<320x128xf32, #tpu.memory_space<vmem>>, vector<1x16xf32>,
        %get3A_386 = vector.shape_cast %get3A_385 : vector<1x16xf32> to vector<16xf32>
        %add3A_387 = arith.addf %add3A_351, %get3A_386 : vector<16xf32>
        %mul3A_388 = arith.constant 20 : i32
        %mul3A_389 = arith.muli %scan3A_109, %mul3A_388 : i32
        %add3A_390 = arith.constant 11 : i32
        %add3A_391 = arith.addi %mul3A_389, %add3A_390 : i32
        %get3A_392 = arith.index_cast %add3A_391 : i32 to index
        %get3A_393 = arith.constant 16 : index
        %get3A_394 = tpu.vector_load %arg10[%get3A_392, %get3A_393] {strides = array<i32>} : memref<320x128xf32, #tpu.memory_space<vmem>>, vector<1x16xf32>,
        %get3A_395 = vector.shape_cast %get3A_394 : vector<1x16xf32> to vector<16xf32>
        %add3A_396 = arith.addf %add3A_360, %get3A_395 : vector<16xf32>
        %mul3A_397 = arith.constant 20 : i32
        %mul3A_398 = arith.muli %scan3A_109, %mul3A_397 : i32
        %add3A_399 = arith.constant 12 : i32
        %add3A_400 = arith.addi %mul3A_398, %add3A_399 : i32
        %get3A_401 = arith.index_cast %add3A_400 : i32 to index
        %get3A_402 = arith.constant 16 : index
        %get3A_403 = tpu.vector_load %arg10[%get3A_401, %get3A_402] {strides = array<i32>} : memref<320x128xf32, #tpu.memory_space<vmem>>, vector<1x16xf32>,
        %get3A_404 = vector.shape_cast %get3A_403 : vector<1x16xf32> to vector<16xf32>
        %add3A_405 = arith.addf %add3A_369, %get3A_404 : vector<16xf32>
        %mul3A_406 = arith.constant 20 : i32
        %mul3A_407 = arith.muli %scan3A_109, %mul3A_406 : i32
        %add3A_408 = arith.constant 13 : i32
        %add3A_409 = arith.addi %mul3A_407, %add3A_408 : i32
        %get3A_410 = arith.index_cast %add3A_409 : i32 to index
        %get3A_411 = arith.constant 16 : index
        %get3A_412 = tpu.vector_load %arg10[%get3A_410, %get3A_411] {strides = array<i32>} : memref<320x128xf32, #tpu.memory_space<vmem>>, vector<1x16xf32>,
        %get3A_413 = vector.shape_cast %get3A_412 : vector<1x16xf32> to vector<16xf32>
        %add3A_414 = arith.addf %add3A_378, %get3A_413 : vector<16xf32>
        %mul3A_415 = arith.constant 20 : i32
        %mul3A_416 = arith.muli %scan3A_109, %mul3A_415 : i32
        %add3A_417 = arith.constant 14 : i32
        %add3A_418 = arith.addi %mul3A_416, %add3A_417 : i32
        %get3A_419 = arith.index_cast %add3A_418 : i32 to index
        %get3A_420 = arith.constant 16 : index
        %get3A_421 = tpu.vector_load %arg10[%get3A_419, %get3A_420] {strides = array<i32>} : memref<320x128xf32, #tpu.memory_space<vmem>>, vector<1x16xf32>,
        %get3A_422 = vector.shape_cast %get3A_421 : vector<1x16xf32> to vector<16xf32>
        %add3A_423 = arith.addf %add3A_387, %get3A_422 : vector<16xf32>
        %mul3A_424 = arith.constant 20 : i32
        %mul3A_425 = arith.muli %scan3A_109, %mul3A_424 : i32
        %add3A_426 = arith.constant 15 : i32
        %add3A_427 = arith.addi %mul3A_425, %add3A_426 : i32
        %get3A_428 = arith.index_cast %add3A_427 : i32 to index
        %get3A_429 = arith.constant 16 : index
        %get3A_430 = tpu.vector_load %arg10[%get3A_428, %get3A_429] {strides = array<i32>} : memref<320x128xf32, #tpu.memory_space<vmem>>, vector<1x16xf32>,
        %get3A_431 = vector.shape_cast %get3A_430 : vector<1x16xf32> to vector<16xf32>
        %add3A_432 = arith.addf %add3A_396, %get3A_431 : vector<16xf32>
        %mul3A_433 = arith.constant 20 : i32
        %mul3A_434 = arith.muli %scan3A_109, %mul3A_433 : i32
        %add3A_435 = arith.constant 16 : i32
        %add3A_436 = arith.addi %mul3A_434, %add3A_435 : i32
        %get3A_437 = arith.index_cast %add3A_436 : i32 to index
        %get3A_438 = arith.constant 16 : index
        %get3A_439 = tpu.vector_load %arg10[%get3A_437, %get3A_438] {strides = array<i32>} : memref<320x128xf32, #tpu.memory_space<vmem>>, vector<1x16xf32>,
        %get3A_440 = vector.shape_cast %get3A_439 : vector<1x16xf32> to vector<16xf32>
        %add3A_441 = arith.addf %add3A_405, %get3A_440 : vector<16xf32>
        %mul3A_442 = arith.constant 20 : i32
        %mul3A_443 = arith.muli %scan3A_109, %mul3A_442 : i32
        %add3A_444 = arith.constant 17 : i32
        %add3A_445 = arith.addi %mul3A_443, %add3A_444 : i32
        %get3A_446 = arith.index_cast %add3A_445 : i32 to index
        %get3A_447 = arith.constant 16 : index
        %get3A_448 = tpu.vector_load %arg10[%get3A_446, %get3A_447] {strides = array<i32>} : memref<320x128xf32, #tpu.memory_space<vmem>>, vector<1x16xf32>,
        %get3A_449 = vector.shape_cast %get3A_448 : vector<1x16xf32> to vector<16xf32>
        %add3A_450 = arith.addf %add3A_414, %get3A_449 : vector<16xf32>
        %mul3A_451 = arith.constant 20 : i32
        %mul3A_452 = arith.muli %scan3A_109, %mul3A_451 : i32
        %add3A_453 = arith.constant 18 : i32
        %add3A_454 = arith.addi %mul3A_452, %add3A_453 : i32
        %get3A_455 = arith.index_cast %add3A_454 : i32 to index
        %get3A_456 = arith.constant 16 : index
        %get3A_457 = tpu.vector_load %arg10[%get3A_455, %get3A_456] {strides = array<i32>} : memref<320x128xf32, #tpu.memory_space<vmem>>, vector<1x16xf32>,
        %get3A_458 = vector.shape_cast %get3A_457 : vector<1x16xf32> to vector<16xf32>
        %add3A_459 = arith.addf %add3A_423, %get3A_458 : vector<16xf32>
        %mul3A_460 = arith.constant 20 : i32
        %mul3A_461 = arith.muli %scan3A_109, %mul3A_460 : i32
        %add3A_462 = arith.constant 19 : i32
        %add3A_463 = arith.addi %mul3A_461, %add3A_462 : i32
        %get3A_464 = arith.index_cast %add3A_463 : i32 to index
        %get3A_465 = arith.constant 16 : index
        %get3A_466 = tpu.vector_load %arg10[%get3A_464, %get3A_465] {strides = array<i32>} : memref<320x128xf32, #tpu.memory_space<vmem>>, vector<1x16xf32>,
        %get3A_467 = vector.shape_cast %get3A_466 : vector<1x16xf32> to vector<16xf32>
        %add3A_468 = arith.addf %add3A_432, %get3A_467 : vector<16xf32>
        %add3A_469 = arith.addf %add3A_441, %add3A_450 : vector<16xf32>
        %add3A_470 = arith.addf %add3A_459, %add3A_468 : vector<16xf32>
        %add3A_471 = arith.addf %add3A_469, %add3A_470 : vector<16xf32>
        %swap3A_472 = arith.index_cast %scan3A_109 : i32 to index
        %swap3A_473 = arith.constant 16 : index
        %swap3A_474 = tpu.vector_load %arg12[%swap3A_472, %swap3A_473] {strides = array<i32>} : memref<16x128xf32, #tpu.memory_space<vmem>>, vector<1x16xf32>,
        %swap3A_475 = vector.shape_cast %swap3A_474 : vector<1x16xf32> to vector<16xf32>
        %swap3A_476 = vector.shape_cast %add3A_471 : vector<16xf32> to vector<1x16xf32>
        tpu.vector_store %arg12[%swap3A_472, %swap3A_473], %swap3A_476 {strides = array<i32>} : memref<16x128xf32, #tpu.memory_space<vmem>>, vector<1x16xf32>,
        %mul3A_477 = arith.constant 20 : i32
        %mul3A_478 = arith.muli %scan3A_109, %mul3A_477 : i32
        %add3A_479 = arith.constant 0 : i32
        %add3A_480 = arith.addi %mul3A_478, %add3A_479 : i32
        %get3A_481 = arith.index_cast %add3A_480 : i32 to index
        %get3A_482 = arith.constant 32 : index
        %get3A_483 = tpu.vector_load %arg10[%get3A_481, %get3A_482] {strides = array<i32>} : memref<320x128xf32, #tpu.memory_space<vmem>>, vector<1x16xf32>,
        %get3A_484 = vector.shape_cast %get3A_483 : vector<1x16xf32> to vector<16xf32>
        %mul3A_485 = arith.constant 20 : i32
        %mul3A_486 = arith.muli %scan3A_109, %mul3A_485 : i32
        %add3A_487 = arith.constant 1 : i32
        %add3A_488 = arith.addi %mul3A_486, %add3A_487 : i32
        %get3A_489 = arith.index_cast %add3A_488 : i32 to index
        %get3A_490 = arith.constant 32 : index
        %get3A_491 = tpu.vector_load %arg10[%get3A_489, %get3A_490] {strides = array<i32>} : memref<320x128xf32, #tpu.memory_space<vmem>>, vector<1x16xf32>,
        %get3A_492 = vector.shape_cast %get3A_491 : vector<1x16xf32> to vector<16xf32>
        %mul3A_493 = arith.constant 20 : i32
        %mul3A_494 = arith.muli %scan3A_109, %mul3A_493 : i32
        %add3A_495 = arith.constant 2 : i32
        %add3A_496 = arith.addi %mul3A_494, %add3A_495 : i32
        %get3A_497 = arith.index_cast %add3A_496 : i32 to index
        %get3A_498 = arith.constant 32 : index
        %get3A_499 = tpu.vector_load %arg10[%get3A_497, %get3A_498] {strides = array<i32>} : memref<320x128xf32, #tpu.memory_space<vmem>>, vector<1x16xf32>,
        %get3A_500 = vector.shape_cast %get3A_499 : vector<1x16xf32> to vector<16xf32>
        %mul3A_501 = arith.constant 20 : i32
        %mul3A_502 = arith.muli %scan3A_109, %mul3A_501 : i32
        %add3A_503 = arith.constant 3 : i32
        %add3A_504 = arith.addi %mul3A_502, %add3A_503 : i32
        %get3A_505 = arith.index_cast %add3A_504 : i32 to index
        %get3A_506 = arith.constant 32 : index
        %get3A_507 = tpu.vector_load %arg10[%get3A_505, %get3A_506] {strides = array<i32>} : memref<320x128xf32, #tpu.memory_space<vmem>>, vector<1x16xf32>,
        %get3A_508 = vector.shape_cast %get3A_507 : vector<1x16xf32> to vector<16xf32>
        %mul3A_509 = arith.constant 20 : i32
        %mul3A_510 = arith.muli %scan3A_109, %mul3A_509 : i32
        %add3A_511 = arith.constant 4 : i32
        %add3A_512 = arith.addi %mul3A_510, %add3A_511 : i32
        %get3A_513 = arith.index_cast %add3A_512 : i32 to index
        %get3A_514 = arith.constant 32 : index
        %get3A_515 = tpu.vector_load %arg10[%get3A_513, %get3A_514] {strides = array<i32>} : memref<320x128xf32, #tpu.memory_space<vmem>>, vector<1x16xf32>,
        %get3A_516 = vector.shape_cast %get3A_515 : vector<1x16xf32> to vector<16xf32>
        %add3A_517 = arith.addf %get3A_484, %get3A_516 : vector<16xf32>
        %mul3A_518 = arith.constant 20 : i32
        %mul3A_519 = arith.muli %scan3A_109, %mul3A_518 : i32
        %add3A_520 = arith.constant 5 : i32
        %add3A_521 = arith.addi %mul3A_519, %add3A_520 : i32
        %get3A_522 = arith.index_cast %add3A_521 : i32 to index
        %get3A_523 = arith.constant 32 : index
        %get3A_524 = tpu.vector_load %arg10[%get3A_522, %get3A_523] {strides = array<i32>} : memref<320x128xf32, #tpu.memory_space<vmem>>, vector<1x16xf32>,
        %get3A_525 = vector.shape_cast %get3A_524 : vector<1x16xf32> to vector<16xf32>
        %add3A_526 = arith.addf %get3A_492, %get3A_525 : vector<16xf32>
        %mul3A_527 = arith.constant 20 : i32
        %mul3A_528 = arith.muli %scan3A_109, %mul3A_527 : i32
        %add3A_529 = arith.constant 6 : i32
        %add3A_530 = arith.addi %mul3A_528, %add3A_529 : i32
        %get3A_531 = arith.index_cast %add3A_530 : i32 to index
        %get3A_532 = arith.constant 32 : index
        %get3A_533 = tpu.vector_load %arg10[%get3A_531, %get3A_532] {strides = array<i32>} : memref<320x128xf32, #tpu.memory_space<vmem>>, vector<1x16xf32>,
        %get3A_534 = vector.shape_cast %get3A_533 : vector<1x16xf32> to vector<16xf32>
        %add3A_535 = arith.addf %get3A_500, %get3A_534 : vector<16xf32>
        %mul3A_536 = arith.constant 20 : i32
        %mul3A_537 = arith.muli %scan3A_109, %mul3A_536 : i32
        %add3A_538 = arith.constant 7 : i32
        %add3A_539 = arith.addi %mul3A_537, %add3A_538 : i32
        %get3A_540 = arith.index_cast %add3A_539 : i32 to index
        %get3A_541 = arith.constant 32 : index
        %get3A_542 = tpu.vector_load %arg10[%get3A_540, %get3A_541] {strides = array<i32>} : memref<320x128xf32, #tpu.memory_space<vmem>>, vector<1x16xf32>,
        %get3A_543 = vector.shape_cast %get3A_542 : vector<1x16xf32> to vector<16xf32>
        %add3A_544 = arith.addf %get3A_508, %get3A_543 : vector<16xf32>
        %mul3A_545 = arith.constant 20 : i32
        %mul3A_546 = arith.muli %scan3A_109, %mul3A_545 : i32
        %add3A_547 = arith.constant 8 : i32
        %add3A_548 = arith.addi %mul3A_546, %add3A_547 : i32
        %get3A_549 = arith.index_cast %add3A_548 : i32 to index
        %get3A_550 = arith.constant 32 : index
        %get3A_551 = tpu.vector_load %arg10[%get3A_549, %get3A_550] {strides = array<i32>} : memref<320x128xf32, #tpu.memory_space<vmem>>, vector<1x16xf32>,
        %get3A_552 = vector.shape_cast %get3A_551 : vector<1x16xf32> to vector<16xf32>
        %add3A_553 = arith.addf %add3A_517, %get3A_552 : vector<16xf32>
        %mul3A_554 = arith.constant 20 : i32
        %mul3A_555 = arith.muli %scan3A_109, %mul3A_554 : i32
        %add3A_556 = arith.constant 9 : i32
        %add3A_557 = arith.addi %mul3A_555, %add3A_556 : i32
        %get3A_558 = arith.index_cast %add3A_557 : i32 to index
        %get3A_559 = arith.constant 32 : index
        %get3A_560 = tpu.vector_load %arg10[%get3A_558, %get3A_559] {strides = array<i32>} : memref<320x128xf32, #tpu.memory_space<vmem>>, vector<1x16xf32>,
        %get3A_561 = vector.shape_cast %get3A_560 : vector<1x16xf32> to vector<16xf32>
        %add3A_562 = arith.addf %add3A_526, %get3A_561 : vector<16xf32>
        %mul3A_563 = arith.constant 20 : i32
        %mul3A_564 = arith.muli %scan3A_109, %mul3A_563 : i32
        %add3A_565 = arith.constant 10 : i32
        %add3A_566 = arith.addi %mul3A_564, %add3A_565 : i32
        %get3A_567 = arith.index_cast %add3A_566 : i32 to index
        %get3A_568 = arith.constant 32 : index
        %get3A_569 = tpu.vector_load %arg10[%get3A_567, %get3A_568] {strides = array<i32>} : memref<320x128xf32, #tpu.memory_space<vmem>>, vector<1x16xf32>,
        %get3A_570 = vector.shape_cast %get3A_569 : vector<1x16xf32> to vector<16xf32>
        %add3A_571 = arith.addf %add3A_535, %get3A_570 : vector<16xf32>
        %mul3A_572 = arith.constant 20 : i32
        %mul3A_573 = arith.muli %scan3A_109, %mul3A_572 : i32
        %add3A_574 = arith.constant 11 : i32
        %add3A_575 = arith.addi %mul3A_573, %add3A_574 : i32
        %get3A_576 = arith.index_cast %add3A_575 : i32 to index
        %get3A_577 = arith.constant 32 : index
        %get3A_578 = tpu.vector_load %arg10[%get3A_576, %get3A_577] {strides = array<i32>} : memref<320x128xf32, #tpu.memory_space<vmem>>, vector<1x16xf32>,
        %get3A_579 = vector.shape_cast %get3A_578 : vector<1x16xf32> to vector<16xf32>
        %add3A_580 = arith.addf %add3A_544, %get3A_579 : vector<16xf32>
        %mul3A_581 = arith.constant 20 : i32
        %mul3A_582 = arith.muli %scan3A_109, %mul3A_581 : i32
        %add3A_583 = arith.constant 12 : i32
        %add3A_584 = arith.addi %mul3A_582, %add3A_583 : i32
        %get3A_585 = arith.index_cast %add3A_584 : i32 to index
        %get3A_586 = arith.constant 32 : index
        %get3A_587 = tpu.vector_load %arg10[%get3A_585, %get3A_586] {strides = array<i32>} : memref<320x128xf32, #tpu.memory_space<vmem>>, vector<1x16xf32>,
        %get3A_588 = vector.shape_cast %get3A_587 : vector<1x16xf32> to vector<16xf32>
        %add3A_589 = arith.addf %add3A_553, %get3A_588 : vector<16xf32>
        %mul3A_590 = arith.constant 20 : i32
        %mul3A_591 = arith.muli %scan3A_109, %mul3A_590 : i32
        %add3A_592 = arith.constant 13 : i32
        %add3A_593 = arith.addi %mul3A_591, %add3A_592 : i32
        %get3A_594 = arith.index_cast %add3A_593 : i32 to index
        %get3A_595 = arith.constant 32 : index
        %get3A_596 = tpu.vector_load %arg10[%get3A_594, %get3A_595] {strides = array<i32>} : memref<320x128xf32, #tpu.memory_space<vmem>>, vector<1x16xf32>,
        %get3A_597 = vector.shape_cast %get3A_596 : vector<1x16xf32> to vector<16xf32>
        %add3A_598 = arith.addf %add3A_562, %get3A_597 : vector<16xf32>
        %mul3A_599 = arith.constant 20 : i32
        %mul3A_600 = arith.muli %scan3A_109, %mul3A_599 : i32
        %add3A_601 = arith.constant 14 : i32
        %add3A_602 = arith.addi %mul3A_600, %add3A_601 : i32
        %get3A_603 = arith.index_cast %add3A_602 : i32 to index
        %get3A_604 = arith.constant 32 : index
        %get3A_605 = tpu.vector_load %arg10[%get3A_603, %get3A_604] {strides = array<i32>} : memref<320x128xf32, #tpu.memory_space<vmem>>, vector<1x16xf32>,
        %get3A_606 = vector.shape_cast %get3A_605 : vector<1x16xf32> to vector<16xf32>
        %add3A_607 = arith.addf %add3A_571, %get3A_606 : vector<16xf32>
        %mul3A_608 = arith.constant 20 : i32
        %mul3A_609 = arith.muli %scan3A_109, %mul3A_608 : i32
        %add3A_610 = arith.constant 15 : i32
        %add3A_611 = arith.addi %mul3A_609, %add3A_610 : i32
        %get3A_612 = arith.index_cast %add3A_611 : i32 to index
        %get3A_613 = arith.constant 32 : index
        %get3A_614 = tpu.vector_load %arg10[%get3A_612, %get3A_613] {strides = array<i32>} : memref<320x128xf32, #tpu.memory_space<vmem>>, vector<1x16xf32>,
        %get3A_615 = vector.shape_cast %get3A_614 : vector<1x16xf32> to vector<16xf32>
        %add3A_616 = arith.addf %add3A_580, %get3A_615 : vector<16xf32>
        %mul3A_617 = arith.constant 20 : i32
        %mul3A_618 = arith.muli %scan3A_109, %mul3A_617 : i32
        %add3A_619 = arith.constant 16 : i32
        %add3A_620 = arith.addi %mul3A_618, %add3A_619 : i32
        %get3A_621 = arith.index_cast %add3A_620 : i32 to index
        %get3A_622 = arith.constant 32 : index
        %get3A_623 = tpu.vector_load %arg10[%get3A_621, %get3A_622] {strides = array<i32>} : memref<320x128xf32, #tpu.memory_space<vmem>>, vector<1x16xf32>,
        %get3A_624 = vector.shape_cast %get3A_623 : vector<1x16xf32> to vector<16xf32>
        %add3A_625 = arith.addf %add3A_589, %get3A_624 : vector<16xf32>
        %mul3A_626 = arith.constant 20 : i32
        %mul3A_627 = arith.muli %scan3A_109, %mul3A_626 : i32
        %add3A_628 = arith.constant 17 : i32
        %add3A_629 = arith.addi %mul3A_627, %add3A_628 : i32
        %get3A_630 = arith.index_cast %add3A_629 : i32 to index
        %get3A_631 = arith.constant 32 : index
        %get3A_632 = tpu.vector_load %arg10[%get3A_630, %get3A_631] {strides = array<i32>} : memref<320x128xf32, #tpu.memory_space<vmem>>, vector<1x16xf32>,
        %get3A_633 = vector.shape_cast %get3A_632 : vector<1x16xf32> to vector<16xf32>
        %add3A_634 = arith.addf %add3A_598, %get3A_633 : vector<16xf32>
        %mul3A_635 = arith.constant 20 : i32
        %mul3A_636 = arith.muli %scan3A_109, %mul3A_635 : i32
        %add3A_637 = arith.constant 18 : i32
        %add3A_638 = arith.addi %mul3A_636, %add3A_637 : i32
        %get3A_639 = arith.index_cast %add3A_638 : i32 to index
        %get3A_640 = arith.constant 32 : index
        %get3A_641 = tpu.vector_load %arg10[%get3A_639, %get3A_640] {strides = array<i32>} : memref<320x128xf32, #tpu.memory_space<vmem>>, vector<1x16xf32>,
        %get3A_642 = vector.shape_cast %get3A_641 : vector<1x16xf32> to vector<16xf32>
        %add3A_643 = arith.addf %add3A_607, %get3A_642 : vector<16xf32>
        %mul3A_644 = arith.constant 20 : i32
        %mul3A_645 = arith.muli %scan3A_109, %mul3A_644 : i32
        %add3A_646 = arith.constant 19 : i32
        %add3A_647 = arith.addi %mul3A_645, %add3A_646 : i32
        %get3A_648 = arith.index_cast %add3A_647 : i32 to index
        %get3A_649 = arith.constant 32 : index
        %get3A_650 = tpu.vector_load %arg10[%get3A_648, %get3A_649] {strides = array<i32>} : memref<320x128xf32, #tpu.memory_space<vmem>>, vector<1x16xf32>,
        %get3A_651 = vector.shape_cast %get3A_650 : vector<1x16xf32> to vector<16xf32>
        %add3A_652 = arith.addf %add3A_616, %get3A_651 : vector<16xf32>
        %add3A_653 = arith.addf %add3A_625, %add3A_634 : vector<16xf32>
        %add3A_654 = arith.addf %add3A_643, %add3A_652 : vector<16xf32>
        %add3A_655 = arith.addf %add3A_653, %add3A_654 : vector<16xf32>
        %swap3A_656 = arith.index_cast %scan3A_109 : i32 to index
        %swap3A_657 = arith.constant 32 : index
        %swap3A_658 = tpu.vector_load %arg12[%swap3A_656, %swap3A_657] {strides = array<i32>} : memref<16x128xf32, #tpu.memory_space<vmem>>, vector<1x16xf32>,
        %swap3A_659 = vector.shape_cast %swap3A_658 : vector<1x16xf32> to vector<16xf32>
        %swap3A_660 = vector.shape_cast %add3A_655 : vector<16xf32> to vector<1x16xf32>
        tpu.vector_store %arg12[%swap3A_656, %swap3A_657], %swap3A_660 {strides = array<i32>} : memref<16x128xf32, #tpu.memory_space<vmem>>, vector<1x16xf32>,
        %mul3A_661 = arith.constant 20 : i32
        %mul3A_662 = arith.muli %scan3A_109, %mul3A_661 : i32
        %add3A_663 = arith.constant 0 : i32
        %add3A_664 = arith.addi %mul3A_662, %add3A_663 : i32
        %get3A_665 = arith.index_cast %add3A_664 : i32 to index
        %get3A_666 = arith.constant 48 : index
        %get3A_667 = tpu.vector_load %arg10[%get3A_665, %get3A_666] {strides = array<i32>} : memref<320x128xf32, #tpu.memory_space<vmem>>, vector<1x16xf32>,
        %get3A_668 = vector.shape_cast %get3A_667 : vector<1x16xf32> to vector<16xf32>
        %mul3A_669 = arith.constant 20 : i32
        %mul3A_670 = arith.muli %scan3A_109, %mul3A_669 : i32
        %add3A_671 = arith.constant 1 : i32
        %add3A_672 = arith.addi %mul3A_670, %add3A_671 : i32
        %get3A_673 = arith.index_cast %add3A_672 : i32 to index
        %get3A_674 = arith.constant 48 : index
        %get3A_675 = tpu.vector_load %arg10[%get3A_673, %get3A_674] {strides = array<i32>} : memref<320x128xf32, #tpu.memory_space<vmem>>, vector<1x16xf32>,
        %get3A_676 = vector.shape_cast %get3A_675 : vector<1x16xf32> to vector<16xf32>
        %mul3A_677 = arith.constant 20 : i32
        %mul3A_678 = arith.muli %scan3A_109, %mul3A_677 : i32
        %add3A_679 = arith.constant 2 : i32
        %add3A_680 = arith.addi %mul3A_678, %add3A_679 : i32
        %get3A_681 = arith.index_cast %add3A_680 : i32 to index
        %get3A_682 = arith.constant 48 : index
        %get3A_683 = tpu.vector_load %arg10[%get3A_681, %get3A_682] {strides = array<i32>} : memref<320x128xf32, #tpu.memory_space<vmem>>, vector<1x16xf32>,
        %get3A_684 = vector.shape_cast %get3A_683 : vector<1x16xf32> to vector<16xf32>
        %mul3A_685 = arith.constant 20 : i32
        %mul3A_686 = arith.muli %scan3A_109, %mul3A_685 : i32
        %add3A_687 = arith.constant 3 : i32
        %add3A_688 = arith.addi %mul3A_686, %add3A_687 : i32
        %get3A_689 = arith.index_cast %add3A_688 : i32 to index
        %get3A_690 = arith.constant 48 : index
        %get3A_691 = tpu.vector_load %arg10[%get3A_689, %get3A_690] {strides = array<i32>} : memref<320x128xf32, #tpu.memory_space<vmem>>, vector<1x16xf32>,
        %get3A_692 = vector.shape_cast %get3A_691 : vector<1x16xf32> to vector<16xf32>
        %mul3A_693 = arith.constant 20 : i32
        %mul3A_694 = arith.muli %scan3A_109, %mul3A_693 : i32
        %add3A_695 = arith.constant 4 : i32
        %add3A_696 = arith.addi %mul3A_694, %add3A_695 : i32
        %get3A_697 = arith.index_cast %add3A_696 : i32 to index
        %get3A_698 = arith.constant 48 : index
        %get3A_699 = tpu.vector_load %arg10[%get3A_697, %get3A_698] {strides = array<i32>} : memref<320x128xf32, #tpu.memory_space<vmem>>, vector<1x16xf32>,
        %get3A_700 = vector.shape_cast %get3A_699 : vector<1x16xf32> to vector<16xf32>
        %add3A_701 = arith.addf %get3A_668, %get3A_700 : vector<16xf32>
        %mul3A_702 = arith.constant 20 : i32
        %mul3A_703 = arith.muli %scan3A_109, %mul3A_702 : i32
        %add3A_704 = arith.constant 5 : i32
        %add3A_705 = arith.addi %mul3A_703, %add3A_704 : i32
        %get3A_706 = arith.index_cast %add3A_705 : i32 to index
        %get3A_707 = arith.constant 48 : index
        %get3A_708 = tpu.vector_load %arg10[%get3A_706, %get3A_707] {strides = array<i32>} : memref<320x128xf32, #tpu.memory_space<vmem>>, vector<1x16xf32>,
        %get3A_709 = vector.shape_cast %get3A_708 : vector<1x16xf32> to vector<16xf32>
        %add3A_710 = arith.addf %get3A_676, %get3A_709 : vector<16xf32>
        %mul3A_711 = arith.constant 20 : i32
        %mul3A_712 = arith.muli %scan3A_109, %mul3A_711 : i32
        %add3A_713 = arith.constant 6 : i32
        %add3A_714 = arith.addi %mul3A_712, %add3A_713 : i32
        %get3A_715 = arith.index_cast %add3A_714 : i32 to index
        %get3A_716 = arith.constant 48 : index
        %get3A_717 = tpu.vector_load %arg10[%get3A_715, %get3A_716] {strides = array<i32>} : memref<320x128xf32, #tpu.memory_space<vmem>>, vector<1x16xf32>,
        %get3A_718 = vector.shape_cast %get3A_717 : vector<1x16xf32> to vector<16xf32>
        %add3A_719 = arith.addf %get3A_684, %get3A_718 : vector<16xf32>
        %mul3A_720 = arith.constant 20 : i32
        %mul3A_721 = arith.muli %scan3A_109, %mul3A_720 : i32
        %add3A_722 = arith.constant 7 : i32
        %add3A_723 = arith.addi %mul3A_721, %add3A_722 : i32
        %get3A_724 = arith.index_cast %add3A_723 : i32 to index
        %get3A_725 = arith.constant 48 : index
        %get3A_726 = tpu.vector_load %arg10[%get3A_724, %get3A_725] {strides = array<i32>} : memref<320x128xf32, #tpu.memory_space<vmem>>, vector<1x16xf32>,
        %get3A_727 = vector.shape_cast %get3A_726 : vector<1x16xf32> to vector<16xf32>
        %add3A_728 = arith.addf %get3A_692, %get3A_727 : vector<16xf32>
        %mul3A_729 = arith.constant 20 : i32
        %mul3A_730 = arith.muli %scan3A_109, %mul3A_729 : i32
        %add3A_731 = arith.constant 8 : i32
        %add3A_732 = arith.addi %mul3A_730, %add3A_731 : i32
        %get3A_733 = arith.index_cast %add3A_732 : i32 to index
        %get3A_734 = arith.constant 48 : index
        %get3A_735 = tpu.vector_load %arg10[%get3A_733, %get3A_734] {strides = array<i32>} : memref<320x128xf32, #tpu.memory_space<vmem>>, vector<1x16xf32>,
        %get3A_736 = vector.shape_cast %get3A_735 : vector<1x16xf32> to vector<16xf32>
        %add3A_737 = arith.addf %add3A_701, %get3A_736 : vector<16xf32>
        %mul3A_738 = arith.constant 20 : i32
        %mul3A_739 = arith.muli %scan3A_109, %mul3A_738 : i32
        %add3A_740 = arith.constant 9 : i32
        %add3A_741 = arith.addi %mul3A_739, %add3A_740 : i32
        %get3A_742 = arith.index_cast %add3A_741 : i32 to index
        %get3A_743 = arith.constant 48 : index
        %get3A_744 = tpu.vector_load %arg10[%get3A_742, %get3A_743] {strides = array<i32>} : memref<320x128xf32, #tpu.memory_space<vmem>>, vector<1x16xf32>,
        %get3A_745 = vector.shape_cast %get3A_744 : vector<1x16xf32> to vector<16xf32>
        %add3A_746 = arith.addf %add3A_710, %get3A_745 : vector<16xf32>
        %mul3A_747 = arith.constant 20 : i32
        %mul3A_748 = arith.muli %scan3A_109, %mul3A_747 : i32
        %add3A_749 = arith.constant 10 : i32
        %add3A_750 = arith.addi %mul3A_748, %add3A_749 : i32
        %get3A_751 = arith.index_cast %add3A_750 : i32 to index
        %get3A_752 = arith.constant 48 : index
        %get3A_753 = tpu.vector_load %arg10[%get3A_751, %get3A_752] {strides = array<i32>} : memref<320x128xf32, #tpu.memory_space<vmem>>, vector<1x16xf32>,
        %get3A_754 = vector.shape_cast %get3A_753 : vector<1x16xf32> to vector<16xf32>
        %add3A_755 = arith.addf %add3A_719, %get3A_754 : vector<16xf32>
        %mul3A_756 = arith.constant 20 : i32
        %mul3A_757 = arith.muli %scan3A_109, %mul3A_756 : i32
        %add3A_758 = arith.constant 11 : i32
        %add3A_759 = arith.addi %mul3A_757, %add3A_758 : i32
        %get3A_760 = arith.index_cast %add3A_759 : i32 to index
        %get3A_761 = arith.constant 48 : index
        %get3A_762 = tpu.vector_load %arg10[%get3A_760, %get3A_761] {strides = array<i32>} : memref<320x128xf32, #tpu.memory_space<vmem>>, vector<1x16xf32>,
        %get3A_763 = vector.shape_cast %get3A_762 : vector<1x16xf32> to vector<16xf32>
        %add3A_764 = arith.addf %add3A_728, %get3A_763 : vector<16xf32>
        %mul3A_765 = arith.constant 20 : i32
        %mul3A_766 = arith.muli %scan3A_109, %mul3A_765 : i32
        %add3A_767 = arith.constant 12 : i32
        %add3A_768 = arith.addi %mul3A_766, %add3A_767 : i32
        %get3A_769 = arith.index_cast %add3A_768 : i32 to index
        %get3A_770 = arith.constant 48 : index
        %get3A_771 = tpu.vector_load %arg10[%get3A_769, %get3A_770] {strides = array<i32>} : memref<320x128xf32, #tpu.memory_space<vmem>>, vector<1x16xf32>,
        %get3A_772 = vector.shape_cast %get3A_771 : vector<1x16xf32> to vector<16xf32>
        %add3A_773 = arith.addf %add3A_737, %get3A_772 : vector<16xf32>
        %mul3A_774 = arith.constant 20 : i32
        %mul3A_775 = arith.muli %scan3A_109, %mul3A_774 : i32
        %add3A_776 = arith.constant 13 : i32
        %add3A_777 = arith.addi %mul3A_775, %add3A_776 : i32
        %get3A_778 = arith.index_cast %add3A_777 : i32 to index
        %get3A_779 = arith.constant 48 : index
        %get3A_780 = tpu.vector_load %arg10[%get3A_778, %get3A_779] {strides = array<i32>} : memref<320x128xf32, #tpu.memory_space<vmem>>, vector<1x16xf32>,
        %get3A_781 = vector.shape_cast %get3A_780 : vector<1x16xf32> to vector<16xf32>
        %add3A_782 = arith.addf %add3A_746, %get3A_781 : vector<16xf32>
        %mul3A_783 = arith.constant 20 : i32
        %mul3A_784 = arith.muli %scan3A_109, %mul3A_783 : i32
        %add3A_785 = arith.constant 14 : i32
        %add3A_786 = arith.addi %mul3A_784, %add3A_785 : i32
        %get3A_787 = arith.index_cast %add3A_786 : i32 to index
        %get3A_788 = arith.constant 48 : index
        %get3A_789 = tpu.vector_load %arg10[%get3A_787, %get3A_788] {strides = array<i32>} : memref<320x128xf32, #tpu.memory_space<vmem>>, vector<1x16xf32>,
        %get3A_790 = vector.shape_cast %get3A_789 : vector<1x16xf32> to vector<16xf32>
        %add3A_791 = arith.addf %add3A_755, %get3A_790 : vector<16xf32>
        %mul3A_792 = arith.constant 20 : i32
        %mul3A_793 = arith.muli %scan3A_109, %mul3A_792 : i32
        %add3A_794 = arith.constant 15 : i32
        %add3A_795 = arith.addi %mul3A_793, %add3A_794 : i32
        %get3A_796 = arith.index_cast %add3A_795 : i32 to index
        %get3A_797 = arith.constant 48 : index
        %get3A_798 = tpu.vector_load %arg10[%get3A_796, %get3A_797] {strides = array<i32>} : memref<320x128xf32, #tpu.memory_space<vmem>>, vector<1x16xf32>,
        %get3A_799 = vector.shape_cast %get3A_798 : vector<1x16xf32> to vector<16xf32>
        %add3A_800 = arith.addf %add3A_764, %get3A_799 : vector<16xf32>
        %mul3A_801 = arith.constant 20 : i32
        %mul3A_802 = arith.muli %scan3A_109, %mul3A_801 : i32
        %add3A_803 = arith.constant 16 : i32
        %add3A_804 = arith.addi %mul3A_802, %add3A_803 : i32
        %get3A_805 = arith.index_cast %add3A_804 : i32 to index
        %get3A_806 = arith.constant 48 : index
        %get3A_807 = tpu.vector_load %arg10[%get3A_805, %get3A_806] {strides = array<i32>} : memref<320x128xf32, #tpu.memory_space<vmem>>, vector<1x16xf32>,
        %get3A_808 = vector.shape_cast %get3A_807 : vector<1x16xf32> to vector<16xf32>
        %add3A_809 = arith.addf %add3A_773, %get3A_808 : vector<16xf32>
        %mul3A_810 = arith.constant 20 : i32
        %mul3A_811 = arith.muli %scan3A_109, %mul3A_810 : i32
        %add3A_812 = arith.constant 17 : i32
        %add3A_813 = arith.addi %mul3A_811, %add3A_812 : i32
        %get3A_814 = arith.index_cast %add3A_813 : i32 to index
        %get3A_815 = arith.constant 48 : index
        %get3A_816 = tpu.vector_load %arg10[%get3A_814, %get3A_815] {strides = array<i32>} : memref<320x128xf32, #tpu.memory_space<vmem>>, vector<1x16xf32>,
        %get3A_817 = vector.shape_cast %get3A_816 : vector<1x16xf32> to vector<16xf32>
        %add3A_818 = arith.addf %add3A_782, %get3A_817 : vector<16xf32>
        %mul3A_819 = arith.constant 20 : i32
        %mul3A_820 = arith.muli %scan3A_109, %mul3A_819 : i32
        %add3A_821 = arith.constant 18 : i32
        %add3A_822 = arith.addi %mul3A_820, %add3A_821 : i32
        %get3A_823 = arith.index_cast %add3A_822 : i32 to index
        %get3A_824 = arith.constant 48 : index
        %get3A_825 = tpu.vector_load %arg10[%get3A_823, %get3A_824] {strides = array<i32>} : memref<320x128xf32, #tpu.memory_space<vmem>>, vector<1x16xf32>,
        %get3A_826 = vector.shape_cast %get3A_825 : vector<1x16xf32> to vector<16xf32>
        %add3A_827 = arith.addf %add3A_791, %get3A_826 : vector<16xf32>
        %mul3A_828 = arith.constant 20 : i32
        %mul3A_829 = arith.muli %scan3A_109, %mul3A_828 : i32
        %add3A_830 = arith.constant 19 : i32
        %add3A_831 = arith.addi %mul3A_829, %add3A_830 : i32
        %get3A_832 = arith.index_cast %add3A_831 : i32 to index
        %get3A_833 = arith.constant 48 : index
        %get3A_834 = tpu.vector_load %arg10[%get3A_832, %get3A_833] {strides = array<i32>} : memref<320x128xf32, #tpu.memory_space<vmem>>, vector<1x16xf32>,
        %get3A_835 = vector.shape_cast %get3A_834 : vector<1x16xf32> to vector<16xf32>
        %add3A_836 = arith.addf %add3A_800, %get3A_835 : vector<16xf32>
        %add3A_837 = arith.addf %add3A_809, %add3A_818 : vector<16xf32>
        %add3A_838 = arith.addf %add3A_827, %add3A_836 : vector<16xf32>
        %add3A_839 = arith.addf %add3A_837, %add3A_838 : vector<16xf32>
        %swap3A_840 = arith.index_cast %scan3A_109 : i32 to index
        %swap3A_841 = arith.constant 48 : index
        %swap3A_842 = tpu.vector_load %arg12[%swap3A_840, %swap3A_841] {strides = array<i32>} : memref<16x128xf32, #tpu.memory_space<vmem>>, vector<1x16xf32>,
        %swap3A_843 = vector.shape_cast %swap3A_842 : vector<1x16xf32> to vector<16xf32>
        %swap3A_844 = vector.shape_cast %add3A_839 : vector<16xf32> to vector<1x16xf32>
        tpu.vector_store %arg12[%swap3A_840, %swap3A_841], %swap3A_844 {strides = array<i32>} : memref<16x128xf32, #tpu.memory_space<vmem>>, vector<1x16xf32>,
        %mul3A_845 = arith.constant 20 : i32
        %mul3A_846 = arith.muli %scan3A_109, %mul3A_845 : i32
        %add3A_847 = arith.constant 0 : i32
        %add3A_848 = arith.addi %mul3A_846, %add3A_847 : i32
        %get3A_849 = arith.index_cast %add3A_848 : i32 to index
        %get3A_850 = arith.constant 64 : index
        %get3A_851 = tpu.vector_load %arg10[%get3A_849, %get3A_850] {strides = array<i32>} : memref<320x128xf32, #tpu.memory_space<vmem>>, vector<1x16xf32>,
        %get3A_852 = vector.shape_cast %get3A_851 : vector<1x16xf32> to vector<16xf32>
        %mul3A_853 = arith.constant 20 : i32
        %mul3A_854 = arith.muli %scan3A_109, %mul3A_853 : i32
        %add3A_855 = arith.constant 1 : i32
        %add3A_856 = arith.addi %mul3A_854, %add3A_855 : i32
        %get3A_857 = arith.index_cast %add3A_856 : i32 to index
        %get3A_858 = arith.constant 64 : index
        %get3A_859 = tpu.vector_load %arg10[%get3A_857, %get3A_858] {strides = array<i32>} : memref<320x128xf32, #tpu.memory_space<vmem>>, vector<1x16xf32>,
        %get3A_860 = vector.shape_cast %get3A_859 : vector<1x16xf32> to vector<16xf32>
        %mul3A_861 = arith.constant 20 : i32
        %mul3A_862 = arith.muli %scan3A_109, %mul3A_861 : i32
        %add3A_863 = arith.constant 2 : i32
        %add3A_864 = arith.addi %mul3A_862, %add3A_863 : i32
        %get3A_865 = arith.index_cast %add3A_864 : i32 to index
        %get3A_866 = arith.constant 64 : index
        %get3A_867 = tpu.vector_load %arg10[%get3A_865, %get3A_866] {strides = array<i32>} : memref<320x128xf32, #tpu.memory_space<vmem>>, vector<1x16xf32>,
        %get3A_868 = vector.shape_cast %get3A_867 : vector<1x16xf32> to vector<16xf32>
        %mul3A_869 = arith.constant 20 : i32
        %mul3A_870 = arith.muli %scan3A_109, %mul3A_869 : i32
        %add3A_871 = arith.constant 3 : i32
        %add3A_872 = arith.addi %mul3A_870, %add3A_871 : i32
        %get3A_873 = arith.index_cast %add3A_872 : i32 to index
        %get3A_874 = arith.constant 64 : index
        %get3A_875 = tpu.vector_load %arg10[%get3A_873, %get3A_874] {strides = array<i32>} : memref<320x128xf32, #tpu.memory_space<vmem>>, vector<1x16xf32>,
        %get3A_876 = vector.shape_cast %get3A_875 : vector<1x16xf32> to vector<16xf32>
        %mul3A_877 = arith.constant 20 : i32
        %mul3A_878 = arith.muli %scan3A_109, %mul3A_877 : i32
        %add3A_879 = arith.constant 4 : i32
        %add3A_880 = arith.addi %mul3A_878, %add3A_879 : i32
        %get3A_881 = arith.index_cast %add3A_880 : i32 to index
        %get3A_882 = arith.constant 64 : index
        %get3A_883 = tpu.vector_load %arg10[%get3A_881, %get3A_882] {strides = array<i32>} : memref<320x128xf32, #tpu.memory_space<vmem>>, vector<1x16xf32>,
        %get3A_884 = vector.shape_cast %get3A_883 : vector<1x16xf32> to vector<16xf32>
        %add3A_885 = arith.addf %get3A_852, %get3A_884 : vector<16xf32>
        %mul3A_886 = arith.constant 20 : i32
        %mul3A_887 = arith.muli %scan3A_109, %mul3A_886 : i32
        %add3A_888 = arith.constant 5 : i32
        %add3A_889 = arith.addi %mul3A_887, %add3A_888 : i32
        %get3A_890 = arith.index_cast %add3A_889 : i32 to index
        %get3A_891 = arith.constant 64 : index
        %get3A_892 = tpu.vector_load %arg10[%get3A_890, %get3A_891] {strides = array<i32>} : memref<320x128xf32, #tpu.memory_space<vmem>>, vector<1x16xf32>,
        %get3A_893 = vector.shape_cast %get3A_892 : vector<1x16xf32> to vector<16xf32>
        %add3A_894 = arith.addf %get3A_860, %get3A_893 : vector<16xf32>
        %mul3A_895 = arith.constant 20 : i32
        %mul3A_896 = arith.muli %scan3A_109, %mul3A_895 : i32
        %add3A_897 = arith.constant 6 : i32
        %add3A_898 = arith.addi %mul3A_896, %add3A_897 : i32
        %get3A_899 = arith.index_cast %add3A_898 : i32 to index
        %get3A_900 = arith.constant 64 : index
        %get3A_901 = tpu.vector_load %arg10[%get3A_899, %get3A_900] {strides = array<i32>} : memref<320x128xf32, #tpu.memory_space<vmem>>, vector<1x16xf32>,
        %get3A_902 = vector.shape_cast %get3A_901 : vector<1x16xf32> to vector<16xf32>
        %add3A_903 = arith.addf %get3A_868, %get3A_902 : vector<16xf32>
        %mul3A_904 = arith.constant 20 : i32
        %mul3A_905 = arith.muli %scan3A_109, %mul3A_904 : i32
        %add3A_906 = arith.constant 7 : i32
        %add3A_907 = arith.addi %mul3A_905, %add3A_906 : i32
        %get3A_908 = arith.index_cast %add3A_907 : i32 to index
        %get3A_909 = arith.constant 64 : index
        %get3A_910 = tpu.vector_load %arg10[%get3A_908, %get3A_909] {strides = array<i32>} : memref<320x128xf32, #tpu.memory_space<vmem>>, vector<1x16xf32>,
        %get3A_911 = vector.shape_cast %get3A_910 : vector<1x16xf32> to vector<16xf32>
        %add3A_912 = arith.addf %get3A_876, %get3A_911 : vector<16xf32>
        %mul3A_913 = arith.constant 20 : i32
        %mul3A_914 = arith.muli %scan3A_109, %mul3A_913 : i32
        %add3A_915 = arith.constant 8 : i32
        %add3A_916 = arith.addi %mul3A_914, %add3A_915 : i32
        %get3A_917 = arith.index_cast %add3A_916 : i32 to index
        %get3A_918 = arith.constant 64 : index
        %get3A_919 = tpu.vector_load %arg10[%get3A_917, %get3A_918] {strides = array<i32>} : memref<320x128xf32, #tpu.memory_space<vmem>>, vector<1x16xf32>,
        %get3A_920 = vector.shape_cast %get3A_919 : vector<1x16xf32> to vector<16xf32>
        %add3A_921 = arith.addf %add3A_885, %get3A_920 : vector<16xf32>
        %mul3A_922 = arith.constant 20 : i32
        %mul3A_923 = arith.muli %scan3A_109, %mul3A_922 : i32
        %add3A_924 = arith.constant 9 : i32
        %add3A_925 = arith.addi %mul3A_923, %add3A_924 : i32
        %get3A_926 = arith.index_cast %add3A_925 : i32 to index
        %get3A_927 = arith.constant 64 : index
        %get3A_928 = tpu.vector_load %arg10[%get3A_926, %get3A_927] {strides = array<i32>} : memref<320x128xf32, #tpu.memory_space<vmem>>, vector<1x16xf32>,
        %get3A_929 = vector.shape_cast %get3A_928 : vector<1x16xf32> to vector<16xf32>
        %add3A_930 = arith.addf %add3A_894, %get3A_929 : vector<16xf32>
        %mul3A_931 = arith.constant 20 : i32
        %mul3A_932 = arith.muli %scan3A_109, %mul3A_931 : i32
        %add3A_933 = arith.constant 10 : i32
        %add3A_934 = arith.addi %mul3A_932, %add3A_933 : i32
        %get3A_935 = arith.index_cast %add3A_934 : i32 to index
        %get3A_936 = arith.constant 64 : index
        %get3A_937 = tpu.vector_load %arg10[%get3A_935, %get3A_936] {strides = array<i32>} : memref<320x128xf32, #tpu.memory_space<vmem>>, vector<1x16xf32>,
        %get3A_938 = vector.shape_cast %get3A_937 : vector<1x16xf32> to vector<16xf32>
        %add3A_939 = arith.addf %add3A_903, %get3A_938 : vector<16xf32>
        %mul3A_940 = arith.constant 20 : i32
        %mul3A_941 = arith.muli %scan3A_109, %mul3A_940 : i32
        %add3A_942 = arith.constant 11 : i32
        %add3A_943 = arith.addi %mul3A_941, %add3A_942 : i32
        %get3A_944 = arith.index_cast %add3A_943 : i32 to index
        %get3A_945 = arith.constant 64 : index
        %get3A_946 = tpu.vector_load %arg10[%get3A_944, %get3A_945] {strides = array<i32>} : memref<320x128xf32, #tpu.memory_space<vmem>>, vector<1x16xf32>,
        %get3A_947 = vector.shape_cast %get3A_946 : vector<1x16xf32> to vector<16xf32>
        %add3A_948 = arith.addf %add3A_912, %get3A_947 : vector<16xf32>
        %mul3A_949 = arith.constant 20 : i32
        %mul3A_950 = arith.muli %scan3A_109, %mul3A_949 : i32
        %add3A_951 = arith.constant 12 : i32
        %add3A_952 = arith.addi %mul3A_950, %add3A_951 : i32
        %get3A_953 = arith.index_cast %add3A_952 : i32 to index
        %get3A_954 = arith.constant 64 : index
        %get3A_955 = tpu.vector_load %arg10[%get3A_953, %get3A_954] {strides = array<i32>} : memref<320x128xf32, #tpu.memory_space<vmem>>, vector<1x16xf32>,
        %get3A_956 = vector.shape_cast %get3A_955 : vector<1x16xf32> to vector<16xf32>
        %add3A_957 = arith.addf %add3A_921, %get3A_956 : vector<16xf32>
        %mul3A_958 = arith.constant 20 : i32
        %mul3A_959 = arith.muli %scan3A_109, %mul3A_958 : i32
        %add3A_960 = arith.constant 13 : i32
        %add3A_961 = arith.addi %mul3A_959, %add3A_960 : i32
        %get3A_962 = arith.index_cast %add3A_961 : i32 to index
        %get3A_963 = arith.constant 64 : index
        %get3A_964 = tpu.vector_load %arg10[%get3A_962, %get3A_963] {strides = array<i32>} : memref<320x128xf32, #tpu.memory_space<vmem>>, vector<1x16xf32>,
        %get3A_965 = vector.shape_cast %get3A_964 : vector<1x16xf32> to vector<16xf32>
        %add3A_966 = arith.addf %add3A_930, %get3A_965 : vector<16xf32>
        %mul3A_967 = arith.constant 20 : i32
        %mul3A_968 = arith.muli %scan3A_109, %mul3A_967 : i32
        %add3A_969 = arith.constant 14 : i32
        %add3A_970 = arith.addi %mul3A_968, %add3A_969 : i32
        %get3A_971 = arith.index_cast %add3A_970 : i32 to index
        %get3A_972 = arith.constant 64 : index
        %get3A_973 = tpu.vector_load %arg10[%get3A_971, %get3A_972] {strides = array<i32>} : memref<320x128xf32, #tpu.memory_space<vmem>>, vector<1x16xf32>,
        %get3A_974 = vector.shape_cast %get3A_973 : vector<1x16xf32> to vector<16xf32>
        %add3A_975 = arith.addf %add3A_939, %get3A_974 : vector<16xf32>
        %mul3A_976 = arith.constant 20 : i32
        %mul3A_977 = arith.muli %scan3A_109, %mul3A_976 : i32
        %add3A_978 = arith.constant 15 : i32
        %add3A_979 = arith.addi %mul3A_977, %add3A_978 : i32
        %get3A_980 = arith.index_cast %add3A_979 : i32 to index
        %get3A_981 = arith.constant 64 : index
        %get3A_982 = tpu.vector_load %arg10[%get3A_980, %get3A_981] {strides = array<i32>} : memref<320x128xf32, #tpu.memory_space<vmem>>, vector<1x16xf32>,
        %get3A_983 = vector.shape_cast %get3A_982 : vector<1x16xf32> to vector<16xf32>
        %add3A_984 = arith.addf %add3A_948, %get3A_983 : vector<16xf32>
        %mul3A_985 = arith.constant 20 : i32
        %mul3A_986 = arith.muli %scan3A_109, %mul3A_985 : i32
        %add3A_987 = arith.constant 16 : i32
        %add3A_988 = arith.addi %mul3A_986, %add3A_987 : i32
        %get3A_989 = arith.index_cast %add3A_988 : i32 to index
        %get3A_990 = arith.constant 64 : index
        %get3A_991 = tpu.vector_load %arg10[%get3A_989, %get3A_990] {strides = array<i32>} : memref<320x128xf32, #tpu.memory_space<vmem>>, vector<1x16xf32>,
        %get3A_992 = vector.shape_cast %get3A_991 : vector<1x16xf32> to vector<16xf32>
        %add3A_993 = arith.addf %add3A_957, %get3A_992 : vector<16xf32>
        %mul3A_994 = arith.constant 20 : i32
        %mul3A_995 = arith.muli %scan3A_109, %mul3A_994 : i32
        %add3A_996 = arith.constant 17 : i32
        %add3A_997 = arith.addi %mul3A_995, %add3A_996 : i32
        %get3A_998 = arith.index_cast %add3A_997 : i32 to index
        %get3A_999 = arith.constant 64 : index
        %get3A_1000 = tpu.vector_load %arg10[%get3A_998, %get3A_999] {strides = array<i32>} : memref<320x128xf32, #tpu.memory_space<vmem>>, vector<1x16xf32>,
        %get3A_1001 = vector.shape_cast %get3A_1000 : vector<1x16xf32> to vector<16xf32>
        %add3A_1002 = arith.addf %add3A_966, %get3A_1001 : vector<16xf32>
        %mul3A_1003 = arith.constant 20 : i32
        %mul3A_1004 = arith.muli %scan3A_109, %mul3A_1003 : i32
        %add3A_1005 = arith.constant 18 : i32
        %add3A_1006 = arith.addi %mul3A_1004, %add3A_1005 : i32
        %get3A_1007 = arith.index_cast %add3A_1006 : i32 to index
        %get3A_1008 = arith.constant 64 : index
        %get3A_1009 = tpu.vector_load %arg10[%get3A_1007, %get3A_1008] {strides = array<i32>} : memref<320x128xf32, #tpu.memory_space<vmem>>, vector<1x16xf32>,
        %get3A_1010 = vector.shape_cast %get3A_1009 : vector<1x16xf32> to vector<16xf32>
        %add3A_1011 = arith.addf %add3A_975, %get3A_1010 : vector<16xf32>
        %mul3A_1012 = arith.constant 20 : i32
        %mul3A_1013 = arith.muli %scan3A_109, %mul3A_1012 : i32
        %add3A_1014 = arith.constant 19 : i32
        %add3A_1015 = arith.addi %mul3A_1013, %add3A_1014 : i32
        %get3A_1016 = arith.index_cast %add3A_1015 : i32 to index
        %get3A_1017 = arith.constant 64 : index
        %get3A_1018 = tpu.vector_load %arg10[%get3A_1016, %get3A_1017] {strides = array<i32>} : memref<320x128xf32, #tpu.memory_space<vmem>>, vector<1x16xf32>,
        %get3A_1019 = vector.shape_cast %get3A_1018 : vector<1x16xf32> to vector<16xf32>
        %add3A_1020 = arith.addf %add3A_984, %get3A_1019 : vector<16xf32>
        %add3A_1021 = arith.addf %add3A_993, %add3A_1002 : vector<16xf32>
        %add3A_1022 = arith.addf %add3A_1011, %add3A_1020 : vector<16xf32>
        %add3A_1023 = arith.addf %add3A_1021, %add3A_1022 : vector<16xf32>
        %swap3A_1024 = arith.index_cast %scan3A_109 : i32 to index
        %swap3A_1025 = arith.constant 64 : index
        %swap3A_1026 = tpu.vector_load %arg12[%swap3A_1024, %swap3A_1025] {strides = array<i32>} : memref<16x128xf32, #tpu.memory_space<vmem>>, vector<1x16xf32>,
        %swap3A_1027 = vector.shape_cast %swap3A_1026 : vector<1x16xf32> to vector<16xf32>
        %swap3A_1028 = vector.shape_cast %add3A_1023 : vector<16xf32> to vector<1x16xf32>
        tpu.vector_store %arg12[%swap3A_1024, %swap3A_1025], %swap3A_1028 {strides = array<i32>} : memref<16x128xf32, #tpu.memory_space<vmem>>, vector<1x16xf32>,
        %mul3A_1029 = arith.constant 20 : i32
        %mul3A_1030 = arith.muli %scan3A_109, %mul3A_1029 : i32
        %add3A_1031 = arith.constant 0 : i32
        %add3A_1032 = arith.addi %mul3A_1030, %add3A_1031 : i32
        %get3A_1033 = arith.index_cast %add3A_1032 : i32 to index
        %get3A_1034 = arith.constant 80 : index
        %get3A_1035 = tpu.vector_load %arg10[%get3A_1033, %get3A_1034] {strides = array<i32>} : memref<320x128xf32, #tpu.memory_space<vmem>>, vector<1x16xf32>,
        %get3A_1036 = vector.shape_cast %get3A_1035 : vector<1x16xf32> to vector<16xf32>
        %mul3A_1037 = arith.constant 20 : i32
        %mul3A_1038 = arith.muli %scan3A_109, %mul3A_1037 : i32
        %add3A_1039 = arith.constant 1 : i32
        %add3A_1040 = arith.addi %mul3A_1038, %add3A_1039 : i32
        %get3A_1041 = arith.index_cast %add3A_1040 : i32 to index
        %get3A_1042 = arith.constant 80 : index
        %get3A_1043 = tpu.vector_load %arg10[%get3A_1041, %get3A_1042] {strides = array<i32>} : memref<320x128xf32, #tpu.memory_space<vmem>>, vector<1x16xf32>,
        %get3A_1044 = vector.shape_cast %get3A_1043 : vector<1x16xf32> to vector<16xf32>
        %mul3A_1045 = arith.constant 20 : i32
        %mul3A_1046 = arith.muli %scan3A_109, %mul3A_1045 : i32
        %add3A_1047 = arith.constant 2 : i32
        %add3A_1048 = arith.addi %mul3A_1046, %add3A_1047 : i32
        %get3A_1049 = arith.index_cast %add3A_1048 : i32 to index
        %get3A_1050 = arith.constant 80 : index
        %get3A_1051 = tpu.vector_load %arg10[%get3A_1049, %get3A_1050] {strides = array<i32>} : memref<320x128xf32, #tpu.memory_space<vmem>>, vector<1x16xf32>,
        %get3A_1052 = vector.shape_cast %get3A_1051 : vector<1x16xf32> to vector<16xf32>
        %mul3A_1053 = arith.constant 20 : i32
        %mul3A_1054 = arith.muli %scan3A_109, %mul3A_1053 : i32
        %add3A_1055 = arith.constant 3 : i32
        %add3A_1056 = arith.addi %mul3A_1054, %add3A_1055 : i32
        %get3A_1057 = arith.index_cast %add3A_1056 : i32 to index
        %get3A_1058 = arith.constant 80 : index
        %get3A_1059 = tpu.vector_load %arg10[%get3A_1057, %get3A_1058] {strides = array<i32>} : memref<320x128xf32, #tpu.memory_space<vmem>>, vector<1x16xf32>,
        %get3A_1060 = vector.shape_cast %get3A_1059 : vector<1x16xf32> to vector<16xf32>
        %mul3A_1061 = arith.constant 20 : i32
        %mul3A_1062 = arith.muli %scan3A_109, %mul3A_1061 : i32
        %add3A_1063 = arith.constant 4 : i32
        %add3A_1064 = arith.addi %mul3A_1062, %add3A_1063 : i32
        %get3A_1065 = arith.index_cast %add3A_1064 : i32 to index
        %get3A_1066 = arith.constant 80 : index
        %get3A_1067 = tpu.vector_load %arg10[%get3A_1065, %get3A_1066] {strides = array<i32>} : memref<320x128xf32, #tpu.memory_space<vmem>>, vector<1x16xf32>,
        %get3A_1068 = vector.shape_cast %get3A_1067 : vector<1x16xf32> to vector<16xf32>
        %add3A_1069 = arith.addf %get3A_1036, %get3A_1068 : vector<16xf32>
        %mul3A_1070 = arith.constant 20 : i32
        %mul3A_1071 = arith.muli %scan3A_109, %mul3A_1070 : i32
        %add3A_1072 = arith.constant 5 : i32
        %add3A_1073 = arith.addi %mul3A_1071, %add3A_1072 : i32
        %get3A_1074 = arith.index_cast %add3A_1073 : i32 to index
        %get3A_1075 = arith.constant 80 : index
        %get3A_1076 = tpu.vector_load %arg10[%get3A_1074, %get3A_1075] {strides = array<i32>} : memref<320x128xf32, #tpu.memory_space<vmem>>, vector<1x16xf32>,
        %get3A_1077 = vector.shape_cast %get3A_1076 : vector<1x16xf32> to vector<16xf32>
        %add3A_1078 = arith.addf %get3A_1044, %get3A_1077 : vector<16xf32>
        %mul3A_1079 = arith.constant 20 : i32
        %mul3A_1080 = arith.muli %scan3A_109, %mul3A_1079 : i32
        %add3A_1081 = arith.constant 6 : i32
        %add3A_1082 = arith.addi %mul3A_1080, %add3A_1081 : i32
        %get3A_1083 = arith.index_cast %add3A_1082 : i32 to index
        %get3A_1084 = arith.constant 80 : index
        %get3A_1085 = tpu.vector_load %arg10[%get3A_1083, %get3A_1084] {strides = array<i32>} : memref<320x128xf32, #tpu.memory_space<vmem>>, vector<1x16xf32>,
        %get3A_1086 = vector.shape_cast %get3A_1085 : vector<1x16xf32> to vector<16xf32>
        %add3A_1087 = arith.addf %get3A_1052, %get3A_1086 : vector<16xf32>
        %mul3A_1088 = arith.constant 20 : i32
        %mul3A_1089 = arith.muli %scan3A_109, %mul3A_1088 : i32
        %add3A_1090 = arith.constant 7 : i32
        %add3A_1091 = arith.addi %mul3A_1089, %add3A_1090 : i32
        %get3A_1092 = arith.index_cast %add3A_1091 : i32 to index
        %get3A_1093 = arith.constant 80 : index
        %get3A_1094 = tpu.vector_load %arg10[%get3A_1092, %get3A_1093] {strides = array<i32>} : memref<320x128xf32, #tpu.memory_space<vmem>>, vector<1x16xf32>,
        %get3A_1095 = vector.shape_cast %get3A_1094 : vector<1x16xf32> to vector<16xf32>
        %add3A_1096 = arith.addf %get3A_1060, %get3A_1095 : vector<16xf32>
        %mul3A_1097 = arith.constant 20 : i32
        %mul3A_1098 = arith.muli %scan3A_109, %mul3A_1097 : i32
        %add3A_1099 = arith.constant 8 : i32
        %add3A_1100 = arith.addi %mul3A_1098, %add3A_1099 : i32
        %get3A_1101 = arith.index_cast %add3A_1100 : i32 to index
        %get3A_1102 = arith.constant 80 : index
        %get3A_1103 = tpu.vector_load %arg10[%get3A_1101, %get3A_1102] {strides = array<i32>} : memref<320x128xf32, #tpu.memory_space<vmem>>, vector<1x16xf32>,
        %get3A_1104 = vector.shape_cast %get3A_1103 : vector<1x16xf32> to vector<16xf32>
        %add3A_1105 = arith.addf %add3A_1069, %get3A_1104 : vector<16xf32>
        %mul3A_1106 = arith.constant 20 : i32
        %mul3A_1107 = arith.muli %scan3A_109, %mul3A_1106 : i32
        %add3A_1108 = arith.constant 9 : i32
        %add3A_1109 = arith.addi %mul3A_1107, %add3A_1108 : i32
        %get3A_1110 = arith.index_cast %add3A_1109 : i32 to index
        %get3A_1111 = arith.constant 80 : index
        %get3A_1112 = tpu.vector_load %arg10[%get3A_1110, %get3A_1111] {strides = array<i32>} : memref<320x128xf32, #tpu.memory_space<vmem>>, vector<1x16xf32>,
        %get3A_1113 = vector.shape_cast %get3A_1112 : vector<1x16xf32> to vector<16xf32>
        %add3A_1114 = arith.addf %add3A_1078, %get3A_1113 : vector<16xf32>
        %mul3A_1115 = arith.constant 20 : i32
        %mul3A_1116 = arith.muli %scan3A_109, %mul3A_1115 : i32
        %add3A_1117 = arith.constant 10 : i32
        %add3A_1118 = arith.addi %mul3A_1116, %add3A_1117 : i32
        %get3A_1119 = arith.index_cast %add3A_1118 : i32 to index
        %get3A_1120 = arith.constant 80 : index
        %get3A_1121 = tpu.vector_load %arg10[%get3A_1119, %get3A_1120] {strides = array<i32>} : memref<320x128xf32, #tpu.memory_space<vmem>>, vector<1x16xf32>,
        %get3A_1122 = vector.shape_cast %get3A_1121 : vector<1x16xf32> to vector<16xf32>
        %add3A_1123 = arith.addf %add3A_1087, %get3A_1122 : vector<16xf32>
        %mul3A_1124 = arith.constant 20 : i32
        %mul3A_1125 = arith.muli %scan3A_109, %mul3A_1124 : i32
        %add3A_1126 = arith.constant 11 : i32
        %add3A_1127 = arith.addi %mul3A_1125, %add3A_1126 : i32
        %get3A_1128 = arith.index_cast %add3A_1127 : i32 to index
        %get3A_1129 = arith.constant 80 : index
        %get3A_1130 = tpu.vector_load %arg10[%get3A_1128, %get3A_1129] {strides = array<i32>} : memref<320x128xf32, #tpu.memory_space<vmem>>, vector<1x16xf32>,
        %get3A_1131 = vector.shape_cast %get3A_1130 : vector<1x16xf32> to vector<16xf32>
        %add3A_1132 = arith.addf %add3A_1096, %get3A_1131 : vector<16xf32>
        %mul3A_1133 = arith.constant 20 : i32
        %mul3A_1134 = arith.muli %scan3A_109, %mul3A_1133 : i32
        %add3A_1135 = arith.constant 12 : i32
        %add3A_1136 = arith.addi %mul3A_1134, %add3A_1135 : i32
        %get3A_1137 = arith.index_cast %add3A_1136 : i32 to index
        %get3A_1138 = arith.constant 80 : index
        %get3A_1139 = tpu.vector_load %arg10[%get3A_1137, %get3A_1138] {strides = array<i32>} : memref<320x128xf32, #tpu.memory_space<vmem>>, vector<1x16xf32>,
        %get3A_1140 = vector.shape_cast %get3A_1139 : vector<1x16xf32> to vector<16xf32>
        %add3A_1141 = arith.addf %add3A_1105, %get3A_1140 : vector<16xf32>
        %mul3A_1142 = arith.constant 20 : i32
        %mul3A_1143 = arith.muli %scan3A_109, %mul3A_1142 : i32
        %add3A_1144 = arith.constant 13 : i32
        %add3A_1145 = arith.addi %mul3A_1143, %add3A_1144 : i32
        %get3A_1146 = arith.index_cast %add3A_1145 : i32 to index
        %get3A_1147 = arith.constant 80 : index
        %get3A_1148 = tpu.vector_load %arg10[%get3A_1146, %get3A_1147] {strides = array<i32>} : memref<320x128xf32, #tpu.memory_space<vmem>>, vector<1x16xf32>,
        %get3A_1149 = vector.shape_cast %get3A_1148 : vector<1x16xf32> to vector<16xf32>
        %add3A_1150 = arith.addf %add3A_1114, %get3A_1149 : vector<16xf32>
        %mul3A_1151 = arith.constant 20 : i32
        %mul3A_1152 = arith.muli %scan3A_109, %mul3A_1151 : i32
        %add3A_1153 = arith.constant 14 : i32
        %add3A_1154 = arith.addi %mul3A_1152, %add3A_1153 : i32
        %get3A_1155 = arith.index_cast %add3A_1154 : i32 to index
        %get3A_1156 = arith.constant 80 : index
        %get3A_1157 = tpu.vector_load %arg10[%get3A_1155, %get3A_1156] {strides = array<i32>} : memref<320x128xf32, #tpu.memory_space<vmem>>, vector<1x16xf32>,
        %get3A_1158 = vector.shape_cast %get3A_1157 : vector<1x16xf32> to vector<16xf32>
        %add3A_1159 = arith.addf %add3A_1123, %get3A_1158 : vector<16xf32>
        %mul3A_1160 = arith.constant 20 : i32
        %mul3A_1161 = arith.muli %scan3A_109, %mul3A_1160 : i32
        %add3A_1162 = arith.constant 15 : i32
        %add3A_1163 = arith.addi %mul3A_1161, %add3A_1162 : i32
        %get3A_1164 = arith.index_cast %add3A_1163 : i32 to index
        %get3A_1165 = arith.constant 80 : index
        %get3A_1166 = tpu.vector_load %arg10[%get3A_1164, %get3A_1165] {strides = array<i32>} : memref<320x128xf32, #tpu.memory_space<vmem>>, vector<1x16xf32>,
        %get3A_1167 = vector.shape_cast %get3A_1166 : vector<1x16xf32> to vector<16xf32>
        %add3A_1168 = arith.addf %add3A_1132, %get3A_1167 : vector<16xf32>
        %mul3A_1169 = arith.constant 20 : i32
        %mul3A_1170 = arith.muli %scan3A_109, %mul3A_1169 : i32
        %add3A_1171 = arith.constant 16 : i32
        %add3A_1172 = arith.addi %mul3A_1170, %add3A_1171 : i32
        %get3A_1173 = arith.index_cast %add3A_1172 : i32 to index
        %get3A_1174 = arith.constant 80 : index
        %get3A_1175 = tpu.vector_load %arg10[%get3A_1173, %get3A_1174] {strides = array<i32>} : memref<320x128xf32, #tpu.memory_space<vmem>>, vector<1x16xf32>,
        %get3A_1176 = vector.shape_cast %get3A_1175 : vector<1x16xf32> to vector<16xf32>
        %add3A_1177 = arith.addf %add3A_1141, %get3A_1176 : vector<16xf32>
        %mul3A_1178 = arith.constant 20 : i32
        %mul3A_1179 = arith.muli %scan3A_109, %mul3A_1178 : i32
        %add3A_1180 = arith.constant 17 : i32
        %add3A_1181 = arith.addi %mul3A_1179, %add3A_1180 : i32
        %get3A_1182 = arith.index_cast %add3A_1181 : i32 to index
        %get3A_1183 = arith.constant 80 : index
        %get3A_1184 = tpu.vector_load %arg10[%get3A_1182, %get3A_1183] {strides = array<i32>} : memref<320x128xf32, #tpu.memory_space<vmem>>, vector<1x16xf32>,
        %get3A_1185 = vector.shape_cast %get3A_1184 : vector<1x16xf32> to vector<16xf32>
        %add3A_1186 = arith.addf %add3A_1150, %get3A_1185 : vector<16xf32>
        %mul3A_1187 = arith.constant 20 : i32
        %mul3A_1188 = arith.muli %scan3A_109, %mul3A_1187 : i32
        %add3A_1189 = arith.constant 18 : i32
        %add3A_1190 = arith.addi %mul3A_1188, %add3A_1189 : i32
        %get3A_1191 = arith.index_cast %add3A_1190 : i32 to index
        %get3A_1192 = arith.constant 80 : index
        %get3A_1193 = tpu.vector_load %arg10[%get3A_1191, %get3A_1192] {strides = array<i32>} : memref<320x128xf32, #tpu.memory_space<vmem>>, vector<1x16xf32>,
        %get3A_1194 = vector.shape_cast %get3A_1193 : vector<1x16xf32> to vector<16xf32>
        %add3A_1195 = arith.addf %add3A_1159, %get3A_1194 : vector<16xf32>
        %mul3A_1196 = arith.constant 20 : i32
        %mul3A_1197 = arith.muli %scan3A_109, %mul3A_1196 : i32
        %add3A_1198 = arith.constant 19 : i32
        %add3A_1199 = arith.addi %mul3A_1197, %add3A_1198 : i32
        %get3A_1200 = arith.index_cast %add3A_1199 : i32 to index
        %get3A_1201 = arith.constant 80 : index
        %get3A_1202 = tpu.vector_load %arg10[%get3A_1200, %get3A_1201] {strides = array<i32>} : memref<320x128xf32, #tpu.memory_space<vmem>>, vector<1x16xf32>,
        %get3A_1203 = vector.shape_cast %get3A_1202 : vector<1x16xf32> to vector<16xf32>
        %add3A_1204 = arith.addf %add3A_1168, %get3A_1203 : vector<16xf32>
        %add3A_1205 = arith.addf %add3A_1177, %add3A_1186 : vector<16xf32>
        %add3A_1206 = arith.addf %add3A_1195, %add3A_1204 : vector<16xf32>
        %add3A_1207 = arith.addf %add3A_1205, %add3A_1206 : vector<16xf32>
        %swap3A_1208 = arith.index_cast %scan3A_109 : i32 to index
        %swap3A_1209 = arith.constant 80 : index
        %swap3A_1210 = tpu.vector_load %arg12[%swap3A_1208, %swap3A_1209] {strides = array<i32>} : memref<16x128xf32, #tpu.memory_space<vmem>>, vector<1x16xf32>,
        %swap3A_1211 = vector.shape_cast %swap3A_1210 : vector<1x16xf32> to vector<16xf32>
        %swap3A_1212 = vector.shape_cast %add3A_1207 : vector<16xf32> to vector<1x16xf32>
        tpu.vector_store %arg12[%swap3A_1208, %swap3A_1209], %swap3A_1212 {strides = array<i32>} : memref<16x128xf32, #tpu.memory_space<vmem>>, vector<1x16xf32>,
        %mul3A_1213 = arith.constant 20 : i32
        %mul3A_1214 = arith.muli %scan3A_109, %mul3A_1213 : i32
        %add3A_1215 = arith.constant 0 : i32
        %add3A_1216 = arith.addi %mul3A_1214, %add3A_1215 : i32
        %get3A_1217 = arith.index_cast %add3A_1216 : i32 to index
        %get3A_1218 = arith.constant 96 : index
        %get3A_1219 = tpu.vector_load %arg10[%get3A_1217, %get3A_1218] {strides = array<i32>} : memref<320x128xf32, #tpu.memory_space<vmem>>, vector<1x16xf32>,
        %get3A_1220 = vector.shape_cast %get3A_1219 : vector<1x16xf32> to vector<16xf32>
        %mul3A_1221 = arith.constant 20 : i32
        %mul3A_1222 = arith.muli %scan3A_109, %mul3A_1221 : i32
        %add3A_1223 = arith.constant 1 : i32
        %add3A_1224 = arith.addi %mul3A_1222, %add3A_1223 : i32
        %get3A_1225 = arith.index_cast %add3A_1224 : i32 to index
        %get3A_1226 = arith.constant 96 : index
        %get3A_1227 = tpu.vector_load %arg10[%get3A_1225, %get3A_1226] {strides = array<i32>} : memref<320x128xf32, #tpu.memory_space<vmem>>, vector<1x16xf32>,
        %get3A_1228 = vector.shape_cast %get3A_1227 : vector<1x16xf32> to vector<16xf32>
        %mul3A_1229 = arith.constant 20 : i32
        %mul3A_1230 = arith.muli %scan3A_109, %mul3A_1229 : i32
        %add3A_1231 = arith.constant 2 : i32
        %add3A_1232 = arith.addi %mul3A_1230, %add3A_1231 : i32
        %get3A_1233 = arith.index_cast %add3A_1232 : i32 to index
        %get3A_1234 = arith.constant 96 : index
        %get3A_1235 = tpu.vector_load %arg10[%get3A_1233, %get3A_1234] {strides = array<i32>} : memref<320x128xf32, #tpu.memory_space<vmem>>, vector<1x16xf32>,
        %get3A_1236 = vector.shape_cast %get3A_1235 : vector<1x16xf32> to vector<16xf32>
        %mul3A_1237 = arith.constant 20 : i32
        %mul3A_1238 = arith.muli %scan3A_109, %mul3A_1237 : i32
        %add3A_1239 = arith.constant 3 : i32
        %add3A_1240 = arith.addi %mul3A_1238, %add3A_1239 : i32
        %get3A_1241 = arith.index_cast %add3A_1240 : i32 to index
        %get3A_1242 = arith.constant 96 : index
        %get3A_1243 = tpu.vector_load %arg10[%get3A_1241, %get3A_1242] {strides = array<i32>} : memref<320x128xf32, #tpu.memory_space<vmem>>, vector<1x16xf32>,
        %get3A_1244 = vector.shape_cast %get3A_1243 : vector<1x16xf32> to vector<16xf32>
        %mul3A_1245 = arith.constant 20 : i32
        %mul3A_1246 = arith.muli %scan3A_109, %mul3A_1245 : i32
        %add3A_1247 = arith.constant 4 : i32
        %add3A_1248 = arith.addi %mul3A_1246, %add3A_1247 : i32
        %get3A_1249 = arith.index_cast %add3A_1248 : i32 to index
        %get3A_1250 = arith.constant 96 : index
        %get3A_1251 = tpu.vector_load %arg10[%get3A_1249, %get3A_1250] {strides = array<i32>} : memref<320x128xf32, #tpu.memory_space<vmem>>, vector<1x16xf32>,
        %get3A_1252 = vector.shape_cast %get3A_1251 : vector<1x16xf32> to vector<16xf32>
        %add3A_1253 = arith.addf %get3A_1220, %get3A_1252 : vector<16xf32>
        %mul3A_1254 = arith.constant 20 : i32
        %mul3A_1255 = arith.muli %scan3A_109, %mul3A_1254 : i32
        %add3A_1256 = arith.constant 5 : i32
        %add3A_1257 = arith.addi %mul3A_1255, %add3A_1256 : i32
        %get3A_1258 = arith.index_cast %add3A_1257 : i32 to index
        %get3A_1259 = arith.constant 96 : index
        %get3A_1260 = tpu.vector_load %arg10[%get3A_1258, %get3A_1259] {strides = array<i32>} : memref<320x128xf32, #tpu.memory_space<vmem>>, vector<1x16xf32>,
        %get3A_1261 = vector.shape_cast %get3A_1260 : vector<1x16xf32> to vector<16xf32>
        %add3A_1262 = arith.addf %get3A_1228, %get3A_1261 : vector<16xf32>
        %mul3A_1263 = arith.constant 20 : i32
        %mul3A_1264 = arith.muli %scan3A_109, %mul3A_1263 : i32
        %add3A_1265 = arith.constant 6 : i32
        %add3A_1266 = arith.addi %mul3A_1264, %add3A_1265 : i32
        %get3A_1267 = arith.index_cast %add3A_1266 : i32 to index
        %get3A_1268 = arith.constant 96 : index
        %get3A_1269 = tpu.vector_load %arg10[%get3A_1267, %get3A_1268] {strides = array<i32>} : memref<320x128xf32, #tpu.memory_space<vmem>>, vector<1x16xf32>,
        %get3A_1270 = vector.shape_cast %get3A_1269 : vector<1x16xf32> to vector<16xf32>
        %add3A_1271 = arith.addf %get3A_1236, %get3A_1270 : vector<16xf32>
        %mul3A_1272 = arith.constant 20 : i32
        %mul3A_1273 = arith.muli %scan3A_109, %mul3A_1272 : i32
        %add3A_1274 = arith.constant 7 : i32
        %add3A_1275 = arith.addi %mul3A_1273, %add3A_1274 : i32
        %get3A_1276 = arith.index_cast %add3A_1275 : i32 to index
        %get3A_1277 = arith.constant 96 : index
        %get3A_1278 = tpu.vector_load %arg10[%get3A_1276, %get3A_1277] {strides = array<i32>} : memref<320x128xf32, #tpu.memory_space<vmem>>, vector<1x16xf32>,
        %get3A_1279 = vector.shape_cast %get3A_1278 : vector<1x16xf32> to vector<16xf32>
        %add3A_1280 = arith.addf %get3A_1244, %get3A_1279 : vector<16xf32>
        %mul3A_1281 = arith.constant 20 : i32
        %mul3A_1282 = arith.muli %scan3A_109, %mul3A_1281 : i32
        %add3A_1283 = arith.constant 8 : i32
        %add3A_1284 = arith.addi %mul3A_1282, %add3A_1283 : i32
        %get3A_1285 = arith.index_cast %add3A_1284 : i32 to index
        %get3A_1286 = arith.constant 96 : index
        %get3A_1287 = tpu.vector_load %arg10[%get3A_1285, %get3A_1286] {strides = array<i32>} : memref<320x128xf32, #tpu.memory_space<vmem>>, vector<1x16xf32>,
        %get3A_1288 = vector.shape_cast %get3A_1287 : vector<1x16xf32> to vector<16xf32>
        %add3A_1289 = arith.addf %add3A_1253, %get3A_1288 : vector<16xf32>
        %mul3A_1290 = arith.constant 20 : i32
        %mul3A_1291 = arith.muli %scan3A_109, %mul3A_1290 : i32
        %add3A_1292 = arith.constant 9 : i32
        %add3A_1293 = arith.addi %mul3A_1291, %add3A_1292 : i32
        %get3A_1294 = arith.index_cast %add3A_1293 : i32 to index
        %get3A_1295 = arith.constant 96 : index
        %get3A_1296 = tpu.vector_load %arg10[%get3A_1294, %get3A_1295] {strides = array<i32>} : memref<320x128xf32, #tpu.memory_space<vmem>>, vector<1x16xf32>,
        %get3A_1297 = vector.shape_cast %get3A_1296 : vector<1x16xf32> to vector<16xf32>
        %add3A_1298 = arith.addf %add3A_1262, %get3A_1297 : vector<16xf32>
        %mul3A_1299 = arith.constant 20 : i32
        %mul3A_1300 = arith.muli %scan3A_109, %mul3A_1299 : i32
        %add3A_1301 = arith.constant 10 : i32
        %add3A_1302 = arith.addi %mul3A_1300, %add3A_1301 : i32
        %get3A_1303 = arith.index_cast %add3A_1302 : i32 to index
        %get3A_1304 = arith.constant 96 : index
        %get3A_1305 = tpu.vector_load %arg10[%get3A_1303, %get3A_1304] {strides = array<i32>} : memref<320x128xf32, #tpu.memory_space<vmem>>, vector<1x16xf32>,
        %get3A_1306 = vector.shape_cast %get3A_1305 : vector<1x16xf32> to vector<16xf32>
        %add3A_1307 = arith.addf %add3A_1271, %get3A_1306 : vector<16xf32>
        %mul3A_1308 = arith.constant 20 : i32
        %mul3A_1309 = arith.muli %scan3A_109, %mul3A_1308 : i32
        %add3A_1310 = arith.constant 11 : i32
        %add3A_1311 = arith.addi %mul3A_1309, %add3A_1310 : i32
        %get3A_1312 = arith.index_cast %add3A_1311 : i32 to index
        %get3A_1313 = arith.constant 96 : index
        %get3A_1314 = tpu.vector_load %arg10[%get3A_1312, %get3A_1313] {strides = array<i32>} : memref<320x128xf32, #tpu.memory_space<vmem>>, vector<1x16xf32>,
        %get3A_1315 = vector.shape_cast %get3A_1314 : vector<1x16xf32> to vector<16xf32>
        %add3A_1316 = arith.addf %add3A_1280, %get3A_1315 : vector<16xf32>
        %mul3A_1317 = arith.constant 20 : i32
        %mul3A_1318 = arith.muli %scan3A_109, %mul3A_1317 : i32
        %add3A_1319 = arith.constant 12 : i32
        %add3A_1320 = arith.addi %mul3A_1318, %add3A_1319 : i32
        %get3A_1321 = arith.index_cast %add3A_1320 : i32 to index
        %get3A_1322 = arith.constant 96 : index
        %get3A_1323 = tpu.vector_load %arg10[%get3A_1321, %get3A_1322] {strides = array<i32>} : memref<320x128xf32, #tpu.memory_space<vmem>>, vector<1x16xf32>,
        %get3A_1324 = vector.shape_cast %get3A_1323 : vector<1x16xf32> to vector<16xf32>
        %add3A_1325 = arith.addf %add3A_1289, %get3A_1324 : vector<16xf32>
        %mul3A_1326 = arith.constant 20 : i32
        %mul3A_1327 = arith.muli %scan3A_109, %mul3A_1326 : i32
        %add3A_1328 = arith.constant 13 : i32
        %add3A_1329 = arith.addi %mul3A_1327, %add3A_1328 : i32
        %get3A_1330 = arith.index_cast %add3A_1329 : i32 to index
        %get3A_1331 = arith.constant 96 : index
        %get3A_1332 = tpu.vector_load %arg10[%get3A_1330, %get3A_1331] {strides = array<i32>} : memref<320x128xf32, #tpu.memory_space<vmem>>, vector<1x16xf32>,
        %get3A_1333 = vector.shape_cast %get3A_1332 : vector<1x16xf32> to vector<16xf32>
        %add3A_1334 = arith.addf %add3A_1298, %get3A_1333 : vector<16xf32>
        %mul3A_1335 = arith.constant 20 : i32
        %mul3A_1336 = arith.muli %scan3A_109, %mul3A_1335 : i32
        %add3A_1337 = arith.constant 14 : i32
        %add3A_1338 = arith.addi %mul3A_1336, %add3A_1337 : i32
        %get3A_1339 = arith.index_cast %add3A_1338 : i32 to index
        %get3A_1340 = arith.constant 96 : index
        %get3A_1341 = tpu.vector_load %arg10[%get3A_1339, %get3A_1340] {strides = array<i32>} : memref<320x128xf32, #tpu.memory_space<vmem>>, vector<1x16xf32>,
        %get3A_1342 = vector.shape_cast %get3A_1341 : vector<1x16xf32> to vector<16xf32>
        %add3A_1343 = arith.addf %add3A_1307, %get3A_1342 : vector<16xf32>
        %mul3A_1344 = arith.constant 20 : i32
        %mul3A_1345 = arith.muli %scan3A_109, %mul3A_1344 : i32
        %add3A_1346 = arith.constant 15 : i32
        %add3A_1347 = arith.addi %mul3A_1345, %add3A_1346 : i32
        %get3A_1348 = arith.index_cast %add3A_1347 : i32 to index
        %get3A_1349 = arith.constant 96 : index
        %get3A_1350 = tpu.vector_load %arg10[%get3A_1348, %get3A_1349] {strides = array<i32>} : memref<320x128xf32, #tpu.memory_space<vmem>>, vector<1x16xf32>,
        %get3A_1351 = vector.shape_cast %get3A_1350 : vector<1x16xf32> to vector<16xf32>
        %add3A_1352 = arith.addf %add3A_1316, %get3A_1351 : vector<16xf32>
        %mul3A_1353 = arith.constant 20 : i32
        %mul3A_1354 = arith.muli %scan3A_109, %mul3A_1353 : i32
        %add3A_1355 = arith.constant 16 : i32
        %add3A_1356 = arith.addi %mul3A_1354, %add3A_1355 : i32
        %get3A_1357 = arith.index_cast %add3A_1356 : i32 to index
        %get3A_1358 = arith.constant 96 : index
        %get3A_1359 = tpu.vector_load %arg10[%get3A_1357, %get3A_1358] {strides = array<i32>} : memref<320x128xf32, #tpu.memory_space<vmem>>, vector<1x16xf32>,
        %get3A_1360 = vector.shape_cast %get3A_1359 : vector<1x16xf32> to vector<16xf32>
        %add3A_1361 = arith.addf %add3A_1325, %get3A_1360 : vector<16xf32>
        %mul3A_1362 = arith.constant 20 : i32
        %mul3A_1363 = arith.muli %scan3A_109, %mul3A_1362 : i32
        %add3A_1364 = arith.constant 17 : i32
        %add3A_1365 = arith.addi %mul3A_1363, %add3A_1364 : i32
        %get3A_1366 = arith.index_cast %add3A_1365 : i32 to index
        %get3A_1367 = arith.constant 96 : index
        %get3A_1368 = tpu.vector_load %arg10[%get3A_1366, %get3A_1367] {strides = array<i32>} : memref<320x128xf32, #tpu.memory_space<vmem>>, vector<1x16xf32>,
        %get3A_1369 = vector.shape_cast %get3A_1368 : vector<1x16xf32> to vector<16xf32>
        %add3A_1370 = arith.addf %add3A_1334, %get3A_1369 : vector<16xf32>
        %mul3A_1371 = arith.constant 20 : i32
        %mul3A_1372 = arith.muli %scan3A_109, %mul3A_1371 : i32
        %add3A_1373 = arith.constant 18 : i32
        %add3A_1374 = arith.addi %mul3A_1372, %add3A_1373 : i32
        %get3A_1375 = arith.index_cast %add3A_1374 : i32 to index
        %get3A_1376 = arith.constant 96 : index
        %get3A_1377 = tpu.vector_load %arg10[%get3A_1375, %get3A_1376] {strides = array<i32>} : memref<320x128xf32, #tpu.memory_space<vmem>>, vector<1x16xf32>,
        %get3A_1378 = vector.shape_cast %get3A_1377 : vector<1x16xf32> to vector<16xf32>
        %add3A_1379 = arith.addf %add3A_1343, %get3A_1378 : vector<16xf32>
        %mul3A_1380 = arith.constant 20 : i32
        %mul3A_1381 = arith.muli %scan3A_109, %mul3A_1380 : i32
        %add3A_1382 = arith.constant 19 : i32
        %add3A_1383 = arith.addi %mul3A_1381, %add3A_1382 : i32
        %get3A_1384 = arith.index_cast %add3A_1383 : i32 to index
        %get3A_1385 = arith.constant 96 : index
        %get3A_1386 = tpu.vector_load %arg10[%get3A_1384, %get3A_1385] {strides = array<i32>} : memref<320x128xf32, #tpu.memory_space<vmem>>, vector<1x16xf32>,
        %get3A_1387 = vector.shape_cast %get3A_1386 : vector<1x16xf32> to vector<16xf32>
        %add3A_1388 = arith.addf %add3A_1352, %get3A_1387 : vector<16xf32>
        %add3A_1389 = arith.addf %add3A_1361, %add3A_1370 : vector<16xf32>
        %add3A_1390 = arith.addf %add3A_1379, %add3A_1388 : vector<16xf32>
        %add3A_1391 = arith.addf %add3A_1389, %add3A_1390 : vector<16xf32>
        %swap3A_1392 = arith.index_cast %scan3A_109 : i32 to index
        %swap3A_1393 = arith.constant 96 : index
        %swap3A_1394 = tpu.vector_load %arg12[%swap3A_1392, %swap3A_1393] {strides = array<i32>} : memref<16x128xf32, #tpu.memory_space<vmem>>, vector<1x16xf32>,
        %swap3A_1395 = vector.shape_cast %swap3A_1394 : vector<1x16xf32> to vector<16xf32>
        %swap3A_1396 = vector.shape_cast %add3A_1391 : vector<16xf32> to vector<1x16xf32>
        tpu.vector_store %arg12[%swap3A_1392, %swap3A_1393], %swap3A_1396 {strides = array<i32>} : memref<16x128xf32, #tpu.memory_space<vmem>>, vector<1x16xf32>,
        %mul3A_1397 = arith.constant 20 : i32
        %mul3A_1398 = arith.muli %scan3A_109, %mul3A_1397 : i32
        %add3A_1399 = arith.constant 0 : i32
        %add3A_1400 = arith.addi %mul3A_1398, %add3A_1399 : i32
        %get3A_1401 = arith.index_cast %add3A_1400 : i32 to index
        %get3A_1402 = arith.constant 112 : index
        %get3A_1403 = tpu.vector_load %arg10[%get3A_1401, %get3A_1402] {strides = array<i32>} : memref<320x128xf32, #tpu.memory_space<vmem>>, vector<1x16xf32>,
        %get3A_1404 = vector.shape_cast %get3A_1403 : vector<1x16xf32> to vector<16xf32>
        %mul3A_1405 = arith.constant 20 : i32
        %mul3A_1406 = arith.muli %scan3A_109, %mul3A_1405 : i32
        %add3A_1407 = arith.constant 1 : i32
        %add3A_1408 = arith.addi %mul3A_1406, %add3A_1407 : i32
        %get3A_1409 = arith.index_cast %add3A_1408 : i32 to index
        %get3A_1410 = arith.constant 112 : index
        %get3A_1411 = tpu.vector_load %arg10[%get3A_1409, %get3A_1410] {strides = array<i32>} : memref<320x128xf32, #tpu.memory_space<vmem>>, vector<1x16xf32>,
        %get3A_1412 = vector.shape_cast %get3A_1411 : vector<1x16xf32> to vector<16xf32>
        %mul3A_1413 = arith.constant 20 : i32
        %mul3A_1414 = arith.muli %scan3A_109, %mul3A_1413 : i32
        %add3A_1415 = arith.constant 2 : i32
        %add3A_1416 = arith.addi %mul3A_1414, %add3A_1415 : i32
        %get3A_1417 = arith.index_cast %add3A_1416 : i32 to index
        %get3A_1418 = arith.constant 112 : index
        %get3A_1419 = tpu.vector_load %arg10[%get3A_1417, %get3A_1418] {strides = array<i32>} : memref<320x128xf32, #tpu.memory_space<vmem>>, vector<1x16xf32>,
        %get3A_1420 = vector.shape_cast %get3A_1419 : vector<1x16xf32> to vector<16xf32>
        %mul3A_1421 = arith.constant 20 : i32
        %mul3A_1422 = arith.muli %scan3A_109, %mul3A_1421 : i32
        %add3A_1423 = arith.constant 3 : i32
        %add3A_1424 = arith.addi %mul3A_1422, %add3A_1423 : i32
        %get3A_1425 = arith.index_cast %add3A_1424 : i32 to index
        %get3A_1426 = arith.constant 112 : index
        %get3A_1427 = tpu.vector_load %arg10[%get3A_1425, %get3A_1426] {strides = array<i32>} : memref<320x128xf32, #tpu.memory_space<vmem>>, vector<1x16xf32>,
        %get3A_1428 = vector.shape_cast %get3A_1427 : vector<1x16xf32> to vector<16xf32>
        %mul3A_1429 = arith.constant 20 : i32
        %mul3A_1430 = arith.muli %scan3A_109, %mul3A_1429 : i32
        %add3A_1431 = arith.constant 4 : i32
        %add3A_1432 = arith.addi %mul3A_1430, %add3A_1431 : i32
        %get3A_1433 = arith.index_cast %add3A_1432 : i32 to index
        %get3A_1434 = arith.constant 112 : index
        %get3A_1435 = tpu.vector_load %arg10[%get3A_1433, %get3A_1434] {strides = array<i32>} : memref<320x128xf32, #tpu.memory_space<vmem>>, vector<1x16xf32>,
        %get3A_1436 = vector.shape_cast %get3A_1435 : vector<1x16xf32> to vector<16xf32>
        %add3A_1437 = arith.addf %get3A_1404, %get3A_1436 : vector<16xf32>
        %mul3A_1438 = arith.constant 20 : i32
        %mul3A_1439 = arith.muli %scan3A_109, %mul3A_1438 : i32
        %add3A_1440 = arith.constant 5 : i32
        %add3A_1441 = arith.addi %mul3A_1439, %add3A_1440 : i32
        %get3A_1442 = arith.index_cast %add3A_1441 : i32 to index
        %get3A_1443 = arith.constant 112 : index
        %get3A_1444 = tpu.vector_load %arg10[%get3A_1442, %get3A_1443] {strides = array<i32>} : memref<320x128xf32, #tpu.memory_space<vmem>>, vector<1x16xf32>,
        %get3A_1445 = vector.shape_cast %get3A_1444 : vector<1x16xf32> to vector<16xf32>
        %add3A_1446 = arith.addf %get3A_1412, %get3A_1445 : vector<16xf32>
        %mul3A_1447 = arith.constant 20 : i32
        %mul3A_1448 = arith.muli %scan3A_109, %mul3A_1447 : i32
        %add3A_1449 = arith.constant 6 : i32
        %add3A_1450 = arith.addi %mul3A_1448, %add3A_1449 : i32
        %get3A_1451 = arith.index_cast %add3A_1450 : i32 to index
        %get3A_1452 = arith.constant 112 : index
        %get3A_1453 = tpu.vector_load %arg10[%get3A_1451, %get3A_1452] {strides = array<i32>} : memref<320x128xf32, #tpu.memory_space<vmem>>, vector<1x16xf32>,
        %get3A_1454 = vector.shape_cast %get3A_1453 : vector<1x16xf32> to vector<16xf32>
        %add3A_1455 = arith.addf %get3A_1420, %get3A_1454 : vector<16xf32>
        %mul3A_1456 = arith.constant 20 : i32
        %mul3A_1457 = arith.muli %scan3A_109, %mul3A_1456 : i32
        %add3A_1458 = arith.constant 7 : i32
        %add3A_1459 = arith.addi %mul3A_1457, %add3A_1458 : i32
        %get3A_1460 = arith.index_cast %add3A_1459 : i32 to index
        %get3A_1461 = arith.constant 112 : index
        %get3A_1462 = tpu.vector_load %arg10[%get3A_1460, %get3A_1461] {strides = array<i32>} : memref<320x128xf32, #tpu.memory_space<vmem>>, vector<1x16xf32>,
        %get3A_1463 = vector.shape_cast %get3A_1462 : vector<1x16xf32> to vector<16xf32>
        %add3A_1464 = arith.addf %get3A_1428, %get3A_1463 : vector<16xf32>
        %mul3A_1465 = arith.constant 20 : i32
        %mul3A_1466 = arith.muli %scan3A_109, %mul3A_1465 : i32
        %add3A_1467 = arith.constant 8 : i32
        %add3A_1468 = arith.addi %mul3A_1466, %add3A_1467 : i32
        %get3A_1469 = arith.index_cast %add3A_1468 : i32 to index
        %get3A_1470 = arith.constant 112 : index
        %get3A_1471 = tpu.vector_load %arg10[%get3A_1469, %get3A_1470] {strides = array<i32>} : memref<320x128xf32, #tpu.memory_space<vmem>>, vector<1x16xf32>,
        %get3A_1472 = vector.shape_cast %get3A_1471 : vector<1x16xf32> to vector<16xf32>
        %add3A_1473 = arith.addf %add3A_1437, %get3A_1472 : vector<16xf32>
        %mul3A_1474 = arith.constant 20 : i32
        %mul3A_1475 = arith.muli %scan3A_109, %mul3A_1474 : i32
        %add3A_1476 = arith.constant 9 : i32
        %add3A_1477 = arith.addi %mul3A_1475, %add3A_1476 : i32
        %get3A_1478 = arith.index_cast %add3A_1477 : i32 to index
        %get3A_1479 = arith.constant 112 : index
        %get3A_1480 = tpu.vector_load %arg10[%get3A_1478, %get3A_1479] {strides = array<i32>} : memref<320x128xf32, #tpu.memory_space<vmem>>, vector<1x16xf32>,
        %get3A_1481 = vector.shape_cast %get3A_1480 : vector<1x16xf32> to vector<16xf32>
        %add3A_1482 = arith.addf %add3A_1446, %get3A_1481 : vector<16xf32>
        %mul3A_1483 = arith.constant 20 : i32
        %mul3A_1484 = arith.muli %scan3A_109, %mul3A_1483 : i32
        %add3A_1485 = arith.constant 10 : i32
        %add3A_1486 = arith.addi %mul3A_1484, %add3A_1485 : i32
        %get3A_1487 = arith.index_cast %add3A_1486 : i32 to index
        %get3A_1488 = arith.constant 112 : index
        %get3A_1489 = tpu.vector_load %arg10[%get3A_1487, %get3A_1488] {strides = array<i32>} : memref<320x128xf32, #tpu.memory_space<vmem>>, vector<1x16xf32>,
        %get3A_1490 = vector.shape_cast %get3A_1489 : vector<1x16xf32> to vector<16xf32>
        %add3A_1491 = arith.addf %add3A_1455, %get3A_1490 : vector<16xf32>
        %mul3A_1492 = arith.constant 20 : i32
        %mul3A_1493 = arith.muli %scan3A_109, %mul3A_1492 : i32
        %add3A_1494 = arith.constant 11 : i32
        %add3A_1495 = arith.addi %mul3A_1493, %add3A_1494 : i32
        %get3A_1496 = arith.index_cast %add3A_1495 : i32 to index
        %get3A_1497 = arith.constant 112 : index
        %get3A_1498 = tpu.vector_load %arg10[%get3A_1496, %get3A_1497] {strides = array<i32>} : memref<320x128xf32, #tpu.memory_space<vmem>>, vector<1x16xf32>,
        %get3A_1499 = vector.shape_cast %get3A_1498 : vector<1x16xf32> to vector<16xf32>
        %add3A_1500 = arith.addf %add3A_1464, %get3A_1499 : vector<16xf32>
        %mul3A_1501 = arith.constant 20 : i32
        %mul3A_1502 = arith.muli %scan3A_109, %mul3A_1501 : i32
        %add3A_1503 = arith.constant 12 : i32
        %add3A_1504 = arith.addi %mul3A_1502, %add3A_1503 : i32
        %get3A_1505 = arith.index_cast %add3A_1504 : i32 to index
        %get3A_1506 = arith.constant 112 : index
        %get3A_1507 = tpu.vector_load %arg10[%get3A_1505, %get3A_1506] {strides = array<i32>} : memref<320x128xf32, #tpu.memory_space<vmem>>, vector<1x16xf32>,
        %get3A_1508 = vector.shape_cast %get3A_1507 : vector<1x16xf32> to vector<16xf32>
        %add3A_1509 = arith.addf %add3A_1473, %get3A_1508 : vector<16xf32>
        %mul3A_1510 = arith.constant 20 : i32
        %mul3A_1511 = arith.muli %scan3A_109, %mul3A_1510 : i32
        %add3A_1512 = arith.constant 13 : i32
        %add3A_1513 = arith.addi %mul3A_1511, %add3A_1512 : i32
        %get3A_1514 = arith.index_cast %add3A_1513 : i32 to index
        %get3A_1515 = arith.constant 112 : index
        %get3A_1516 = tpu.vector_load %arg10[%get3A_1514, %get3A_1515] {strides = array<i32>} : memref<320x128xf32, #tpu.memory_space<vmem>>, vector<1x16xf32>,
        %get3A_1517 = vector.shape_cast %get3A_1516 : vector<1x16xf32> to vector<16xf32>
        %add3A_1518 = arith.addf %add3A_1482, %get3A_1517 : vector<16xf32>
        %mul3A_1519 = arith.constant 20 : i32
        %mul3A_1520 = arith.muli %scan3A_109, %mul3A_1519 : i32
        %add3A_1521 = arith.constant 14 : i32
        %add3A_1522 = arith.addi %mul3A_1520, %add3A_1521 : i32
        %get3A_1523 = arith.index_cast %add3A_1522 : i32 to index
        %get3A_1524 = arith.constant 112 : index
        %get3A_1525 = tpu.vector_load %arg10[%get3A_1523, %get3A_1524] {strides = array<i32>} : memref<320x128xf32, #tpu.memory_space<vmem>>, vector<1x16xf32>,
        %get3A_1526 = vector.shape_cast %get3A_1525 : vector<1x16xf32> to vector<16xf32>
        %add3A_1527 = arith.addf %add3A_1491, %get3A_1526 : vector<16xf32>
        %mul3A_1528 = arith.constant 20 : i32
        %mul3A_1529 = arith.muli %scan3A_109, %mul3A_1528 : i32
        %add3A_1530 = arith.constant 15 : i32
        %add3A_1531 = arith.addi %mul3A_1529, %add3A_1530 : i32
        %get3A_1532 = arith.index_cast %add3A_1531 : i32 to index
        %get3A_1533 = arith.constant 112 : index
        %get3A_1534 = tpu.vector_load %arg10[%get3A_1532, %get3A_1533] {strides = array<i32>} : memref<320x128xf32, #tpu.memory_space<vmem>>, vector<1x16xf32>,
        %get3A_1535 = vector.shape_cast %get3A_1534 : vector<1x16xf32> to vector<16xf32>
        %add3A_1536 = arith.addf %add3A_1500, %get3A_1535 : vector<16xf32>
        %mul3A_1537 = arith.constant 20 : i32
        %mul3A_1538 = arith.muli %scan3A_109, %mul3A_1537 : i32
        %add3A_1539 = arith.constant 16 : i32
        %add3A_1540 = arith.addi %mul3A_1538, %add3A_1539 : i32
        %get3A_1541 = arith.index_cast %add3A_1540 : i32 to index
        %get3A_1542 = arith.constant 112 : index
        %get3A_1543 = tpu.vector_load %arg10[%get3A_1541, %get3A_1542] {strides = array<i32>} : memref<320x128xf32, #tpu.memory_space<vmem>>, vector<1x16xf32>,
        %get3A_1544 = vector.shape_cast %get3A_1543 : vector<1x16xf32> to vector<16xf32>
        %add3A_1545 = arith.addf %add3A_1509, %get3A_1544 : vector<16xf32>
        %mul3A_1546 = arith.constant 20 : i32
        %mul3A_1547 = arith.muli %scan3A_109, %mul3A_1546 : i32
        %add3A_1548 = arith.constant 17 : i32
        %add3A_1549 = arith.addi %mul3A_1547, %add3A_1548 : i32
        %get3A_1550 = arith.index_cast %add3A_1549 : i32 to index
        %get3A_1551 = arith.constant 112 : index
        %get3A_1552 = tpu.vector_load %arg10[%get3A_1550, %get3A_1551] {strides = array<i32>} : memref<320x128xf32, #tpu.memory_space<vmem>>, vector<1x16xf32>,
        %get3A_1553 = vector.shape_cast %get3A_1552 : vector<1x16xf32> to vector<16xf32>
        %add3A_1554 = arith.addf %add3A_1518, %get3A_1553 : vector<16xf32>
        %mul3A_1555 = arith.constant 20 : i32
        %mul3A_1556 = arith.muli %scan3A_109, %mul3A_1555 : i32
        %add3A_1557 = arith.constant 18 : i32
        %add3A_1558 = arith.addi %mul3A_1556, %add3A_1557 : i32
        %get3A_1559 = arith.index_cast %add3A_1558 : i32 to index
        %get3A_1560 = arith.constant 112 : index
        %get3A_1561 = tpu.vector_load %arg10[%get3A_1559, %get3A_1560] {strides = array<i32>} : memref<320x128xf32, #tpu.memory_space<vmem>>, vector<1x16xf32>,
        %get3A_1562 = vector.shape_cast %get3A_1561 : vector<1x16xf32> to vector<16xf32>
        %add3A_1563 = arith.addf %add3A_1527, %get3A_1562 : vector<16xf32>
        %mul3A_1564 = arith.constant 20 : i32
        %mul3A_1565 = arith.muli %scan3A_109, %mul3A_1564 : i32
        %add3A_1566 = arith.constant 19 : i32
        %add3A_1567 = arith.addi %mul3A_1565, %add3A_1566 : i32
        %get3A_1568 = arith.index_cast %add3A_1567 : i32 to index
        %get3A_1569 = arith.constant 112 : index
        %get3A_1570 = tpu.vector_load %arg10[%get3A_1568, %get3A_1569] {strides = array<i32>} : memref<320x128xf32, #tpu.memory_space<vmem>>, vector<1x16xf32>,
        %get3A_1571 = vector.shape_cast %get3A_1570 : vector<1x16xf32> to vector<16xf32>
        %add3A_1572 = arith.addf %add3A_1536, %get3A_1571 : vector<16xf32>
        %add3A_1573 = arith.addf %add3A_1545, %add3A_1554 : vector<16xf32>
        %add3A_1574 = arith.addf %add3A_1563, %add3A_1572 : vector<16xf32>
        %add3A_1575 = arith.addf %add3A_1573, %add3A_1574 : vector<16xf32>
        %swap3A_1576 = arith.index_cast %scan3A_109 : i32 to index
        %swap3A_1577 = arith.constant 112 : index
        %swap3A_1578 = tpu.vector_load %arg12[%swap3A_1576, %swap3A_1577] {strides = array<i32>} : memref<16x128xf32, #tpu.memory_space<vmem>>, vector<1x16xf32>,
        %swap3A_1579 = vector.shape_cast %swap3A_1578 : vector<1x16xf32> to vector<16xf32>
        %swap3A_1580 = vector.shape_cast %add3A_1575 : vector<16xf32> to vector<1x16xf32>
        tpu.vector_store %arg12[%swap3A_1576, %swap3A_1577], %swap3A_1580 {strides = array<i32>} : memref<16x128xf32, #tpu.memory_space<vmem>>, vector<1x16xf32>,
        %scan3A_1581 = arith.constant 0 : i32
        scf.yield %scan3A_1581 : i32
      }
      %scan3A_99 = arith.constant 16 : i32
      %mul3A_100 = arith.constant 16 : i32
      %mul3A_101 = arith.muli %add3A_92, %mul3A_100 : i32
      %add3A_102 = arith.addi %mul3A_2, %mul3A_101 : i32
      %multiple_of3A_103 = tpu.assume_multiple %add3A_102, 16 : i32
      %dma_start3A_104 = arith.constant 0 : i32
      %dma_start3A_105 = tpu.memref_slice %arg6[%multiple_of3A_103, %dma_start3A_104] : memref<4096x128xf32, #tpu.memory_space<hbm>> -> memref<16x128xf32, #tpu.memory_space<hbm>>
      %dma_start3A_106 = arith.constant 0 : i32
      %dma_start3A_107 = tpu.memref_slice %arg6[%multiple_of3A_103, %dma_start3A_106] : memref<4096x128xf32, #tpu.memory_space<hbm>> -> memref<16x128xf32, #tpu.memory_space<hbm>>
      tpu.enqueue_dma source(%arg12 : memref<16x128xf32, #tpu.memory_space<vmem>>) target(%dma_start3A_107 : memref<16x128xf32, #tpu.memory_space<hbm>>) target_semaphore(%arg19 : memref<!tpu.dma_semaphore, #tpu.memory_space<semaphore_mem>>)
      %scan3A_108 = arith.constant 0 : i32
      scf.yield %scan3A_108 : i32
    }
    %scan3A_22 = arith.constant 4 : i32
    %dma_wait3A = arith.constant 0 : i32
    %dma_wait3A_23 = arith.constant 0 : i32
    %dma_wait3A_24 = tpu.memref_slice %arg6[%dma_wait3A, %dma_wait3A_23] : memref<4096x128xf32, #tpu.memory_space<hbm>> -> memref<16x128xf32, #tpu.memory_space<hbm>>
    %dma_wait3A_25 = arith.constant 0 : i32
    %dma_wait3A_26 = arith.constant 0 : i32
    %dma_wait3A_27 = tpu.memref_slice %arg6[%dma_wait3A_25, %dma_wait3A_26] : memref<4096x128xf32, #tpu.memory_space<hbm>> -> memref<16x128xf32, #tpu.memory_space<hbm>>
    tpu.wait_dma2 semaphore(%arg18 : memref<!tpu.dma_semaphore, #tpu.memory_space<semaphore_mem>>) src(%arg11 : memref<16x128xf32, #tpu.memory_space<vmem>>) dst(%dma_wait3A_27 : memref<16x128xf32, #tpu.memory_space<hbm>>)
    %dma_wait3A_28 = arith.constant 0 : i32
    %dma_wait3A_29 = arith.constant 0 : i32
    %dma_wait3A_30 = tpu.memref_slice %arg6[%dma_wait3A_28, %dma_wait3A_29] : memref<4096x128xf32, #tpu.memory_space<hbm>> -> memref<16x128xf32, #tpu.memory_space<hbm>>
    %dma_wait3A_31 = arith.constant 0 : i32
    %dma_wait3A_32 = arith.constant 0 : i32
    %dma_wait3A_33 = tpu.memref_slice %arg6[%dma_wait3A_31, %dma_wait3A_32] : memref<4096x128xf32, #tpu.memory_space<hbm>> -> memref<16x128xf32, #tpu.memory_space<hbm>>
    tpu.wait_dma2 semaphore(%arg19 : memref<!tpu.dma_semaphore, #tpu.memory_space<semaphore_mem>>) src(%arg12 : memref<16x128xf32, #tpu.memory_space<vmem>>) dst(%dma_wait3A_33 : memref<16x128xf32, #tpu.memory_space<hbm>>)
    %dma_wait3A_34 = arith.constant 0 : i32
    %dma_wait3A_35 = arith.constant 0 : i32
    %dma_wait3A_36 = tpu.memref_slice %arg5[%dma_wait3A_34, %dma_wait3A_35] : memref<100000x128xf32, #tpu.memory_space<hbm>> -> memref<100000x128xf32, #tpu.memory_space<hbm>>
    tpu.wait_indirect_dma semaphore(%arg17 : memref<!tpu.dma_semaphore, #tpu.memory_space<semaphore_mem>>) src(%dma_wait3A_36 : memref<100000x128xf32, #tpu.memory_space<hbm>>) dst(%arg14 : memref<32x128xf32, #tpu.memory_space<vmem>>)
    "tpu.region"() ({
      %run_scoped3A = tpu.sem_alloc : memref<!tpu.dma_semaphore, #tpu.memory_space<semaphore_mem>>
      %dma_start3A_37 = arith.constant 0 : i32
      %dma_start3A_38 = tpu.memref_slice %arg7[%mul3A_13, %dma_start3A_37] : memref<1024x128xf32, #tpu.memory_space<hbm>> -> memref<32x128xf32, #tpu.memory_space<hbm>>
      %dma_start3A_39 = arith.constant 0 : i32
      %dma_start3A_40 = tpu.memref_slice %arg7[%mul3A_13, %dma_start3A_39] : memref<1024x128xf32, #tpu.memory_space<hbm>> -> memref<32x128xf32, #tpu.memory_space<hbm>>
      tpu.enqueue_dma source(%arg14 : memref<32x128xf32, #tpu.memory_space<vmem>>) target(%dma_start3A_40 : memref<32x128xf32, #tpu.memory_space<hbm>>) target_semaphore(%run_scoped3A : memref<!tpu.dma_semaphore, #tpu.memory_space<semaphore_mem>>)
      %dma_wait3A_41 = arith.constant 0 : i32
      %dma_wait3A_42 = tpu.memref_slice %arg7[%mul3A_13, %dma_wait3A_41] : memref<1024x128xf32, #tpu.memory_space<hbm>> -> memref<32x128xf32, #tpu.memory_space<hbm>>
      %dma_wait3A_43 = arith.constant 0 : i32
      %dma_wait3A_44 = tpu.memref_slice %arg7[%mul3A_13, %dma_wait3A_43] : memref<1024x128xf32, #tpu.memory_space<hbm>> -> memref<32x128xf32, #tpu.memory_space<hbm>>
      tpu.wait_dma2 semaphore(%run_scoped3A : memref<!tpu.dma_semaphore, #tpu.memory_space<semaphore_mem>>) src(%arg14 : memref<32x128xf32, #tpu.memory_space<vmem>>) dst(%dma_wait3A_44 : memref<32x128xf32, #tpu.memory_space<hbm>>)
      tpu.yield
    }) : () -> ()
    return
  }
}

</mosaic_0001>

<sc_bundles>
// kernel: _sc_call.3.cloned.1.call-start
scs
__scs_entry_jumppad:
0x0: {  	(pc) =	sbr.rel $0x88, $3  }
0x1: {  	(tag) =	ssettag $0x0;
	lr =	simm.s32 $0x1  }
0x2: {  	[smem:$0x3F9D] =	sst lr;
	_ =	strace $0xD0000000  }
0x3: {  	_ = 	snop  }
0x4: {  	_ = 	snop  }
0x5: {  	_ = 	snop  }
0x6: {  	_ = 	snop  }
0x7: {  	_ = 	snop  }
__scs_overlays_trampoline_lowered:
0x8: {  	[smem:$0x3FAC] =	sst s0  }
0x9: {  	[smem:$0x3FAD] =	sst s1  }
0xa: {  	[smem:$0x3FAE] =	sst s2  }
0xb: {  	[smem:$0x3FAF] =	sst s3  }
0xc: {  	[smem:$0x3FB0] =	sst s4  }
0xd: {  	[smem:$0x3FB1] =	sst s5  }
0xe: {  	[smem:$0x3FB2] =	sst s6  }
0xf: {  	[smem:$0x3FB3] =	sst s7  }
0x10: {  	[smem:$0x3FB4] =	sst s8  }
0x11: {  	[smem:$0x3FB5] =	sst s9;
	s0 =	simm.s32 @!p0 $0x0  }
0x12: {  	s1 =	sld [smem:$0x3F9B];
	s0 =	simm.s32 @p0 $0x1  }
0x13: {  	[smem:$0x3FB6] =	sst s0;
	s0 =	simm.s32 @!p1 $0x0  }
0x14: {  	s2 =	sld [smem:$0x3F9A];
	s0 =	simm.s32 @p1 $0x1  }
0x15: {  	[smem:$0x3FB7] =	sst s0;
	s0 =	simm.s32 @!p2 $0x0  }
0x16: {  	s3 =	sld [smem:$0x3FDB];
	s0 =	simm.s32 @p2 $0x1  }
0x17: {  	s4 =	simm.s32 $0x1BF5;
	[smem:$0x3FB9] =	sst s0  }
0x18: {  	s0 =	sld [smem:$0x3F9C];
	_ =	swait.ge [sflag:s4], $0x0  }
0x19: {  	s7 =	sld [smem:$0x3F9D]  }
0x1a: {  	s8 =	sadd.s32 $0xFFFFE003, lr  }
0x1b: {  	s9 =	sadd.s32 $0xFFFFFEF7, lr;
	s5 =	simm.s32 $0xFFFFFFFF;
	p2 =	slt.u32 s8, $0xFFFFF086  }
0x1c: {  	p1 =	slt.u32 s9, $0xF7A;
	s5 =	simm.s32 @!p2 $0x0  }
0x1d: {  	s5 =	simm.s32 @p1 $0x1;
	p0 =	seq.s32 s7, s2  }
0x1e: {  	s7 =	smul.u32 @!p0 $0xF7A, s2;
	p2 =	seq.s32 @!p0 s5, $0x0  }
0x1f: {  	s9 =	smul.u32 $0xF7A, s1;
	s8 =	simm.s32 @!p0 $0x1BF5;
	p2 =	por !p2, p0  }
0x20: {  	[sflag:s8] =	ssyncset.s32 @!p0 $0xFFFFF086;
	s6 =	sadd.s32 @!p0 s3, s7;
	s7 =	simm.s32 @!p0 $0x108  }
0x21: {  	s3 =	sadd.s32 s3, s9;
	s6 =	sadd.s32 @!p0 $0x88, s6;
	s7 =	simm.s32 @p2 $0x1082  }
0x22: {  	[simem:s7], [sflag:s8] =	dma.local @!p0 [hbm:s6], $0xF7A  }
0x23: {  	s9 =	sor.u32 $0xD0000000, s2;
	s6 =	simm.s32 $0x108;
	_ =	swait.ge @!p0 [sflag:s8], $0x0  }
0x24: {  	s3 =	sadd.s32 $0x88, s3;
	s6 =	simm.s32 @!p1 $0x1082;
	[sflag:s4] =	ssyncset.s32 $0xFFFFF086  }
0x25: {  	[simem:s6], [sflag:s4] =	dma.local [hbm:s3], $0xF7A  }
0x26: {  	[smem:$0x3F9D] =	sst s1;
	(tag) =	ssettag s2;
	_ =	strace s9  }
0x27: {  	s1 =	sld [smem:$0x3FAD]  }
0x28: {  	s2 =	sld [smem:$0x3FAE]  }
0x29: {  	s4 =	sld [smem:$0x3FB0]  }
0x2a: {  	p0 =	seq.s32 s5, $0x0;
	s5 =	sld [smem:$0x3FB1]  }
0x2b: {  	s6 =	sld [smem:$0x3FB2]  }
0x2c: {  	s7 =	sld [smem:$0x3FB3]  }
0x2d: {  	s3 =	simm.s32 $0x108;
	s8 =	sld [smem:$0x3FB4]  }
0x2e: {  	s3 =	simm.s32 @!p0 $0x1082;
	s9 =	sld [smem:$0x3FB5]  }
0x2f: {  	lr =	sadd.s32 s0, s3;
	s0 =	sld [smem:$0x3FAC]  }
0x30: {  	s3 =	sld [smem:$0x3FAF]  }
0x31: {  	[smem:$0x3FB8] =	sst s10  }
0x32: {  	s10 =	sld [smem:$0x3FB6];
	_ =	sdelay $0x3  }
0x33: {  	p0 =	seq.s32 s10, $0x1;
	s10 =	sld [smem:$0x3FB8];
	_ =	sdelay $0x3  }
0x34: {  	[smem:$0x3FB8] =	sst s10  }
0x35: {  	s10 =	sld [smem:$0x3FB7];
	_ =	sdelay $0x3  }
0x36: {  	p1 =	seq.s32 s10, $0x1;
	s10 =	sld [smem:$0x3FB8];
	_ =	sdelay $0x3  }
0x37: {  	[smem:$0x3FB8] =	sst s10  }
0x38: {  	s10 =	sld [smem:$0x3FB9]  }
0x39: {  	_ = 	snop;
	(pc) =	sbr.ind lr, $3  }
0x3a: {  	_ = 	snop  }
0x3b: {  	_ = 	snop  }
0x3c: {  	p2 =	seq.s32 s10, $0x1;
	s10 =	sld [smem:$0x3FB8]  }
0x3d: {  	_ =	shalt  }
0x3e: {  	_ =	shalt  }
0x3f: {  	_ =	shalt  }
0x40: {  	_ =	shalt  }
0x41: {  	_ =	shalt  }
0x42: {  	_ =	shalt  }
0x43: {  	_ =	shalt  }
0x44: {  	_ =	shalt  }
0x45: {  	_ =	shalt  }
0x46: {  	_ =	shalt  }
0x47: {  	_ =	shalt  }
0x48: {  	_ =	shalt  }
0x49: {  	_ =	shalt  }
0x4a: {  	_ =	shalt  }
0x4b: {  	_ =	shalt  }
0x4c: {  	_ =	shalt  }
0x4d: {  	_ =	shalt  }
0x4e: {  	_ =	shalt  }
0x4f: {  	_ =	shalt  }
0x50: {  	_ =	shalt  }
0x51: {  	_ =	shalt  }
0x52: {  	_ =	shalt  }
0x53: {  	_ =	shalt  }
0x54: {  	_ =	shalt  }
0x55: {  	_ =	shalt  }
0x56: {  	_ =	shalt  }
0x57: {  	_ =	shalt  }
0x58: {  	_ =	shalt  }
0x59: {  	_ =	shalt  }
0x5a: {  	_ =	shalt  }
0x5b: {  	_ =	shalt  }
0x5c: {  	_ =	shalt  }
0x5d: {  	_ =	shalt  }
0x5e: {  	_ =	shalt  }
0x5f: {  	_ =	shalt  }
0x60: {  	_ =	shalt  }
0x61: {  	_ =	shalt  }
0x62: {  	_ =	shalt  }
0x63: {  	_ =	shalt  }
0x64: {  	_ =	shalt  }
0x65: {  	_ =	shalt  }
0x66: {  	_ =	shalt  }
0x67: {  	_ =	shalt  }
0x68: {  	_ =	shalt  }
0x69: {  	_ =	shalt  }
0x6a: {  	_ =	shalt  }
0x6b: {  	_ =	shalt  }
0x6c: {  	_ =	shalt  }
0x6d: {  	_ =	shalt  }
0x6e: {  	_ =	shalt  }
0x6f: {  	_ =	shalt  }
0x70: {  	_ =	shalt  }
0x71: {  	_ =	shalt  }
0x72: {  	_ =	shalt  }
0x73: {  	_ =	shalt  }
0x74: {  	_ =	shalt  }
0x75: {  	_ =	shalt  }
0x76: {  	_ =	shalt  }
0x77: {  	_ =	shalt  }
0x78: {  	_ =	shalt  }
0x79: {  	_ =	shalt  }
0x7a: {  	_ =	shalt  }
0x7b: {  	_ =	shalt  }
0x7c: {  	_ =	shalt  }
0x7d: {  	_ =	shalt  }
0x7e: {  	_ =	shalt  }
0x7f: {  	_ =	shalt  }
0x80: {  	_ =	shalt  }
0x81: {  	_ =	shalt  }
0x82: {  	_ =	shalt  }
0x83: {  	_ =	shalt  }
0x84: {  	_ =	shalt  }
0x85: {  	_ =	shalt  }
0x86: {  	_ =	shalt  }
0x87: {  	_ =	shalt  }
.Lfunc_end0:
.L_simem_size_0:
called_computation_lowered:
.L_overlay_start_0:
0x88: {  	s2 =	sld [smem:$0x3FD9]  }
0x89: {  	s3 =	sld [smem:$0x3FFE];
	_ =	sdelay $0x1  }
0x8a: {  	s1 =	srdreg.scid  }
0x8b: {  	s0 =	sand.u32 $0x1, s1  }
0x8c: {  	s15 =	sshll.u32 s0, $0xA;
	s2 =	sadd.s32 s3, s2  }
0x8d: {  	s2 =	sadd.s32 s2, s15  }
0x8e: {  	[smem:$0x3FC4] =	sst s2  }
0x8f: {  	_ = 	snop  }
0x90: {  	s2 =	sld [smem:$0x3FC9]  }
0x91: {  	s16 =	sld [smem:$0x3FD0]  }
0x92: {  	s4 =	sld [smem:$0x3FC8]  }
0x93: {  	s5 =	sld [smem:$0x3FC7]  }
0x94: {  	s7 =	simm.s32 $0xA;
	s8 =	simm.s32 $0x10;
	s6 =	sld [smem:$0x3FC6]  }
0x95: {  	[smem:s8], [sflag:s7] =	dma.local [hbm:s16], $0x1  }
0x96: {  	_ =	swait.eq [sflag:s7], $0x1  }
0x97: {  	[sflag:s7] =	ssyncset.done $0x0  }
0x98: {  	s17 =	sld [smem:$0x10];
	[sflag:s7] =	ssyncadd.s32 $0xFFFFFFFF  }
0x99: {  	s18 =	sld [smem:$0x11];
	(tm) =	ssettm $0x1  }
0x9a: {  	s19 =	sld [smem:$0x3FFB];
	_ =	sdelay $0x3  }
0x9b: {  	_ =	strace s19  }
0x9c: {  	s8 =	sld [smem:$0x3FFC];
	_ =	sdelay $0x3  }
0x9d: {  	_ =	strace s8  }
0x9e: {  	s8 =	sld [smem:$0x3FFD];
	_ =	sdelay $0x3  }
0x9f: {  	_ =	strace s8  }
0xa0: {  	_ =	strace $0x8FFFFFFF  }
0xa1: {  	s20 =	sld [smem:$0x3FDB];
	_ =	sdelay $0x1  }
0xa2: {  	s9 =	simm.s32 $_scs_section_size  }
0xa3: {  	s10 =	simm.s32 $_size__tile_overlayer_lowered;
	s11 =	simm.s32 $_tile_overlayer_lowered  }
0xa4: {  	s23 =	simm.s32 $0x1BFF;
	s22 =	sshll.u32 s11, $0x1;
	s8 =	sadd.s32 s9, s20  }
0xa5: {  	s12 =	simm.s32 $0x0;
	s21 =	sshll.u32 s10, $0x1;
	s10 =	sadd.s32 s22, s8  }
0xa6: {  	[timem:s12], [sflag:s23] =	dma.local [hbm:s10], s21  }
0xa7: {  	_ =	swait.ge [sflag:s23], s21  }
0xa8: {  	s9 =	ssub.s32 $0x0, s21;
	[sflag:s23] =	ssyncset.done $0x0  }
0xa9: {  	[sflag:s23] =	ssyncadd.s32 s9;
	_ =	sdelay $0x1  }
0xaa: {  	s24 =	simm.s32 $0x1B8B  }
0xab: {  	_ =	swait.ge [sflag:s24], $0x1  }
0xac: {  	[sflag:s24] =	ssyncset.done $0x0  }
0xad: {  	s25 =	simm.s32 $0x1B8E;
	[sflag:s24] =	ssyncadd.s32 $0xFFFFFFFF  }
0xae: {  	s26 =	simm.s32 $execute0_lowered;
	[smem:$0x3FD2] =	sst s25  }
0xaf: {  	s9 =	sshll.u32 s26, $0x1;
	_ =	strace $0x80000046;
	[dreg:$0x1] =	wrdreg $0xFFFFFFFF  }
0xb0: {  	s28 =	simm.s32 $_size_execute0_lowered;
	s8 =	sadd.s32 s8, s9;
	[dreg:$0x0] =	wrdreg $0x0  }
0xb1: {  	s9 =	sshll.u32 s28, $0x1;
	[dreg:$0x2] =	wrdreg s8  }
0xb2: {  	[dreg:$0x3] =	wrdreg s9  }
0xb3: {  	[dreg:$0x4] =	wrdreg $0xC0  }
0xb4: {  	_ =	task [dreg:s12], $0x5FFFF  }
0xb5: {  	[dreg:$0x1] =	wrdreg $0xFFFFFFFF  }
0xb6: {  	[dreg:$0x0] =	wrdreg $0x60  }
0xb7: {  	[dreg:$0x2] =	wrdreg s2  }
0xb8: {  	[dreg:$0x3] =	wrdreg s4  }
0xb9: {  	[dreg:$0x4] =	wrdreg s5  }
0xba: {  	[dreg:$0x5] =	wrdreg s6  }
0xbb: {  	[dreg:$0x6] =	wrdreg s17  }
0xbc: {  	[dreg:$0x7] =	wrdreg s18  }
0xbd: {  	[dreg:$0x8] =	wrdreg $0x9  }
0xbe: {  	_ =	task.clear_ibuf [dreg:s12], $0x9FFFF;
	_ =	strace $0x90000046  }
0xbf: {  	s29 =	simm.s32 $0x9;
	_ =	strace $0x80000048  }
0xc0: {  	_ =	swait.ge [sflag:s29], $0x1  }
0xc1: {  	[sflag:s29] =	ssyncadd.s32 $0xFFFFFFFF  }
0xc2: {  	_ =	strace $0x90000048  }
0xc3: {  	_ =	sfence  }
0xc4: {  	s30 =	sld [smem:$0x0];
	_ =	sdelay $0x2  }
0xc5: {  	s31 =	sshll.u32 s1, $0xD;
	s1 =	sshrl.u32 s1, $0x2  }
0xc6: {  	s3 =	sand.u32 $0x4000, s31;
	s1 =	sadd.s32 s1, s30  }
0xc7: {  	s0 =	sor.u32 s3, s0;
	s1 =	sshll.u32 s1, $0x11  }
0xc8: {  	s0 =	sor.u32 s1, s0  }
0xc9: {  	s0 =	sadd.s32 $0x8F2B, s0  }
0xca: {  	[sflag:s0] =	ssyncadd.remote.s32 $0x1  }
0xcb: {  	_ =	sfence.sel $0xFFFF  }
0xcc: {  	[dreg:$0x0] =	wrdreg $0xFFFFFFFF;
	(pc) =	sbr.abs _section_cstart, $3  }
0xcd: {  	[dreg:$0x1] =	wrdreg $0xFFFFFFFF  }
0xce: {  	_ =	task.clear_ibuf [dreg:s12], $0x2FFFF;
	_ =	strace $0x9FFFFFFF  }
0xcf: {  	(tm) =	ssettm $0x7FFFFFFF  }
tec
execute0_lowered:
.L_overlay_start_1:
0x0: {  	(tag) =	ssettag $0x1  }
0x1: {  	s5 =	rddreg [dreg:$0x0]  }
0x2: {  	s6 =	rddreg [dreg:$0x1]  }
0x3: {  	s1 =	rddreg [dreg:$0x2]  }
0x4: {  	s2 =	rddreg [dreg:$0x3]  }
0x5: {  	s7 =	rddreg [dreg:$0x4]  }
0x6: {  	s8 =	rddreg [dreg:$0x5]  }
0x7: {  	s0 =	rddreg [dreg:$0x6]  }
0x8: {  	s9 =	srdreg.scid;
	s3 =	stileid.u32  }
0x9: {  	s4 =	simm.s32 $0x0;
	s14 =	simm.s32 $0x20;
	s15 =	simm.s32 $0x15A80  }
0xa: {  	s16 =	simm.s32 $0xAA00;
	s17 =	simm.s32 $0x1;
	s18 =	simm.s32 $0x14A00  }
0xb: {  	s19 =	simm.s32 $0x2;
	s20 =	simm.s32 $0x5;
	s21 =	simm.s32 $0x15200  }
0xc: {  	s22 =	simm.s32 $0x4;
	s23 =	simm.s32 $0x3;
	s24 =	simm.s32 $0x0  }
0xd: {  	s9 =	sand.u32 $0x1, s9;
	s10 =	sshll.u32 s3, $0x1;
	[smem:$0x7FF] =	sst s4  }
0xe: {  	s11 =	ssub.s32 $0x2, s9;
	s9 =	sor.u32 s9, s10;
	_ =	strace $0x80000047  }
0xf: {  	s30 =	sshrl.u32 s11, $0x1;
	s12 =	smul.u32 $0x140, s9;
	s31 =	sshll.u32 s9, $0xB  }
0x10: {  	s13 =	sshll.u32 s9, $0x2;
	s9 =	sshll.u32 s9, $0x9;
	s10 =	ssub.s32 s11, s30  }
0x11: {  	s6 =	sadd.s32 s6, s13;
	s7 =	sadd.s32 s7, s31;
	s8 =	sadd.s32 s8, s9  }
0x12: {  	s11 =	simm.s32 $0x140;
	s13 =	simm.s32 $0x15A00;
	s5 =	sadd.s32 s5, s12  }
0x13: {  	s9 =	smax.u32 s10, $0x1;
	s10 =	simm.s32 $0x6;
	s12 =	simm.s32 $0xA00  }
.LBB2_1:
0x14: {  	[tilespmem:s4], [sflag:$0x6] =	stream.linear.gather [hbm4b:s5+s4], $0xA00, $0x38;
	[tilespmem:$0x16A80] =	vst v63  }
0x15: {  	_ =	swait.ge [sflag:s10], $0xA00  }
0x16: {  	[sflag:s10] =	ssyncset.done $0x0  }
0x17: {  	[sflag:s10] =	ssyncadd.s32 $0xFFFFF600  }
0x18: {  	[tilespmem:s12], [sflag:$0x1] =	stream.indirect.gather [hbm4b:s1+s11], $0x80, s4, s11, $0xb8;
	[tilespmem:$0x16A80] =	vst v63  }
0x19: {  	_ = 	snop  }
0x1a: {  	[tilespmem:s13], [sflag:$0x6] =	stream.linear.gather [hbm4b:s6+s4], $0x20, $0x38;
	[tilespmem:$0x16A80] =	vst v63  }
0x1b: {  	_ =	swait.ge [sflag:s10], $0x20  }
0x1c: {  	[sflag:s10] =	ssyncset.done $0x0  }
0x1d: {  	s25 =	simm.s32 $0x0;
	[sflag:s10] =	ssyncadd.s32 $0xFFFFFFE0  }
0x1e: {  	[tilespmem:s15], [sflag:$0x3] =	stream.indirect.gather [hbm4b:s2+s14], $0x80, s13, s14, $0xb8;
	[tilespmem:$0x16A80] =	vst v63  }
.LBB2_2:
0x1f: {  	s26 =	sshllo.u32 s25, $0x1  }
0x20: {  	s28 =	smul.u32 $0x500, s26;
	_ =	sdelay $0x1  }
0x21: {  	s28 =	sshra.s32 s28, $0x2  }
0x22: {  	[tilespmem:s16], [sflag:$0x2] =	stream.indirect.gather [hbm4b:s1+s11], $0x80, s28, s11, $0xb8;
	[tilespmem:$0x16A80] =	vst v63  }
0x23: {  	_ =	swait.ge [sflag:s17], $0xA000  }
0x24: {  	p0 =	seq.s32 s25, $0x0;
	[sflag:s17] =	ssyncset.done $0x0  }
0x25: {  	s28 =	simm.s32 @!p0 $0x4;
	[sflag:s17] =	ssyncadd.s32 $0xFFFF6000  }
0x26: {  	_ =	swait.ge @!p0 [sflag:s28], $0x800  }
0x27: {  	[sflag:s28] =	ssyncset.done @!p0 $0x0  }
0x28: {  	s29 =	simm.s32 $0xF00;
	[sflag:s28] =	ssyncadd.s32 @!p0 $0xFFFFF800;
	s28 =	simm.s32 $0x0  }
.LBB2_3:
0x29: {  	v0 =	vld [tilespmem:s29+$0xFFFFFB00]  }
0x2a: {  	v1 =	vld [tilespmem:s29+$0xFFFFFB80]  }
0x2b: {  	v2 =	vld [tilespmem:s29+$0xFFFFFC00]  }
0x2c: {  	v3 =	vld [tilespmem:s29+$0xFFFFFC80]  }
0x2d: {  	v4 =	vld [tilespmem:s29+$0xFFFFFD00]  }
0x2e: {  	v5 =	vld [tilespmem:s29+$0xFFFFFD80]  }
0x2f: {  	v6 =	vld [tilespmem:s29+$0xFFFFFE00]  }
0x30: {  	v7 =	vld [tilespmem:s29+$0xFFFFFE80]  }
0x31: {  	v8 =	vld [tilespmem:s29+$0xFFFFFF00]  }
0x32: {  	v9 =	vld [tilespmem:s29+$0xFFFFFF80]  }
0x33: {  	v10 =	vld [tilespmem:s29+$0x0]  }
0x34: {  	v11 =	vld [tilespmem:s29+$0x80]  }
0x35: {  	v12 =	vld [tilespmem:s29+$0x100]  }
0x36: {  	v13 =	vld [tilespmem:s29+$0x180]  }
0x37: {  	v14 =	vld [tilespmem:s29+$0x200]  }
0x38: {  	v15 =	vld [tilespmem:s29+$0x280]  }
0x39: {  	v16 =	vld [tilespmem:s29+$0x300]  }
0x3a: {  	v52 =	vld [tilespmem:s29+$0x380];
	v0 =	vadd.f32 v4, v0;
	v1 =	vadd.f32 v5, v1  }
0x3b: {  	v53 =	vld [tilespmem:s29+$0x400];
	v2 =	vadd.f32 v6, v2;
	v3 =	vadd.f32 v7, v3  }
0x3c: {  	v54 =	vld [tilespmem:s29+$0x480];
	v0 =	vadd.f32 v8, v0;
	v1 =	vadd.f32 v9, v1  }
0x3d: {  	v2 =	vadd.f32 v10, v2;
	v3 =	vadd.f32 v11, v3  }
0x3e: {  	v0 =	vadd.f32 v12, v0;
	v1 =	vadd.f32 v13, v1  }
0x3f: {  	v2 =	vadd.f32 v14, v2;
	v3 =	vadd.f32 v15, v3  }
0x40: {  	v0 =	vadd.f32 v16, v0;
	v1 =	vadd.f32 v52, v1  }
0x41: {  	v2 =	vadd.f32 v53, v2;
	v3 =	vadd.f32 v54, v3;
	_ =	sdelay $0x1  }
0x42: {  	v0 =	vadd.f32 v1, v0;
	v55 =	vadd.f32 v3, v2;
	_ =	sdelay $0x1  }
0x43: {  	v0 =	vadd.f32 v55, v0  }
0x44: {  	s30 =	sshra.s32 s28, $0x2  }
0x45: {  	[tilespmem:s30+$0x14A00] =	vst v0  }
0x46: {  	v0 =	vld [tilespmem:s29+$0xFFFFFB10]  }
0x47: {  	v56 =	vld [tilespmem:s29+$0xFFFFFB90]  }
0x48: {  	v57 =	vld [tilespmem:s29+$0xFFFFFC10]  }
0x49: {  	v58 =	vld [tilespmem:s29+$0xFFFFFC90]  }
0x4a: {  	v59 =	vld [tilespmem:s29+$0xFFFFFD10]  }
0x4b: {  	v60 =	vld [tilespmem:s29+$0xFFFFFD90]  }
0x4c: {  	v61 =	vld [tilespmem:s29+$0xFFFFFE10]  }
0x4d: {  	v62 =	vld [tilespmem:s29+$0xFFFFFE90]  }
0x4e: {  	v63 =	vld [tilespmem:s29+$0xFFFFFF10]  }
0x4f: {  	v20 =	vld [tilespmem:s29+$0xFFFFFF90]  }
0x50: {  	v21 =	vld [tilespmem:s29+$0x10]  }
0x51: {  	v22 =	vld [tilespmem:s29+$0x90]  }
0x52: {  	v23 =	vld [tilespmem:s29+$0x110]  }
0x53: {  	v24 =	vld [tilespmem:s29+$0x190]  }
0x54: {  	v25 =	vld [tilespmem:s29+$0x210]  }
0x55: {  	v26 =	vld [tilespmem:s29+$0x290]  }
0x56: {  	v27 =	vld [tilespmem:s29+$0x310]  }
0x57: {  	v28 =	vld [tilespmem:s29+$0x390];
	v0 =	vadd.f32 v59, v0;
	v1 =	vadd.f32 v60, v56  }
0x58: {  	v29 =	vld [tilespmem:s29+$0x410];
	v2 =	vadd.f32 v61, v57;
	v3 =	vadd.f32 v62, v58  }
0x59: {  	v30 =	vld [tilespmem:s29+$0x490];
	v0 =	vadd.f32 v63, v0;
	v1 =	vadd.f32 v20, v1  }
0x5a: {  	v2 =	vadd.f32 v21, v2;
	v3 =	vadd.f32 v22, v3  }
0x5b: {  	v0 =	vadd.f32 v23, v0;
	v1 =	vadd.f32 v24, v1  }
0x5c: {  	v2 =	vadd.f32 v25, v2;
	v3 =	vadd.f32 v26, v3  }
0x5d: {  	v0 =	vadd.f32 v27, v0;
	v1 =	vadd.f32 v28, v1  }
0x5e: {  	v2 =	vadd.f32 v29, v2;
	v3 =	vadd.f32 v30, v3;
	_ =	sdelay $0x1  }
0x5f: {  	v0 =	vadd.f32 v1, v0;
	v31 =	vadd.f32 v3, v2;
	_ =	sdelay $0x1  }
0x60: {  	v0 =	vadd.f32 v31, v0;
	_ =	sdelay $0x1  }
0x61: {  	[tilespmem:s30+$0x14A10] =	vst v0  }
0x62: {  	v0 =	vld [tilespmem:s29+$0xFFFFFB20]  }
0x63: {  	v32 =	vld [tilespmem:s29+$0xFFFFFBA0]  }
0x64: {  	v33 =	vld [tilespmem:s29+$0xFFFFFC20]  }
0x65: {  	v34 =	vld [tilespmem:s29+$0xFFFFFCA0]  }
0x66: {  	v35 =	vld [tilespmem:s29+$0xFFFFFD20]  }
0x67: {  	v36 =	vld [tilespmem:s29+$0xFFFFFDA0]  }
0x68: {  	v37 =	vld [tilespmem:s29+$0xFFFFFE20]  }
0x69: {  	v38 =	vld [tilespmem:s29+$0xFFFFFEA0]  }
0x6a: {  	v39 =	vld [tilespmem:s29+$0xFFFFFF20]  }
0x6b: {  	v40 =	vld [tilespmem:s29+$0xFFFFFFA0]  }
0x6c: {  	v41 =	vld [tilespmem:s29+$0x20]  }
0x6d: {  	v42 =	vld [tilespmem:s29+$0xA0]  }
0x6e: {  	v43 =	vld [tilespmem:s29+$0x120]  }
0x6f: {  	v44 =	vld [tilespmem:s29+$0x1A0]  }
0x70: {  	v45 =	vld [tilespmem:s29+$0x220]  }
0x71: {  	v46 =	vld [tilespmem:s29+$0x2A0]  }
0x72: {  	v47 =	vld [tilespmem:s29+$0x320]  }
0x73: {  	v48 =	vld [tilespmem:s29+$0x3A0];
	v0 =	vadd.f32 v35, v0;
	v1 =	vadd.f32 v36, v32  }
0x74: {  	v49 =	vld [tilespmem:s29+$0x420];
	v2 =	vadd.f32 v37, v33;
	v3 =	vadd.f32 v38, v34  }
0x75: {  	v50 =	vld [tilespmem:s29+$0x4A0];
	v0 =	vadd.f32 v39, v0;
	v1 =	vadd.f32 v40, v1  }
0x76: {  	v2 =	vadd.f32 v41, v2;
	v3 =	vadd.f32 v42, v3  }
0x77: {  	v0 =	vadd.f32 v43, v0;
	v1 =	vadd.f32 v44, v1  }
0x78: {  	v2 =	vadd.f32 v45, v2;
	v3 =	vadd.f32 v46, v3  }
0x79: {  	v0 =	vadd.f32 v47, v0;
	v1 =	vadd.f32 v48, v1  }
0x7a: {  	v2 =	vadd.f32 v49, v2;
	v3 =	vadd.f32 v50, v3;
	_ =	sdelay $0x1  }
0x7b: {  	v0 =	vadd.f32 v1, v0;
	v51 =	vadd.f32 v3, v2;
	_ =	sdelay $0x1  }
0x7c: {  	v0 =	vadd.f32 v51, v0;
	_ =	sdelay $0x1  }
0x7d: {  	[tilespmem:s30+$0x14A20] =	vst v0  }
0x7e: {  	v0 =	vld [tilespmem:s29+$0xFFFFFB30]  }
0x7f: {  	v52 =	vld [tilespmem:s29+$0xFFFFFBB0]  }
0x80: {  	v53 =	vld [tilespmem:s29+$0xFFFFFC30]  }
0x81: {  	v54 =	vld [tilespmem:s29+$0xFFFFFCB0]  }
0x82: {  	v55 =	vld [tilespmem:s29+$0xFFFFFD30]  }
0x83: {  	v56 =	vld [tilespmem:s29+$0xFFFFFDB0]  }
0x84: {  	v57 =	vld [tilespmem:s29+$0xFFFFFE30]  }
0x85: {  	v58 =	vld [tilespmem:s29+$0xFFFFFEB0]  }
0x86: {  	v59 =	vld [tilespmem:s29+$0xFFFFFF30]  }
0x87: {  	v60 =	vld [tilespmem:s29+$0xFFFFFFB0]  }
0x88: {  	v61 =	vld [tilespmem:s29+$0x30]  }
0x89: {  	v62 =	vld [tilespmem:s29+$0xB0]  }
0x8a: {  	v63 =	vld [tilespmem:s29+$0x130]  }
0x8b: {  	v20 =	vld [tilespmem:s29+$0x1B0]  }
0x8c: {  	v21 =	vld [tilespmem:s29+$0x230]  }
0x8d: {  	v22 =	vld [tilespmem:s29+$0x2B0]  }
0x8e: {  	v23 =	vld [tilespmem:s29+$0x330]  }
0x8f: {  	v24 =	vld [tilespmem:s29+$0x3B0];
	v0 =	vadd.f32 v55, v0;
	v1 =	vadd.f32 v56, v52  }
0x90: {  	v25 =	vld [tilespmem:s29+$0x430];
	v2 =	vadd.f32 v57, v53;
	v3 =	vadd.f32 v58, v54  }
0x91: {  	v26 =	vld [tilespmem:s29+$0x4B0];
	v0 =	vadd.f32 v59, v0;
	v1 =	vadd.f32 v60, v1  }
0x92: {  	v2 =	vadd.f32 v61, v2;
	v3 =	vadd.f32 v62, v3  }
0x93: {  	v0 =	vadd.f32 v63, v0;
	v1 =	vadd.f32 v20, v1  }
0x94: {  	v2 =	vadd.f32 v21, v2;
	v3 =	vadd.f32 v22, v3  }
0x95: {  	v0 =	vadd.f32 v23, v0;
	v1 =	vadd.f32 v24, v1  }
0x96: {  	v2 =	vadd.f32 v25, v2;
	v3 =	vadd.f32 v26, v3;
	_ =	sdelay $0x1  }
0x97: {  	v0 =	vadd.f32 v1, v0;
	v27 =	vadd.f32 v3, v2;
	_ =	sdelay $0x1  }
0x98: {  	v0 =	vadd.f32 v27, v0;
	_ =	sdelay $0x1  }
0x99: {  	[tilespmem:s30+$0x14A30] =	vst v0  }
0x9a: {  	v0 =	vld [tilespmem:s29+$0xFFFFFB40]  }
0x9b: {  	v28 =	vld [tilespmem:s29+$0xFFFFFBC0]  }
0x9c: {  	v29 =	vld [tilespmem:s29+$0xFFFFFC40]  }
0x9d: {  	v30 =	vld [tilespmem:s29+$0xFFFFFCC0]  }
0x9e: {  	v31 =	vld [tilespmem:s29+$0xFFFFFD40]  }
0x9f: {  	v32 =	vld [tilespmem:s29+$0xFFFFFDC0]  }
0xa0: {  	v33 =	vld [tilespmem:s29+$0xFFFFFE40]  }
0xa1: {  	v34 =	vld [tilespmem:s29+$0xFFFFFEC0]  }
0xa2: {  	v35 =	vld [tilespmem:s29+$0xFFFFFF40]  }
0xa3: {  	v36 =	vld [tilespmem:s29+$0xFFFFFFC0]  }
0xa4: {  	v37 =	vld [tilespmem:s29+$0x40]  }
0xa5: {  	v38 =	vld [tilespmem:s29+$0xC0]  }
0xa6: {  	v39 =	vld [tilespmem:s29+$0x140]  }
0xa7: {  	v40 =	vld [tilespmem:s29+$0x1C0]  }
0xa8: {  	v41 =	vld [tilespmem:s29+$0x240]  }
0xa9: {  	v42 =	vld [tilespmem:s29+$0x2C0]  }
0xaa: {  	v43 =	vld [tilespmem:s29+$0x340]  }
0xab: {  	v44 =	vld [tilespmem:s29+$0x3C0];
	v0 =	vadd.f32 v31, v0;
	v1 =	vadd.f32 v32, v28  }
0xac: {  	v45 =	vld [tilespmem:s29+$0x440];
	v2 =	vadd.f32 v33, v29;
	v3 =	vadd.f32 v34, v30  }
0xad: {  	v46 =	vld [tilespmem:s29+$0x4C0];
	v0 =	vadd.f32 v35, v0;
	v1 =	vadd.f32 v36, v1  }
0xae: {  	v2 =	vadd.f32 v37, v2;
	v3 =	vadd.f32 v38, v3  }
0xaf: {  	v0 =	vadd.f32 v39, v0;
	v1 =	vadd.f32 v40, v1  }
0xb0: {  	v2 =	vadd.f32 v41, v2;
	v3 =	vadd.f32 v42, v3  }
0xb1: {  	v0 =	vadd.f32 v43, v0;
	v1 =	vadd.f32 v44, v1  }
0xb2: {  	v2 =	vadd.f32 v45, v2;
	v3 =	vadd.f32 v46, v3;
	_ =	sdelay $0x1  }
0xb3: {  	v0 =	vadd.f32 v1, v0;
	v47 =	vadd.f32 v3, v2;
	_ =	sdelay $0x1  }
0xb4: {  	v0 =	vadd.f32 v47, v0;
	_ =	sdelay $0x1  }
0xb5: {  	[tilespmem:s30+$0x14A40] =	vst v0  }
0xb6: {  	v0 =	vld [tilespmem:s29+$0xFFFFFB50]  }
0xb7: {  	v48 =	vld [tilespmem:s29+$0xFFFFFBD0]  }
0xb8: {  	v49 =	vld [tilespmem:s29+$0xFFFFFC50]  }
0xb9: {  	v50 =	vld [tilespmem:s29+$0xFFFFFCD0]  }
0xba: {  	v51 =	vld [tilespmem:s29+$0xFFFFFD50]  }
0xbb: {  	v52 =	vld [tilespmem:s29+$0xFFFFFDD0]  }
0xbc: {  	v53 =	vld [tilespmem:s29+$0xFFFFFE50]  }
0xbd: {  	v54 =	vld [tilespmem:s29+$0xFFFFFED0]  }
0xbe: {  	v55 =	vld [tilespmem:s29+$0xFFFFFF50]  }
0xbf: {  	v56 =	vld [tilespmem:s29+$0xFFFFFFD0]  }
0xc0: {  	v57 =	vld [tilespmem:s29+$0x50]  }
0xc1: {  	v58 =	vld [tilespmem:s29+$0xD0]  }
0xc2: {  	v59 =	vld [tilespmem:s29+$0x150]  }
0xc3: {  	v60 =	vld [tilespmem:s29+$0x1D0]  }
0xc4: {  	v61 =	vld [tilespmem:s29+$0x250]  }
0xc5: {  	v62 =	vld [tilespmem:s29+$0x2D0]  }
0xc6: {  	v63 =	vld [tilespmem:s29+$0x350]  }
0xc7: {  	v20 =	vld [tilespmem:s29+$0x3D0];
	v0 =	vadd.f32 v51, v0;
	v1 =	vadd.f32 v52, v48  }
0xc8: {  	v21 =	vld [tilespmem:s29+$0x450];
	v2 =	vadd.f32 v53, v49;
	v3 =	vadd.f32 v54, v50  }
0xc9: {  	v22 =	vld [tilespmem:s29+$0x4D0];
	v0 =	vadd.f32 v55, v0;
	v1 =	vadd.f32 v56, v1  }
0xca: {  	v2 =	vadd.f32 v57, v2;
	v3 =	vadd.f32 v58, v3  }
0xcb: {  	v0 =	vadd.f32 v59, v0;
	v1 =	vadd.f32 v60, v1  }
0xcc: {  	v2 =	vadd.f32 v61, v2;
	v3 =	vadd.f32 v62, v3  }
0xcd: {  	v0 =	vadd.f32 v63, v0;
	v1 =	vadd.f32 v20, v1  }
0xce: {  	v2 =	vadd.f32 v21, v2;
	v3 =	vadd.f32 v22, v3;
	_ =	sdelay $0x1  }
0xcf: {  	v0 =	vadd.f32 v1, v0;
	v23 =	vadd.f32 v3, v2;
	_ =	sdelay $0x1  }
0xd0: {  	v0 =	vadd.f32 v23, v0;
	_ =	sdelay $0x1  }
0xd1: {  	[tilespmem:s30+$0x14A50] =	vst v0  }
0xd2: {  	v0 =	vld [tilespmem:s29+$0xFFFFFB60]  }
0xd3: {  	v24 =	vld [tilespmem:s29+$0xFFFFFBE0]  }
0xd4: {  	v25 =	vld [tilespmem:s29+$0xFFFFFC60]  }
0xd5: {  	v26 =	vld [tilespmem:s29+$0xFFFFFCE0]  }
0xd6: {  	v27 =	vld [tilespmem:s29+$0xFFFFFD60]  }
0xd7: {  	v28 =	vld [tilespmem:s29+$0xFFFFFDE0]  }
0xd8: {  	v29 =	vld [tilespmem:s29+$0xFFFFFE60]  }
0xd9: {  	v30 =	vld [tilespmem:s29+$0xFFFFFEE0]  }
0xda: {  	v31 =	vld [tilespmem:s29+$0xFFFFFF60]  }
0xdb: {  	v32 =	vld [tilespmem:s29+$0xFFFFFFE0]  }
0xdc: {  	v33 =	vld [tilespmem:s29+$0x60]  }
0xdd: {  	v34 =	vld [tilespmem:s29+$0xE0]  }
0xde: {  	v35 =	vld [tilespmem:s29+$0x160]  }
0xdf: {  	v36 =	vld [tilespmem:s29+$0x1E0]  }
0xe0: {  	v37 =	vld [tilespmem:s29+$0x260]  }
0xe1: {  	v38 =	vld [tilespmem:s29+$0x2E0]  }
0xe2: {  	v39 =	vld [tilespmem:s29+$0x360]  }
0xe3: {  	v40 =	vld [tilespmem:s29+$0x3E0];
	v0 =	vadd.f32 v27, v0;
	v1 =	vadd.f32 v28, v24  }
0xe4: {  	v41 =	vld [tilespmem:s29+$0x460];
	v2 =	vadd.f32 v29, v25;
	v3 =	vadd.f32 v30, v26  }
0xe5: {  	v42 =	vld [tilespmem:s29+$0x4E0];
	v0 =	vadd.f32 v31, v0;
	v1 =	vadd.f32 v32, v1  }
0xe6: {  	v2 =	vadd.f32 v33, v2;
	v3 =	vadd.f32 v34, v3  }
0xe7: {  	v0 =	vadd.f32 v35, v0;
	v1 =	vadd.f32 v36, v1  }
0xe8: {  	v2 =	vadd.f32 v37, v2;
	v3 =	vadd.f32 v38, v3  }
0xe9: {  	v0 =	vadd.f32 v39, v0;
	v1 =	vadd.f32 v40, v1  }
0xea: {  	v2 =	vadd.f32 v41, v2;
	v3 =	vadd.f32 v42, v3;
	_ =	sdelay $0x1  }
0xeb: {  	v0 =	vadd.f32 v1, v0;
	v43 =	vadd.f32 v3, v2;
	_ =	sdelay $0x1  }
0xec: {  	v0 =	vadd.f32 v43, v0;
	_ =	sdelay $0x1  }
0xed: {  	[tilespmem:s30+$0x14A60] =	vst v0  }
0xee: {  	v0 =	vld [tilespmem:s29+$0xFFFFFB70]  }
0xef: {  	v44 =	vld [tilespmem:s29+$0xFFFFFBF0]  }
0xf0: {  	v45 =	vld [tilespmem:s29+$0xFFFFFC70]  }
0xf1: {  	v46 =	vld [tilespmem:s29+$0xFFFFFCF0]  }
0xf2: {  	v47 =	vld [tilespmem:s29+$0xFFFFFD70]  }
0xf3: {  	v48 =	vld [tilespmem:s29+$0xFFFFFDF0]  }
0xf4: {  	v49 =	vld [tilespmem:s29+$0xFFFFFE70]  }
0xf5: {  	v50 =	vld [tilespmem:s29+$0xFFFFFEF0]  }
0xf6: {  	v51 =	vld [tilespmem:s29+$0xFFFFFF70]  }
0xf7: {  	v52 =	vld [tilespmem:s29+$0xFFFFFFF0]  }
0xf8: {  	v53 =	vld [tilespmem:s29+$0x70]  }
0xf9: {  	v54 =	vld [tilespmem:s29+$0xF0]  }
0xfa: {  	v55 =	vld [tilespmem:s29+$0x170]  }
0xfb: {  	v56 =	vld [tilespmem:s29+$0x1F0]  }
0xfc: {  	v57 =	vld [tilespmem:s29+$0x270]  }
0xfd: {  	v58 =	vld [tilespmem:s29+$0x2F0]  }
0xfe: {  	v59 =	vld [tilespmem:s29+$0x370]  }
0xff: {  	v60 =	vld [tilespmem:s29+$0x3F0];
	v0 =	vadd.f32 v47, v0;
	v1 =	vadd.f32 v48, v44  }
0x100: {  	v61 =	vld [tilespmem:s29+$0x470];
	v2 =	vadd.f32 v49, v45;
	v3 =	vadd.f32 v50, v46  }
0x101: {  	v62 =	vld [tilespmem:s29+$0x4F0];
	v0 =	vadd.f32 v51, v0;
	v1 =	vadd.f32 v52, v1  }
0x102: {  	v2 =	vadd.f32 v53, v2;
	v3 =	vadd.f32 v54, v3  }
0x103: {  	v0 =	vadd.f32 v55, v0;
	v1 =	vadd.f32 v56, v1  }
0x104: {  	v2 =	vadd.f32 v57, v2;
	v3 =	vadd.f32 v58, v3  }
0x105: {  	v0 =	vadd.f32 v59, v0;
	v1 =	vadd.f32 v60, v1  }
0x106: {  	v2 =	vadd.f32 v61, v2;
	v3 =	vadd.f32 v62, v3  }
0x107: {  	p1 =	sne.s32 s28, $0x1E00  }
.Ltmp0:
0x108: {  	v0 =	vadd.f32 v1, v0;
	v63 =	vadd.f32 v3, v2;
	(pc) =	sbr.rel @p1 .LBB2_3-.Ltmp0, $3  }
0x109: {  	_ = 	snop  }
0x10a: {  	v0 =	vadd.f32 v63, v0;
	_ =	sdelay $0x1  }
0x10b: {  	s28 =	sadd.s32 $0x200, s28;
	s29 =	sadd.s32 $0xA00, s29;
	[tilespmem:s30+$0x14A70] =	vst v0  }
0x10c: {  	p1 =	sne.s32 s25, $0x3  }
.Ltmp1:
0x10d: {  	_ = 	snop;
	(pc) =	sbr.rel @p1 .LBB2_6-.Ltmp1, $4  }
0x10e: {  	_ = 	snop  }
0x10f: {  	s28 =	sshll.u32 s25, $0x9  }
0x110: {  	s28 =	sadd.s32 s28, s7  }
0x111: {  	[hbm4b:s28+s4] =	stream.linear.scatter [tilespmem:s18], [sflag:$0x4], $0x800, $0x38;
	[tilespmem:$0x16A80] =	vst v63  }
.Ltmp2:
0x112: {  	(pc) =	sbr.rel .LBB2_7-.Ltmp2, $4  }
0x113: {  	_ = 	snop  }
0x114: {  	_ =	swait.ge [sflag:s19], $0xA000  }
0x115: {  	[sflag:s19] =	ssyncset.done $0x0  }
0x116: {  	[sflag:s19] =	ssyncadd.s32 $0xFFFF6000  }
.LBB2_6:
0x117: {  	s28 =	smul.u32 $0xA00, s25;
	_ =	sdelay $0x1  }
0x118: {  	s28 =	sshra.s32 s28, $0x2  }
.Ltmp3:
0x119: {  	s28 =	sadd.s32 $0x280, s28;
	(pc) =	sbr.rel @p0 .LBB2_8-.Ltmp3, $4  }
0x11a: {  	[tilespmem:s12], [sflag:$0x1] =	stream.indirect.gather [hbm4b:s1+s11], $0x80, s28, s11, $0xb8;
	[tilespmem:$0x16A80] =	vst v63  }
0x11b: {  	_ =	swait.ge [sflag:s19], $0xA000  }
0x11c: {  	[sflag:s19] =	ssyncset.done $0x0  }
0x11d: {  	[sflag:s19] =	ssyncadd.s32 $0xFFFF6000  }
.LBB2_7:
0x11e: {  	_ =	swait.ge [sflag:s20], $0x800  }
0x11f: {  	[sflag:s20] =	ssyncset.done $0x0  }
0x120: {  	[sflag:s20] =	ssyncadd.s32 $0xFFFFF800  }
.LBB2_8:
0x121: {  	s28 =	simm.s32 $0x0;
	s29 =	simm.s32 $0xAF00  }
.LBB2_9:
0x122: {  	v0 =	vld [tilespmem:s29+$0xFFFFFB00]  }
0x123: {  	v1 =	vld [tilespmem:s29+$0xFFFFFB80]  }
0x124: {  	v2 =	vld [tilespmem:s29+$0xFFFFFC00]  }
0x125: {  	v3 =	vld [tilespmem:s29+$0xFFFFFC80]  }
0x126: {  	v4 =	vld [tilespmem:s29+$0xFFFFFD00]  }
0x127: {  	v5 =	vld [tilespmem:s29+$0xFFFFFD80]  }
0x128: {  	v6 =	vld [tilespmem:s29+$0xFFFFFE00]  }
0x129: {  	v7 =	vld [tilespmem:s29+$0xFFFFFE80]  }
0x12a: {  	v8 =	vld [tilespmem:s29+$0xFFFFFF00]  }
0x12b: {  	v9 =	vld [tilespmem:s29+$0xFFFFFF80]  }
0x12c: {  	v10 =	vld [tilespmem:s29+$0x0]  }
0x12d: {  	v11 =	vld [tilespmem:s29+$0x80]  }
0x12e: {  	v12 =	vld [tilespmem:s29+$0x100]  }
0x12f: {  	v13 =	vld [tilespmem:s29+$0x180]  }
0x130: {  	v14 =	vld [tilespmem:s29+$0x200]  }
0x131: {  	v15 =	vld [tilespmem:s29+$0x280]  }
0x132: {  	v16 =	vld [tilespmem:s29+$0x300]  }
0x133: {  	v52 =	vld [tilespmem:s29+$0x380];
	v0 =	vadd.f32 v4, v0;
	v1 =	vadd.f32 v5, v1  }
0x134: {  	v53 =	vld [tilespmem:s29+$0x400];
	v2 =	vadd.f32 v6, v2;
	v3 =	vadd.f32 v7, v3  }
0x135: {  	v54 =	vld [tilespmem:s29+$0x480];
	v0 =	vadd.f32 v8, v0;
	v1 =	vadd.f32 v9, v1  }
0x136: {  	v2 =	vadd.f32 v10, v2;
	v3 =	vadd.f32 v11, v3  }
0x137: {  	v0 =	vadd.f32 v12, v0;
	v1 =	vadd.f32 v13, v1  }
0x138: {  	v2 =	vadd.f32 v14, v2;
	v3 =	vadd.f32 v15, v3  }
0x139: {  	v0 =	vadd.f32 v16, v0;
	v1 =	vadd.f32 v52, v1  }
0x13a: {  	v2 =	vadd.f32 v53, v2;
	v3 =	vadd.f32 v54, v3;
	_ =	sdelay $0x1  }
0x13b: {  	v0 =	vadd.f32 v1, v0;
	v55 =	vadd.f32 v3, v2;
	_ =	sdelay $0x1  }
0x13c: {  	v0 =	vadd.f32 v55, v0  }
0x13d: {  	s30 =	sshra.s32 s28, $0x2  }
0x13e: {  	[tilespmem:s30+$0x15200] =	vst v0  }
0x13f: {  	v0 =	vld [tilespmem:s29+$0xFFFFFB10]  }
0x140: {  	v56 =	vld [tilespmem:s29+$0xFFFFFB90]  }
0x141: {  	v57 =	vld [tilespmem:s29+$0xFFFFFC10]  }
0x142: {  	v58 =	vld [tilespmem:s29+$0xFFFFFC90]  }
0x143: {  	v59 =	vld [tilespmem:s29+$0xFFFFFD10]  }
0x144: {  	v60 =	vld [tilespmem:s29+$0xFFFFFD90]  }
0x145: {  	v61 =	vld [tilespmem:s29+$0xFFFFFE10]  }
0x146: {  	v62 =	vld [tilespmem:s29+$0xFFFFFE90]  }
0x147: {  	v63 =	vld [tilespmem:s29+$0xFFFFFF10]  }
0x148: {  	v20 =	vld [tilespmem:s29+$0xFFFFFF90]  }
0x149: {  	v21 =	vld [tilespmem:s29+$0x10]  }
0x14a: {  	v22 =	vld [tilespmem:s29+$0x90]  }
0x14b: {  	v23 =	vld [tilespmem:s29+$0x110]  }
0x14c: {  	v24 =	vld [tilespmem:s29+$0x190]  }
0x14d: {  	v25 =	vld [tilespmem:s29+$0x210]  }
0x14e: {  	v26 =	vld [tilespmem:s29+$0x290]  }
0x14f: {  	v27 =	vld [tilespmem:s29+$0x310]  }
0x150: {  	v28 =	vld [tilespmem:s29+$0x390];
	v0 =	vadd.f32 v59, v0;
	v1 =	vadd.f32 v60, v56  }
0x151: {  	v29 =	vld [tilespmem:s29+$0x410];
	v2 =	vadd.f32 v61, v57;
	v3 =	vadd.f32 v62, v58  }
0x152: {  	v30 =	vld [tilespmem:s29+$0x490];
	v0 =	vadd.f32 v63, v0;
	v1 =	vadd.f32 v20, v1  }
0x153: {  	v2 =	vadd.f32 v21, v2;
	v3 =	vadd.f32 v22, v3  }
0x154: {  	v0 =	vadd.f32 v23, v0;
	v1 =	vadd.f32 v24, v1  }
0x155: {  	v2 =	vadd.f32 v25, v2;
	v3 =	vadd.f32 v26, v3  }
0x156: {  	v0 =	vadd.f32 v27, v0;
	v1 =	vadd.f32 v28, v1  }
0x157: {  	v2 =	vadd.f32 v29, v2;
	v3 =	vadd.f32 v30, v3;
	_ =	sdelay $0x1  }
0x158: {  	v0 =	vadd.f32 v1, v0;
	v31 =	vadd.f32 v3, v2;
	_ =	sdelay $0x1  }
0x159: {  	v0 =	vadd.f32 v31, v0;
	_ =	sdelay $0x1  }
0x15a: {  	[tilespmem:s30+$0x15210] =	vst v0  }
0x15b: {  	v0 =	vld [tilespmem:s29+$0xFFFFFB20]  }
0x15c: {  	v32 =	vld [tilespmem:s29+$0xFFFFFBA0]  }
0x15d: {  	v33 =	vld [tilespmem:s29+$0xFFFFFC20]  }
0x15e: {  	v34 =	vld [tilespmem:s29+$0xFFFFFCA0]  }
0x15f: {  	v35 =	vld [tilespmem:s29+$0xFFFFFD20]  }
0x160: {  	v36 =	vld [tilespmem:s29+$0xFFFFFDA0]  }
0x161: {  	v37 =	vld [tilespmem:s29+$0xFFFFFE20]  }
0x162: {  	v38 =	vld [tilespmem:s29+$0xFFFFFEA0]  }
0x163: {  	v39 =	vld [tilespmem:s29+$0xFFFFFF20]  }
0x164: {  	v40 =	vld [tilespmem:s29+$0xFFFFFFA0]  }
0x165: {  	v41 =	vld [tilespmem:s29+$0x20]  }
0x166: {  	v42 =	vld [tilespmem:s29+$0xA0]  }
0x167: {  	v43 =	vld [tilespmem:s29+$0x120]  }
0x168: {  	v44 =	vld [tilespmem:s29+$0x1A0]  }
0x169: {  	v45 =	vld [tilespmem:s29+$0x220]  }
0x16a: {  	v46 =	vld [tilespmem:s29+$0x2A0]  }
0x16b: {  	v47 =	vld [tilespmem:s29+$0x320]  }
0x16c: {  	v48 =	vld [tilespmem:s29+$0x3A0];
	v0 =	vadd.f32 v35, v0;
	v1 =	vadd.f32 v36, v32  }
0x16d: {  	v49 =	vld [tilespmem:s29+$0x420];
	v2 =	vadd.f32 v37, v33;
	v3 =	vadd.f32 v38, v34  }
0x16e: {  	v50 =	vld [tilespmem:s29+$0x4A0];
	v0 =	vadd.f32 v39, v0;
	v1 =	vadd.f32 v40, v1  }
0x16f: {  	v2 =	vadd.f32 v41, v2;
	v3 =	vadd.f32 v42, v3  }
0x170: {  	v0 =	vadd.f32 v43, v0;
	v1 =	vadd.f32 v44, v1  }
0x171: {  	v2 =	vadd.f32 v45, v2;
	v3 =	vadd.f32 v46, v3  }
0x172: {  	v0 =	vadd.f32 v47, v0;
	v1 =	vadd.f32 v48, v1  }
0x173: {  	v2 =	vadd.f32 v49, v2;
	v3 =	vadd.f32 v50, v3;
	_ =	sdelay $0x1  }
0x174: {  	v0 =	vadd.f32 v1, v0;
	v51 =	vadd.f32 v3, v2;
	_ =	sdelay $0x1  }
0x175: {  	v0 =	vadd.f32 v51, v0;
	_ =	sdelay $0x1  }
0x176: {  	[tilespmem:s30+$0x15220] =	vst v0  }
0x177: {  	v0 =	vld [tilespmem:s29+$0xFFFFFB30]  }
0x178: {  	v52 =	vld [tilespmem:s29+$0xFFFFFBB0]  }
0x179: {  	v53 =	vld [tilespmem:s29+$0xFFFFFC30]  }
0x17a: {  	v54 =	vld [tilespmem:s29+$0xFFFFFCB0]  }
0x17b: {  	v55 =	vld [tilespmem:s29+$0xFFFFFD30]  }
0x17c: {  	v56 =	vld [tilespmem:s29+$0xFFFFFDB0]  }
0x17d: {  	v57 =	vld [tilespmem:s29+$0xFFFFFE30]  }
0x17e: {  	v58 =	vld [tilespmem:s29+$0xFFFFFEB0]  }
0x17f: {  	v59 =	vld [tilespmem:s29+$0xFFFFFF30]  }
0x180: {  	v60 =	vld [tilespmem:s29+$0xFFFFFFB0]  }
0x181: {  	v61 =	vld [tilespmem:s29+$0x30]  }
0x182: {  	v62 =	vld [tilespmem:s29+$0xB0]  }
0x183: {  	v63 =	vld [tilespmem:s29+$0x130]  }
0x184: {  	v20 =	vld [tilespmem:s29+$0x1B0]  }
0x185: {  	v21 =	vld [tilespmem:s29+$0x230]  }
0x186: {  	v22 =	vld [tilespmem:s29+$0x2B0]  }
0x187: {  	v23 =	vld [tilespmem:s29+$0x330]  }
0x188: {  	v24 =	vld [tilespmem:s29+$0x3B0];
	v0 =	vadd.f32 v55, v0;
	v1 =	vadd.f32 v56, v52  }
0x189: {  	v25 =	vld [tilespmem:s29+$0x430];
	v2 =	vadd.f32 v57, v53;
	v3 =	vadd.f32 v58, v54  }
0x18a: {  	v26 =	vld [tilespmem:s29+$0x4B0];
	v0 =	vadd.f32 v59, v0;
	v1 =	vadd.f32 v60, v1  }
0x18b: {  	v2 =	vadd.f32 v61, v2;
	v3 =	vadd.f32 v62, v3  }
0x18c: {  	v0 =	vadd.f32 v63, v0;
	v1 =	vadd.f32 v20, v1  }
0x18d: {  	v2 =	vadd.f32 v21, v2;
	v3 =	vadd.f32 v22, v3  }
0x18e: {  	v0 =	vadd.f32 v23, v0;
	v1 =	vadd.f32 v24, v1  }
0x18f: {  	v2 =	vadd.f32 v25, v2;
	v3 =	vadd.f32 v26, v3;
	_ =	sdelay $0x1  }
0x190: {  	v0 =	vadd.f32 v1, v0;
	v27 =	vadd.f32 v3, v2;
	_ =	sdelay $0x1  }
0x191: {  	v0 =	vadd.f32 v27, v0;
	_ =	sdelay $0x1  }
0x192: {  	[tilespmem:s30+$0x15230] =	vst v0  }
0x193: {  	v0 =	vld [tilespmem:s29+$0xFFFFFB40]  }
0x194: {  	v28 =	vld [tilespmem:s29+$0xFFFFFBC0]  }
0x195: {  	v29 =	vld [tilespmem:s29+$0xFFFFFC40]  }
0x196: {  	v30 =	vld [tilespmem:s29+$0xFFFFFCC0]  }
0x197: {  	v31 =	vld [tilespmem:s29+$0xFFFFFD40]  }
0x198: {  	v32 =	vld [tilespmem:s29+$0xFFFFFDC0]  }
0x199: {  	v33 =	vld [tilespmem:s29+$0xFFFFFE40]  }
0x19a: {  	v34 =	vld [tilespmem:s29+$0xFFFFFEC0]  }
0x19b: {  	v35 =	vld [tilespmem:s29+$0xFFFFFF40]  }
0x19c: {  	v36 =	vld [tilespmem:s29+$0xFFFFFFC0]  }
0x19d: {  	v37 =	vld [tilespmem:s29+$0x40]  }
0x19e: {  	v38 =	vld [tilespmem:s29+$0xC0]  }
0x19f: {  	v39 =	vld [tilespmem:s29+$0x140]  }
0x1a0: {  	v40 =	vld [tilespmem:s29+$0x1C0]  }
0x1a1: {  	v41 =	vld [tilespmem:s29+$0x240]  }
0x1a2: {  	v42 =	vld [tilespmem:s29+$0x2C0]  }
0x1a3: {  	v43 =	vld [tilespmem:s29+$0x340]  }
0x1a4: {  	v44 =	vld [tilespmem:s29+$0x3C0];
	v0 =	vadd.f32 v31, v0;
	v1 =	vadd.f32 v32, v28  }
0x1a5: {  	v45 =	vld [tilespmem:s29+$0x440];
	v2 =	vadd.f32 v33, v29;
	v3 =	vadd.f32 v34, v30  }
0x1a6: {  	v46 =	vld [tilespmem:s29+$0x4C0];
	v0 =	vadd.f32 v35, v0;
	v1 =	vadd.f32 v36, v1  }
0x1a7: {  	v2 =	vadd.f32 v37, v2;
	v3 =	vadd.f32 v38, v3  }
0x1a8: {  	v0 =	vadd.f32 v39, v0;
	v1 =	vadd.f32 v40, v1  }
0x1a9: {  	v2 =	vadd.f32 v41, v2;
	v3 =	vadd.f32 v42, v3  }
0x1aa: {  	v0 =	vadd.f32 v43, v0;
	v1 =	vadd.f32 v44, v1  }
0x1ab: {  	v2 =	vadd.f32 v45, v2;
	v3 =	vadd.f32 v46, v3;
	_ =	sdelay $0x1  }
0x1ac: {  	v0 =	vadd.f32 v1, v0;
	v47 =	vadd.f32 v3, v2;
	_ =	sdelay $0x1  }
0x1ad: {  	v0 =	vadd.f32 v47, v0;
	_ =	sdelay $0x1  }
0x1ae: {  	[tilespmem:s30+$0x15240] =	vst v0  }
0x1af: {  	v0 =	vld [tilespmem:s29+$0xFFFFFB50]  }
0x1b0: {  	v48 =	vld [tilespmem:s29+$0xFFFFFBD0]  }
0x1b1: {  	v49 =	vld [tilespmem:s29+$0xFFFFFC50]  }
0x1b2: {  	v50 =	vld [tilespmem:s29+$0xFFFFFCD0]  }
0x1b3: {  	v51 =	vld [tilespmem:s29+$0xFFFFFD50]  }
0x1b4: {  	v52 =	vld [tilespmem:s29+$0xFFFFFDD0]  }
0x1b5: {  	v53 =	vld [tilespmem:s29+$0xFFFFFE50]  }
0x1b6: {  	v54 =	vld [tilespmem:s29+$0xFFFFFED0]  }
0x1b7: {  	v55 =	vld [tilespmem:s29+$0xFFFFFF50]  }
0x1b8: {  	v56 =	vld [tilespmem:s29+$0xFFFFFFD0]  }
0x1b9: {  	v57 =	vld [tilespmem:s29+$0x50]  }
0x1ba: {  	v58 =	vld [tilespmem:s29+$0xD0]  }
0x1bb: {  	v59 =	vld [tilespmem:s29+$0x150]  }
0x1bc: {  	v60 =	vld [tilespmem:s29+$0x1D0]  }
0x1bd: {  	v61 =	vld [tilespmem:s29+$0x250]  }
0x1be: {  	v62 =	vld [tilespmem:s29+$0x2D0]  }
0x1bf: {  	v63 =	vld [tilespmem:s29+$0x350]  }
0x1c0: {  	v20 =	vld [tilespmem:s29+$0x3D0];
	v0 =	vadd.f32 v51, v0;
	v1 =	vadd.f32 v52, v48  }
0x1c1: {  	v21 =	vld [tilespmem:s29+$0x450];
	v2 =	vadd.f32 v53, v49;
	v3 =	vadd.f32 v54, v50  }
0x1c2: {  	v22 =	vld [tilespmem:s29+$0x4D0];
	v0 =	vadd.f32 v55, v0;
	v1 =	vadd.f32 v56, v1  }
0x1c3: {  	v2 =	vadd.f32 v57, v2;
	v3 =	vadd.f32 v58, v3  }
0x1c4: {  	v0 =	vadd.f32 v59, v0;
	v1 =	vadd.f32 v60, v1  }
0x1c5: {  	v2 =	vadd.f32 v61, v2;
	v3 =	vadd.f32 v62, v3  }
0x1c6: {  	v0 =	vadd.f32 v63, v0;
	v1 =	vadd.f32 v20, v1  }
0x1c7: {  	v2 =	vadd.f32 v21, v2;
	v3 =	vadd.f32 v22, v3;
	_ =	sdelay $0x1  }
0x1c8: {  	v0 =	vadd.f32 v1, v0;
	v23 =	vadd.f32 v3, v2;
	_ =	sdelay $0x1  }
0x1c9: {  	v0 =	vadd.f32 v23, v0;
	_ =	sdelay $0x1  }
0x1ca: {  	[tilespmem:s30+$0x15250] =	vst v0  }
0x1cb: {  	v0 =	vld [tilespmem:s29+$0xFFFFFB60]  }
0x1cc: {  	v24 =	vld [tilespmem:s29+$0xFFFFFBE0]  }
0x1cd: {  	v25 =	vld [tilespmem:s29+$0xFFFFFC60]  }
0x1ce: {  	v26 =	vld [tilespmem:s29+$0xFFFFFCE0]  }
0x1cf: {  	v27 =	vld [tilespmem:s29+$0xFFFFFD60]  }
0x1d0: {  	v28 =	vld [tilespmem:s29+$0xFFFFFDE0]  }
0x1d1: {  	v29 =	vld [tilespmem:s29+$0xFFFFFE60]  }
0x1d2: {  	v30 =	vld [tilespmem:s29+$0xFFFFFEE0]  }
0x1d3: {  	v31 =	vld [tilespmem:s29+$0xFFFFFF60]  }
0x1d4: {  	v32 =	vld [tilespmem:s29+$0xFFFFFFE0]  }
0x1d5: {  	v33 =	vld [tilespmem:s29+$0x60]  }
0x1d6: {  	v34 =	vld [tilespmem:s29+$0xE0]  }
0x1d7: {  	v35 =	vld [tilespmem:s29+$0x160]  }
0x1d8: {  	v36 =	vld [tilespmem:s29+$0x1E0]  }
0x1d9: {  	v37 =	vld [tilespmem:s29+$0x260]  }
0x1da: {  	v38 =	vld [tilespmem:s29+$0x2E0]  }
0x1db: {  	v39 =	vld [tilespmem:s29+$0x360]  }
0x1dc: {  	v40 =	vld [tilespmem:s29+$0x3E0];
	v0 =	vadd.f32 v27, v0;
	v1 =	vadd.f32 v28, v24  }
0x1dd: {  	v41 =	vld [tilespmem:s29+$0x460];
	v2 =	vadd.f32 v29, v25;
	v3 =	vadd.f32 v30, v26  }
0x1de: {  	v42 =	vld [tilespmem:s29+$0x4E0];
	v0 =	vadd.f32 v31, v0;
	v1 =	vadd.f32 v32, v1  }
0x1df: {  	v2 =	vadd.f32 v33, v2;
	v3 =	vadd.f32 v34, v3  }
0x1e0: {  	v0 =	vadd.f32 v35, v0;
	v1 =	vadd.f32 v36, v1  }
0x1e1: {  	v2 =	vadd.f32 v37, v2;
	v3 =	vadd.f32 v38, v3  }
0x1e2: {  	v0 =	vadd.f32 v39, v0;
	v1 =	vadd.f32 v40, v1  }
0x1e3: {  	v2 =	vadd.f32 v41, v2;
	v3 =	vadd.f32 v42, v3;
	_ =	sdelay $0x1  }
0x1e4: {  	v0 =	vadd.f32 v1, v0;
	v43 =	vadd.f32 v3, v2;
	_ =	sdelay $0x1  }
0x1e5: {  	v0 =	vadd.f32 v43, v0;
	_ =	sdelay $0x1  }
0x1e6: {  	[tilespmem:s30+$0x15260] =	vst v0  }
0x1e7: {  	v0 =	vld [tilespmem:s29+$0xFFFFFB70]  }
0x1e8: {  	v44 =	vld [tilespmem:s29+$0xFFFFFBF0]  }
0x1e9: {  	v45 =	vld [tilespmem:s29+$0xFFFFFC70]  }
0x1ea: {  	v46 =	vld [tilespmem:s29+$0xFFFFFCF0]  }
0x1eb: {  	v47 =	vld [tilespmem:s29+$0xFFFFFD70]  }
0x1ec: {  	v48 =	vld [tilespmem:s29+$0xFFFFFDF0]  }
0x1ed: {  	v49 =	vld [tilespmem:s29+$0xFFFFFE70]  }
0x1ee: {  	v50 =	vld [tilespmem:s29+$0xFFFFFEF0]  }
0x1ef: {  	v51 =	vld [tilespmem:s29+$0xFFFFFF70]  }
0x1f0: {  	v52 =	vld [tilespmem:s29+$0xFFFFFFF0]  }
0x1f1: {  	v53 =	vld [tilespmem:s29+$0x70]  }
0x1f2: {  	v54 =	vld [tilespmem:s29+$0xF0]  }
0x1f3: {  	v55 =	vld [tilespmem:s29+$0x170]  }
0x1f4: {  	v56 =	vld [tilespmem:s29+$0x1F0]  }
0x1f5: {  	v57 =	vld [tilespmem:s29+$0x270]  }
0x1f6: {  	v58 =	vld [tilespmem:s29+$0x2F0]  }
0x1f7: {  	v59 =	vld [tilespmem:s29+$0x370]  }
0x1f8: {  	v60 =	vld [tilespmem:s29+$0x3F0];
	v0 =	vadd.f32 v47, v0;
	v1 =	vadd.f32 v48, v44  }
0x1f9: {  	v61 =	vld [tilespmem:s29+$0x470];
	v2 =	vadd.f32 v49, v45;
	v3 =	vadd.f32 v50, v46  }
0x1fa: {  	v62 =	vld [tilespmem:s29+$0x4F0];
	v0 =	vadd.f32 v51, v0;
	v1 =	vadd.f32 v52, v1  }
0x1fb: {  	v2 =	vadd.f32 v53, v2;
	v3 =	vadd.f32 v54, v3  }
0x1fc: {  	v0 =	vadd.f32 v55, v0;
	v1 =	vadd.f32 v56, v1  }
0x1fd: {  	v2 =	vadd.f32 v57, v2;
	v3 =	vadd.f32 v58, v3  }
0x1fe: {  	v0 =	vadd.f32 v59, v0;
	v1 =	vadd.f32 v60, v1  }
0x1ff: {  	v2 =	vadd.f32 v61, v2;
	v3 =	vadd.f32 v62, v3  }
0x200: {  	p0 =	sne.s32 s28, $0x1E00  }
.Ltmp4:
0x201: {  	v0 =	vadd.f32 v1, v0;
	v63 =	vadd.f32 v3, v2;
	(pc) =	sbr.rel @p0 .LBB2_9-.Ltmp4, $3  }
0x202: {  	_ = 	snop  }
0x203: {  	v0 =	vadd.f32 v63, v0;
	_ =	sdelay $0x1  }
0x204: {  	s28 =	sadd.s32 $0x200, s28;
	s29 =	sadd.s32 $0xA00, s29;
	[tilespmem:s30+$0x15270] =	vst v0  }
0x205: {  	s25 =	sadd.s32 $0x1, s25  }
0x206: {  	p0 =	sne.s32 s25, $0x4  }
.Ltmp5:
0x207: {  	_ = 	snop;
	(pc) =	sbr.rel @p0 .LBB2_2-.Ltmp5, $4  }
0x208: {  	_ = 	snop  }
0x209: {  	s26 =	sshll.u32 s26, $0x8  }
0x20a: {  	s26 =	sadd.s32 s26, s7  }
0x20b: {  	[hbm4b:s26+s4] =	stream.linear.scatter [tilespmem:s21], [sflag:$0x5], $0x800, $0x38;
	[tilespmem:$0x16A80] =	vst v63  }
0x20c: {  	_ =	swait.ge [sflag:s22], $0x800  }
0x20d: {  	[sflag:s22] =	ssyncset.done $0x0  }
0x20e: {  	[sflag:s22] =	ssyncadd.s32 $0xFFFFF800  }
0x20f: {  	_ =	swait.ge [sflag:s20], $0x800  }
0x210: {  	[sflag:s20] =	ssyncset.done $0x0  }
0x211: {  	[sflag:s20] =	ssyncadd.s32 $0xFFFFF800  }
0x212: {  	s24 =	sadd.s32 $0x1, s24;
	_ =	swait.ge [sflag:s23], $0x1000  }
0x213: {  	p0 =	sne.s32 s24, s9;
	[sflag:s23] =	ssyncset.done $0x0  }
.Ltmp6:
0x214: {  	[sflag:s23] =	ssyncadd.s32 $0xFFFFF000;
	(pc) =	sbr.rel @p0 .LBB2_1-.Ltmp6, $4  }
0x215: {  	[hbm4b:s8+s4] =	stream.linear.scatter [tilespmem:s15], [sflag:$0x6], $0x1000, $0x38;
	[tilespmem:$0x16A80] =	vst v63  }
0x216: {  	_ =	swait.ge [sflag:s10], $0x1000  }
0x217: {  	[sflag:s10] =	ssyncset.done $0x0  }
0x218: {  	[sflag:s10] =	ssyncadd.s32 $0xFFFFF000  }
0x219: {  	_ =	sfence.sel $0x180000  }
0x21a: {  	[bflag:$0x0] =	sbarrier.arrive $0xFFFF  }
0x21b: {  	p0 =	sne.s32 s3, $0x0;
	_ =	strace $0x90000047  }
0x21c: {  	s0 =	sadd.s32 @!p0 $0x100000, s0;
	[bflag:$0x2] =	sbarrier.arrive $0xFFFF  }
0x21d: {  	[sflag:s0] =	ssyncadd.tile.s32 @!p0 $0x1;
	_ =	shalt  }
.Lfunc_end2:
_tile_overlayer_lowered:
.L_overlay_start_2:
0x21e: {  	(tag) =	ssettag $0x2  }
0x21f: {  	s0 =	rddreg [dreg:$0x0];
	s2 =	stileid.u32  }
0x220: {  	s1 =	rddreg [dreg:$0x1];
	p0 =	sne.s32 s2, $0x0  }
0x221: {  	s3 =	rddreg [dreg:$0x2];
	[bflag:$0x3] =	sbarrier.arrive $0xFFFF;
	s2 =	simm.s32 @!p0 $0x1C06  }
0x222: {  	[timem:s3], [sflag:s2] =	dma.local @!p0 [hbm:s0], s1  }
0x223: {  	s0 =	simm.s32 @!p0 $0x6  }
0x224: {  	_ =	swait.ge @!p0 [sflag:s0], s1  }
0x225: {  	s1 =	ssub.s32 @!p0 $0x0, s1;
	[sflag:s0] =	ssyncset.done @!p0 $0x0  }
0x226: {  	[sflag:s0] =	ssyncadd.s32 @!p0 s1  }
0x227: {  	[bflag:$0x3] =	sbarrier.arrive $0xFFFF  }
0x228: {  	_ =	shalt  }

</sc_bundles>
